<compile_context>
chip_gen: v7x
topology: tpu7x:2x2x1
jax: 0.10.2.dev20260603
libtpu: 0.0.44.dev20260713+nightly
codegen_flags: <defaults>
</compile_context>

<pallas_src>
import functools

import jax
import jax.numpy as jnp
from jax import lax
from jax.experimental import pallas as pl
from jax.experimental.pallas import tpu as pltpu
from jax.experimental.pallas import tpu_sc as plsc

N = 10000
D = 256
E = 160000
G = 64
HALF = 128

NP = 10240
EP = 163840
NCHUNK = EP // 128
ROWS_PER_TILE = NP // 16
CHUNKS_PER_TILE = NCHUNK // 16
SUPERS = CHUNKS_PER_TILE // 8
NSTRIPE = ROWS_PER_TILE // 128

B = 512
NB = NP // B

_MESH = plsc.VectorSubcoreMesh(
    core_axis_name="c", subcore_axis_name="s", num_cores=2, num_subcores=16)


CH = 128
NBUF = 2
C64 = EP // CH
C64_PER_TILE = C64 // 16
SUP64 = 8
NSUP64 = C64_PER_TILE // SUP64


def _sc_agg_body(h2, srcx, dst2, zrow, agg_out, sidx, didx, r0, r1,
                 agg_sh, g0, g1):
  c = lax.axis_index("c")
  s = lax.axis_index("s")
  rbase = s * ROWS_PER_TILE

  pltpu.sync_copy(zrow, r0)
  for m in range(NSTRIPE):
    pltpu.sync_copy(r0, agg_sh.at[pl.ds(rbase + m * 128, 128)])
  plsc.subcore_barrier()

  cb0 = s * C64_PER_TILE
  sbase = c * C64 + cb0

  rows = (r0, r1)
  gsem = (g0, g1)

  pltpu.sync_copy(srcx.at[pl.ds(sbase, C64_PER_TILE)], sidx)
  for u in range(NBUF):
    pltpu.async_copy(h2.at[sidx.at[u]], rows[u], gsem[u])

  def super_body(k):
    kb = k * SUP64
    pltpu.sync_copy(dst2.at[pl.ds(cb0 + kb, SUP64)], didx)
    for p in range(SUP64):
      u = p % NBUF
      pltpu.make_async_copy(h2.at[sidx.at[kb + p]], rows[u], gsem[u]).wait()
      pltpu.sync_copy(rows[u], agg_sh.at[didx.at[p]], add=True)

      @pl.when(kb + p + NBUF < C64_PER_TILE)
      def _():
        pltpu.async_copy(h2.at[sidx.at[kb + p + NBUF]], rows[u], gsem[u])

  pl.loop(0, NSUP64)(super_body)

  plsc.subcore_barrier()
  for m in range(NSTRIPE):
    pltpu.sync_copy(agg_sh.at[pl.ds(rbase + m * 128, 128)], r0)
    pltpu.sync_copy(r0, agg_out.at[pl.ds(c * NP + rbase + m * 128, 128)])


_sc_agg = pl.kernel(
    _sc_agg_body,
    out_type=jax.ShapeDtypeStruct((2 * NP, HALF), jnp.float32),
    mesh=_MESH,
    scratch_types=[
        pltpu.VMEM((C64_PER_TILE, CH), jnp.int32),
        pltpu.VMEM((SUP64, CH), jnp.int32),
        pltpu.VMEM((CH, HALF), jnp.float32),
        pltpu.VMEM((CH, HALF), jnp.float32),
        pltpu.VMEM_SHARED((NP, HALF), jnp.float32),
        pltpu.SemaphoreType.DMA,
        pltpu.SemaphoreType.DMA,
    ],
)


def _sc_deg_body(dst2, zrow, onesr, deg_out, didx, onesv, buf, deg_sh):
  c = lax.axis_index("c")
  s = lax.axis_index("s")
  rbase = s * ROWS_PER_TILE

  pltpu.sync_copy(onesr.at[pl.ds(0, CH)], onesv)
  pltpu.sync_copy(zrow, buf)
  for m in range(NSTRIPE):
    pltpu.sync_copy(buf, deg_sh.at[pl.ds(rbase + m * 128, 128)])
  plsc.subcore_barrier()

  chalf = C64 // 2
  cb0 = c * chalf + s * (chalf // 16)

  def super_body(k):
    pltpu.sync_copy(dst2.at[pl.ds(cb0 + k * SUP64, SUP64)], didx)
    for j in range(SUP64):
      pltpu.sync_copy(onesv, deg_sh.at[didx.at[j]], add=True)

  pl.loop(0, chalf // 16 // SUP64)(super_body)

  plsc.subcore_barrier()
  for m in range(NSTRIPE):
    pltpu.sync_copy(deg_sh.at[pl.ds(rbase + m * 128, 128)], buf)
    pltpu.sync_copy(buf, deg_out.at[pl.ds(c * NP + rbase + m * 128, 128)])


_sc_deg = pl.kernel(
    _sc_deg_body,
    out_type=jax.ShapeDtypeStruct((2 * NP, HALF), jnp.float32),
    mesh=_MESH,
    scratch_types=[
        pltpu.VMEM((SUP64, CH), jnp.int32),
        pltpu.VMEM((CH, HALF), jnp.float32),
        pltpu.VMEM((128, HALF), jnp.float32),
        pltpu.VMEM_SHARED((NP, HALF), jnp.float32),
    ],
)


def _t1_body(agg_ref, deg_ref, x_ref, wl0_ref, wl1_ref, wr_ref, b_ref,
             out_ref):
  r = 1.0 / jnp.maximum(deg_ref[0] + deg_ref[1], 1.0)
  a0 = agg_ref[0] * r
  a1 = agg_ref[1] * r
  h = jnp.dot(a0, wl0_ref[...], preferred_element_type=jnp.float32)
  h = h + jnp.dot(a1, wl1_ref[...], preferred_element_type=jnp.float32)
  h = h + jnp.dot(x_ref[...], wr_ref[...], preferred_element_type=jnp.float32)
  h = h + b_ref[0:1]
  h = jnp.maximum(h, 0.0)
  out_ref[0] = h[:, :HALF]
  out_ref[1] = h[:, HALF:]


_t1 = pl.pallas_call(
    _t1_body,
    grid=(NB,),
    in_specs=[
        pl.BlockSpec((2, B, HALF), lambda i: (0, i, 0)),
        pl.BlockSpec((2, B, HALF), lambda i: (0, i, 0)),
        pl.BlockSpec((B, D), lambda i: (i, 0)),
        pl.BlockSpec((HALF, D), lambda i: (0, 0)),
        pl.BlockSpec((HALF, D), lambda i: (0, 0)),
        pl.BlockSpec((D, D), lambda i: (0, 0)),
        pl.BlockSpec((8, D), lambda i: (0, 0)),
    ],
    out_specs=pl.BlockSpec((2, B, HALF), lambda i: (0, i, 0)),
    out_shape=jax.ShapeDtypeStruct((2, NP, HALF), jnp.float32),
)


def _t2_body(agg_ref, deg_ref, h1_ref, wl0_ref, wl1_ref, wr0_ref, wr1_ref,
             b_ref, batch_ref, c1w_ref, c1b_ref, c2w_ref, c2b_ref, c3w_ref,
             c3b_ref, out_ref, psum, cnt):
  i = pl.program_id(0)

  @pl.when(i == 0)
  def _():
    psum[...] = jnp.zeros_like(psum)
    cnt[...] = jnp.zeros_like(cnt)

  r = 1.0 / jnp.maximum(deg_ref[0] + deg_ref[1], 1.0)
  a0 = agg_ref[0] * r
  a1 = agg_ref[1] * r
  h = jnp.dot(a0, wl0_ref[...], preferred_element_type=jnp.float32)
  h = h + jnp.dot(a1, wl1_ref[...], preferred_element_type=jnp.float32)
  h = h + jnp.dot(h1_ref[0], wr0_ref[...], preferred_element_type=jnp.float32)
  h = h + jnp.dot(h1_ref[1], wr1_ref[...], preferred_element_type=jnp.float32)
  h = h + b_ref[0:1]
  h2 = jnp.maximum(h, 0.0)

  b = batch_ref[0]
  gid = lax.broadcasted_iota(jnp.int32, (G, B), 0)
  rowid = lax.broadcasted_iota(jnp.int32, (G, B), 1) + i * B
  mask = jnp.where((b == gid) & (rowid < N), 1.0, 0.0)
  psum[...] += jnp.dot(mask, h2, preferred_element_type=jnp.float32)
  cnt[...] += jnp.sum(mask, axis=1, keepdims=True)

  @pl.when(i == NB - 1)
  def _():
    cw = cnt[:, 0:1]
    pooled = psum[...] / jnp.maximum(cw, 1.0)
    z = jnp.dot(pooled, c1w_ref[...], preferred_element_type=jnp.float32)
    z = jnp.maximum(z + c1b_ref[0:1], 0.0)
    z = jnp.dot(z, c2w_ref[...], preferred_element_type=jnp.float32)
    z = jnp.maximum(z + c2b_ref[0:1], 0.0)
    o = jnp.dot(z, c3w_ref[...], preferred_element_type=jnp.float32)
    out_ref[...] = o + c3b_ref[0:1]


_t2 = pl.pallas_call(
    _t2_body,
    grid=(NB,),
    in_specs=[
        pl.BlockSpec((2, B, HALF), lambda i: (0, i, 0)),
        pl.BlockSpec((2, B, HALF), lambda i: (0, i, 0)),
        pl.BlockSpec((2, B, HALF), lambda i: (0, i, 0)),
        pl.BlockSpec((HALF, D), lambda i: (0, 0)),
        pl.BlockSpec((HALF, D), lambda i: (0, 0)),
        pl.BlockSpec((HALF, D), lambda i: (0, 0)),
        pl.BlockSpec((HALF, D), lambda i: (0, 0)),
        pl.BlockSpec((8, D), lambda i: (0, 0)),
        pl.BlockSpec((1, 1, B), lambda i: (i, 0, 0)),
        pl.BlockSpec((D, HALF), lambda i: (0, 0)),
        pl.BlockSpec((8, HALF), lambda i: (0, 0)),
        pl.BlockSpec((HALF, HALF), lambda i: (0, 0)),
        pl.BlockSpec((8, HALF), lambda i: (0, 0)),
        pl.BlockSpec((HALF, HALF), lambda i: (0, 0)),
        pl.BlockSpec((8, HALF), lambda i: (0, 0)),
    ],
    out_specs=pl.BlockSpec((G, HALF), lambda i: (0, 0)),
    out_shape=jax.ShapeDtypeStruct((G, HALF), jnp.float32),
    scratch_shapes=[
        pltpu.VMEM((G, D), jnp.float32),
        pltpu.VMEM((G, HALF), jnp.float32),
    ],
)


def kernel(x, edge_index, batch, Wl1, bl1, Wr1, Wl2, bl2, Wr2,
           C1W, C1b, C2W, C2b, C3W, C3b):
  f32 = jnp.float32
  src = edge_index[0].astype(jnp.int32)
  dst = edge_index[1].astype(jnp.int32)

  pad_e = EP - E
  srcp = jnp.concatenate([src, jnp.zeros((pad_e,), jnp.int32)])
  srcx = jnp.concatenate([srcp, srcp + NP]).reshape(2 * C64, CH)
  dst2 = jnp.concatenate([dst, jnp.full((pad_e,), N, jnp.int32)]).reshape(C64, CH)

  xp = jnp.pad(x, ((0, NP - N), (0, 0)))
  x2 = jnp.concatenate([xp[:, :HALF], xp[:, HALF:]], axis=0)

  zrow = jnp.zeros((128, HALF), f32)
  onesr = jnp.ones((128, HALF), f32)

  deg = _sc_deg(dst2, zrow, onesr).reshape(2, NP, HALF)
  agg1 = _sc_agg(x2, srcx, dst2, zrow).reshape(2, NP, HALF)

  wl1t = Wl1.T
  bl1b = jnp.broadcast_to(bl1[None, :], (8, D))
  h1 = _t1(agg1, deg, xp, wl1t[:HALF], wl1t[HALF:], Wr1.T, bl1b)

  agg2 = _sc_agg(h1.reshape(2 * NP, HALF), srcx, dst2, zrow).reshape(2, NP, HALF)

  wl2t = Wl2.T
  wr2t = Wr2.T
  bl2b = jnp.broadcast_to(bl2[None, :], (8, D))
  batch3 = jnp.concatenate([batch.astype(jnp.int32),
                            jnp.full((NP - N,), G, jnp.int32)]).reshape(NB, 1, B)
  c1wt = C1W.T
  c1bb = jnp.broadcast_to(C1b[None, :], (8, HALF))
  c2wt = jnp.zeros((HALF, HALF), f32).at[:, :64].set(C2W.T)
  c2bb = jnp.broadcast_to(jnp.zeros((HALF,), f32).at[:64].set(C2b)[None, :], (8, HALF))
  c3wt = jnp.zeros((HALF, HALF), f32).at[:64, 0].set(C3W[0])
  c3bb = jnp.broadcast_to(jnp.zeros((HALF,), f32).at[0].set(C3b[0])[None, :], (8, HALF))

  out128 = _t2(agg2, deg, h1, wl2t[:HALF], wl2t[HALF:],
               wr2t[:HALF], wr2t[HALF:], bl2b, batch3,
               c1wt, c1bb, c2wt, c2bb, c3wt, c3bb)
  return out128[:, :1]

# --- scband reference (transcript-rebuilt; emitter-appended) ---
"""Pipeline reference for scband-gsage-43353399886054 (READ-ONLY COPY).

The authoritative reference and input builder live on the scoring server;
editing this copy changes nothing except your own understanding.
"""

import jax, jax.numpy as jnp
import numpy as np

N = 10000
E = 160000
D = 256
G = 64


def setup_inputs(seed: int = 0) -> dict:
    key = jax.random.key(seed)
    ks = jax.random.split(key, 16)
    x = jax.random.normal(ks[0], (N, D), dtype=jnp.float32)
    edge_index = jax.random.randint(ks[1], (2, E), 0, N)
    batch = jnp.sort(jax.random.randint(ks[2], (N,), 0, G))
    s = 0.05
    # SAGEConv layer 1: lin_l (aggregated neighbors, with bias), lin_r (root, no bias)
    Wl1 = jax.random.normal(ks[3], (D, D), dtype=jnp.float32) * s
    bl1 = jnp.zeros((D,), dtype=jnp.float32)
    Wr1 = jax.random.normal(ks[4], (D, D), dtype=jnp.float32) * s
    # SAGEConv layer 2
    Wl2 = jax.random.normal(ks[5], (D, D), dtype=jnp.float32) * s
    bl2 = jnp.zeros((D,), dtype=jnp.float32)
    Wr2 = jax.random.normal(ks[6], (D, D), dtype=jnp.float32) * s
    # classifier: 256 -> 128 -> 64 -> 1 (sigmoid => num_class=1)
    C1W = jax.random.normal(ks[7], (128, D), dtype=jnp.float32) * s
    C1b = jnp.zeros((128,), dtype=jnp.float32)
    C2W = jax.random.normal(ks[8], (64, 128), dtype=jnp.float32) * s
    C2b = jnp.zeros((64,), dtype=jnp.float32)
    C3W = jax.random.normal(ks[9], (1, 64), dtype=jnp.float32) * s
    C3b = jnp.zeros((1,), dtype=jnp.float32)
    return {"x": x, "edge_index": edge_index, "batch": batch,
            "Wl1": Wl1, "bl1": bl1, "Wr1": Wr1,
            "Wl2": Wl2, "bl2": bl2, "Wr2": Wr2,
            "C1W": C1W, "C1b": C1b, "C2W": C2W, "C2b": C2b,
            "C3W": C3W, "C3b": C3b}


def reference(x, edge_index, batch, Wl1, bl1, Wr1, Wl2, bl2, Wr2,
              C1W, C1b, C2W, C2b, C3W, C3b):
    src = edge_index[0]
    dst = edge_index[1]

    def sage_conv(h, Wl, bl, Wr):
        # mean aggregation of neighbor messages (PyG SAGEConv default)
        agg = jax.ops.segment_sum(h[src], dst, num_segments=N)
        deg = jax.ops.segment_sum(jnp.ones((E,), h.dtype), dst, num_segments=N)
        mean = agg / jnp.clip(deg, 1.0)[:, None]
        return mean @ Wl.T + bl + h @ Wr.T

    h = jax.nn.relu(sage_conv(x, Wl1, bl1, Wr1))
    h = jax.nn.relu(sage_conv(h, Wl2, bl2, Wr2))
    # global_mean_pool over graph ids
    psum = jax.ops.segment_sum(h, batch, num_segments=G)
    cnt = jax.ops.segment_sum(jnp.ones((N,), h.dtype), batch, num_segments=G)
    pooled = psum / jnp.clip(cnt, 1.0)[:, None]
    z = jax.nn.relu(pooled @ C1W.T + C1b)
    z = jax.nn.relu(z @ C2W.T + C2b)
    out = z @ C3W.T + C3b
    return out

if __name__ == "__main__":
    import jax
    _d = setup_inputs()
    print(jax.jit(kernel)(*tuple(_d.values())))

</pallas_src>

<mosaic_0001>
#map = affine_map<(d0, d1) -> (0, 0)>
module attributes {stable_mosaic.version = 14 : i64} {
  func.func @_sc_agg_body(%arg0: i32, %arg1: i32, %arg2: memref<20480x128xf32, #tpu.memory_space<hbm>>, %arg3: memref<2560x128xi32, #tpu.memory_space<hbm>>, %arg4: memref<1280x128xi32, #tpu.memory_space<hbm>>, %arg5: memref<128x128xf32, #tpu.memory_space<hbm>>, %arg6: memref<20480x128xf32, #tpu.memory_space<hbm>>, %arg7: memref<80x128xi32, #tpu.memory_space<vmem>>, %arg8: memref<8x128xi32, #tpu.memory_space<vmem>>, %arg9: memref<128x128xf32, #tpu.memory_space<vmem>>, %arg10: memref<128x128xf32, #tpu.memory_space<vmem>>, %arg11: memref<10240x128xf32, #tpu.memory_space<vmem_shared>>, %arg12: memref<!tpu.dma_semaphore, #tpu.memory_space<semaphore_mem>>, %arg13: memref<!tpu.dma_semaphore, #tpu.memory_space<semaphore_mem>>) attributes {dimension_semantics = [#tpu.dimension_semantics<core_parallel>, #tpu.dimension_semantics<subcore_parallel>], iteration_bounds = array<i64: 2, 16>, scalar_prefetch = 0 : i64, scratch_operands = 7 : i64, tpu.core_type = #tpu.core_type<sc_vector_subcore>, window_params = [{transform_indices = #map}, {transform_indices = #map}, {transform_indices = #map}, {transform_indices = #map}, {transform_indices = #map}]} {
    %mul3A = arith.constant 640 : i32
    %mul3A_0 = arith.muli %arg1, %mul3A : i32
    "tpu.region"() ({
      %run_scoped3A = tpu.sem_alloc : memref<!tpu.dma_semaphore, #tpu.memory_space<semaphore_mem>>
      tpu.enqueue_dma source(%arg5 : memref<128x128xf32, #tpu.memory_space<hbm>>) target(%arg9 : memref<128x128xf32, #tpu.memory_space<vmem>>) target_semaphore(%run_scoped3A : memref<!tpu.dma_semaphore, #tpu.memory_space<semaphore_mem>>)
      tpu.wait_dma2 semaphore(%run_scoped3A : memref<!tpu.dma_semaphore, #tpu.memory_space<semaphore_mem>>) src(%arg5 : memref<128x128xf32, #tpu.memory_space<hbm>>) dst(%arg9 : memref<128x128xf32, #tpu.memory_space<vmem>>)
      tpu.yield
    }) : () -> ()
    %add3A = arith.constant 0 : i32
    %add3A_1 = arith.addi %mul3A_0, %add3A : i32
    "tpu.region"() ({
      %run_scoped3A = tpu.sem_alloc : memref<!tpu.dma_semaphore, #tpu.memory_space<semaphore_mem>>
      %dma_start3A_68 = arith.constant 0 : i32
      %dma_start3A_69 = tpu.memref_slice %arg11[%add3A_1, %dma_start3A_68] : memref<10240x128xf32, #tpu.memory_space<vmem_shared>> -> memref<128x128xf32, #tpu.memory_space<vmem_shared>>
      %dma_start3A_70 = arith.constant 0 : i32
      %dma_start3A_71 = tpu.memref_slice %arg11[%add3A_1, %dma_start3A_70] : memref<10240x128xf32, #tpu.memory_space<vmem_shared>> -> memref<128x128xf32, #tpu.memory_space<vmem_shared>>
      tpu.enqueue_dma source(%arg9 : memref<128x128xf32, #tpu.memory_space<vmem>>) target(%dma_start3A_71 : memref<128x128xf32, #tpu.memory_space<vmem_shared>>) target_semaphore(%run_scoped3A : memref<!tpu.dma_semaphore, #tpu.memory_space<semaphore_mem>>)
      %dma_wait3A = arith.constant 0 : i32
      %dma_wait3A_72 = tpu.memref_slice %arg11[%add3A_1, %dma_wait3A] : memref<10240x128xf32, #tpu.memory_space<vmem_shared>> -> memref<128x128xf32, #tpu.memory_space<vmem_shared>>
      %dma_wait3A_73 = arith.constant 0 : i32
      %dma_wait3A_74 = tpu.memref_slice %arg11[%add3A_1, %dma_wait3A_73] : memref<10240x128xf32, #tpu.memory_space<vmem_shared>> -> memref<128x128xf32, #tpu.memory_space<vmem_shared>>
      tpu.wait_dma2 semaphore(%run_scoped3A : memref<!tpu.dma_semaphore, #tpu.memory_space<semaphore_mem>>) src(%arg9 : memref<128x128xf32, #tpu.memory_space<vmem>>) dst(%dma_wait3A_74 : memref<128x128xf32, #tpu.memory_space<vmem_shared>>)
      tpu.yield
    }) : () -> ()
    %add3A_2 = arith.constant 128 : i32
    %add3A_3 = arith.addi %mul3A_0, %add3A_2 : i32
    "tpu.region"() ({
      %run_scoped3A = tpu.sem_alloc : memref<!tpu.dma_semaphore, #tpu.memory_space<semaphore_mem>>
      %dma_start3A_68 = arith.constant 0 : i32
      %dma_start3A_69 = tpu.memref_slice %arg11[%add3A_3, %dma_start3A_68] : memref<10240x128xf32, #tpu.memory_space<vmem_shared>> -> memref<128x128xf32, #tpu.memory_space<vmem_shared>>
      %dma_start3A_70 = arith.constant 0 : i32
      %dma_start3A_71 = tpu.memref_slice %arg11[%add3A_3, %dma_start3A_70] : memref<10240x128xf32, #tpu.memory_space<vmem_shared>> -> memref<128x128xf32, #tpu.memory_space<vmem_shared>>
      tpu.enqueue_dma source(%arg9 : memref<128x128xf32, #tpu.memory_space<vmem>>) target(%dma_start3A_71 : memref<128x128xf32, #tpu.memory_space<vmem_shared>>) target_semaphore(%run_scoped3A : memref<!tpu.dma_semaphore, #tpu.memory_space<semaphore_mem>>)
      %dma_wait3A = arith.constant 0 : i32
      %dma_wait3A_72 = tpu.memref_slice %arg11[%add3A_3, %dma_wait3A] : memref<10240x128xf32, #tpu.memory_space<vmem_shared>> -> memref<128x128xf32, #tpu.memory_space<vmem_shared>>
      %dma_wait3A_73 = arith.constant 0 : i32
      %dma_wait3A_74 = tpu.memref_slice %arg11[%add3A_3, %dma_wait3A_73] : memref<10240x128xf32, #tpu.memory_space<vmem_shared>> -> memref<128x128xf32, #tpu.memory_space<vmem_shared>>
      tpu.wait_dma2 semaphore(%run_scoped3A : memref<!tpu.dma_semaphore, #tpu.memory_space<semaphore_mem>>) src(%arg9 : memref<128x128xf32, #tpu.memory_space<vmem>>) dst(%dma_wait3A_74 : memref<128x128xf32, #tpu.memory_space<vmem_shared>>)
      tpu.yield
    }) : () -> ()
    %add3A_4 = arith.constant 256 : i32
    %add3A_5 = arith.addi %mul3A_0, %add3A_4 : i32
    "tpu.region"() ({
      %run_scoped3A = tpu.sem_alloc : memref<!tpu.dma_semaphore, #tpu.memory_space<semaphore_mem>>
      %dma_start3A_68 = arith.constant 0 : i32
      %dma_start3A_69 = tpu.memref_slice %arg11[%add3A_5, %dma_start3A_68] : memref<10240x128xf32, #tpu.memory_space<vmem_shared>> -> memref<128x128xf32, #tpu.memory_space<vmem_shared>>
      %dma_start3A_70 = arith.constant 0 : i32
      %dma_start3A_71 = tpu.memref_slice %arg11[%add3A_5, %dma_start3A_70] : memref<10240x128xf32, #tpu.memory_space<vmem_shared>> -> memref<128x128xf32, #tpu.memory_space<vmem_shared>>
      tpu.enqueue_dma source(%arg9 : memref<128x128xf32, #tpu.memory_space<vmem>>) target(%dma_start3A_71 : memref<128x128xf32, #tpu.memory_space<vmem_shared>>) target_semaphore(%run_scoped3A : memref<!tpu.dma_semaphore, #tpu.memory_space<semaphore_mem>>)
      %dma_wait3A = arith.constant 0 : i32
      %dma_wait3A_72 = tpu.memref_slice %arg11[%add3A_5, %dma_wait3A] : memref<10240x128xf32, #tpu.memory_space<vmem_shared>> -> memref<128x128xf32, #tpu.memory_space<vmem_shared>>
      %dma_wait3A_73 = arith.constant 0 : i32
      %dma_wait3A_74 = tpu.memref_slice %arg11[%add3A_5, %dma_wait3A_73] : memref<10240x128xf32, #tpu.memory_space<vmem_shared>> -> memref<128x128xf32, #tpu.memory_space<vmem_shared>>
      tpu.wait_dma2 semaphore(%run_scoped3A : memref<!tpu.dma_semaphore, #tpu.memory_space<semaphore_mem>>) src(%arg9 : memref<128x128xf32, #tpu.memory_space<vmem>>) dst(%dma_wait3A_74 : memref<128x128xf32, #tpu.memory_space<vmem_shared>>)
      tpu.yield
    }) : () -> ()
    %add3A_6 = arith.constant 384 : i32
    %add3A_7 = arith.addi %mul3A_0, %add3A_6 : i32
    "tpu.region"() ({
      %run_scoped3A = tpu.sem_alloc : memref<!tpu.dma_semaphore, #tpu.memory_space<semaphore_mem>>
      %dma_start3A_68 = arith.constant 0 : i32
      %dma_start3A_69 = tpu.memref_slice %arg11[%add3A_7, %dma_start3A_68] : memref<10240x128xf32, #tpu.memory_space<vmem_shared>> -> memref<128x128xf32, #tpu.memory_space<vmem_shared>>
      %dma_start3A_70 = arith.constant 0 : i32
      %dma_start3A_71 = tpu.memref_slice %arg11[%add3A_7, %dma_start3A_70] : memref<10240x128xf32, #tpu.memory_space<vmem_shared>> -> memref<128x128xf32, #tpu.memory_space<vmem_shared>>
      tpu.enqueue_dma source(%arg9 : memref<128x128xf32, #tpu.memory_space<vmem>>) target(%dma_start3A_71 : memref<128x128xf32, #tpu.memory_space<vmem_shared>>) target_semaphore(%run_scoped3A : memref<!tpu.dma_semaphore, #tpu.memory_space<semaphore_mem>>)
      %dma_wait3A = arith.constant 0 : i32
      %dma_wait3A_72 = tpu.memref_slice %arg11[%add3A_7, %dma_wait3A] : memref<10240x128xf32, #tpu.memory_space<vmem_shared>> -> memref<128x128xf32, #tpu.memory_space<vmem_shared>>
      %dma_wait3A_73 = arith.constant 0 : i32
      %dma_wait3A_74 = tpu.memref_slice %arg11[%add3A_7, %dma_wait3A_73] : memref<10240x128xf32, #tpu.memory_space<vmem_shared>> -> memref<128x128xf32, #tpu.memory_space<vmem_shared>>
      tpu.wait_dma2 semaphore(%run_scoped3A : memref<!tpu.dma_semaphore, #tpu.memory_space<semaphore_mem>>) src(%arg9 : memref<128x128xf32, #tpu.memory_space<vmem>>) dst(%dma_wait3A_74 : memref<128x128xf32, #tpu.memory_space<vmem_shared>>)
      tpu.yield
    }) : () -> ()
    %add3A_8 = arith.constant 512 : i32
    %add3A_9 = arith.addi %mul3A_0, %add3A_8 : i32
    "tpu.region"() ({
      %run_scoped3A = tpu.sem_alloc : memref<!tpu.dma_semaphore, #tpu.memory_space<semaphore_mem>>
      %dma_start3A_68 = arith.constant 0 : i32
      %dma_start3A_69 = tpu.memref_slice %arg11[%add3A_9, %dma_start3A_68] : memref<10240x128xf32, #tpu.memory_space<vmem_shared>> -> memref<128x128xf32, #tpu.memory_space<vmem_shared>>
      %dma_start3A_70 = arith.constant 0 : i32
      %dma_start3A_71 = tpu.memref_slice %arg11[%add3A_9, %dma_start3A_70] : memref<10240x128xf32, #tpu.memory_space<vmem_shared>> -> memref<128x128xf32, #tpu.memory_space<vmem_shared>>
      tpu.enqueue_dma source(%arg9 : memref<128x128xf32, #tpu.memory_space<vmem>>) target(%dma_start3A_71 : memref<128x128xf32, #tpu.memory_space<vmem_shared>>) target_semaphore(%run_scoped3A : memref<!tpu.dma_semaphore, #tpu.memory_space<semaphore_mem>>)
      %dma_wait3A = arith.constant 0 : i32
      %dma_wait3A_72 = tpu.memref_slice %arg11[%add3A_9, %dma_wait3A] : memref<10240x128xf32, #tpu.memory_space<vmem_shared>> -> memref<128x128xf32, #tpu.memory_space<vmem_shared>>
      %dma_wait3A_73 = arith.constant 0 : i32
      %dma_wait3A_74 = tpu.memref_slice %arg11[%add3A_9, %dma_wait3A_73] : memref<10240x128xf32, #tpu.memory_space<vmem_shared>> -> memref<128x128xf32, #tpu.memory_space<vmem_shared>>
      tpu.wait_dma2 semaphore(%run_scoped3A : memref<!tpu.dma_semaphore, #tpu.memory_space<semaphore_mem>>) src(%arg9 : memref<128x128xf32, #tpu.memory_space<vmem>>) dst(%dma_wait3A_74 : memref<128x128xf32, #tpu.memory_space<vmem_shared>>)
      tpu.yield
    }) : () -> ()
    %barrier3A = arith.constant 0 : index
    tpu.barrier barrier_id(%barrier3A)
    %mul3A_10 = arith.constant 80 : i32
    %mul3A_11 = arith.muli %arg1, %mul3A_10 : i32
    %mul3A_12 = arith.constant 1280 : i32
    %mul3A_13 = arith.muli %arg0, %mul3A_12 : i32
    %add3A_14 = arith.addi %mul3A_13, %mul3A_11 : i32
    "tpu.region"() ({
      %run_scoped3A = tpu.sem_alloc : memref<!tpu.dma_semaphore, #tpu.memory_space<semaphore_mem>>
      %dma_start3A_68 = arith.constant 0 : i32
      %dma_start3A_69 = tpu.memref_slice %arg3[%add3A_14, %dma_start3A_68] : memref<2560x128xi32, #tpu.memory_space<hbm>> -> memref<80x128xi32, #tpu.memory_space<hbm>>
      %dma_start3A_70 = arith.constant 0 : i32
      %dma_start3A_71 = tpu.memref_slice %arg3[%add3A_14, %dma_start3A_70] : memref<2560x128xi32, #tpu.memory_space<hbm>> -> memref<80x128xi32, #tpu.memory_space<hbm>>
      tpu.enqueue_dma source(%dma_start3A_71 : memref<80x128xi32, #tpu.memory_space<hbm>>) target(%arg7 : memref<80x128xi32, #tpu.memory_space<vmem>>) target_semaphore(%run_scoped3A : memref<!tpu.dma_semaphore, #tpu.memory_space<semaphore_mem>>)
      %dma_wait3A = arith.constant 0 : i32
      %dma_wait3A_72 = tpu.memref_slice %arg3[%add3A_14, %dma_wait3A] : memref<2560x128xi32, #tpu.memory_space<hbm>> -> memref<80x128xi32, #tpu.memory_space<hbm>>
      %dma_wait3A_73 = arith.constant 0 : i32
      %dma_wait3A_74 = tpu.memref_slice %arg3[%add3A_14, %dma_wait3A_73] : memref<2560x128xi32, #tpu.memory_space<hbm>> -> memref<80x128xi32, #tpu.memory_space<hbm>>
      tpu.wait_dma2 semaphore(%run_scoped3A : memref<!tpu.dma_semaphore, #tpu.memory_space<semaphore_mem>>) src(%dma_wait3A_74 : memref<80x128xi32, #tpu.memory_space<hbm>>) dst(%arg7 : memref<80x128xi32, #tpu.memory_space<vmem>>)
      tpu.yield
    }) : () -> ()
    %dma_start3A = arith.constant 0 : i32
    %dma_start3A_15 = arith.constant 0 : i32
    %dma_start3A_16 = tpu.memref_slice %arg7[%dma_start3A, %dma_start3A_15] : memref<80x128xi32, #tpu.memory_space<vmem>> -> memref<1x128xi32, #tpu.memory_space<vmem>>
    %dma_start3A_17 = tpu.memref_squeeze %dma_start3A_16 : memref<1x128xi32, #tpu.memory_space<vmem>> -> memref<128xi32, #tpu.memory_space<vmem>>
    %dma_start3A_18 = arith.constant 0 : i32
    %dma_start3A_19 = arith.constant 0 : i32
    %dma_start3A_20 = tpu.memref_slice %arg2[%dma_start3A_18, %dma_start3A_19] : memref<20480x128xf32, #tpu.memory_space<hbm>> -> memref<20480x128xf32, #tpu.memory_space<hbm>>
    tpu.enqueue_indirect_dma source(%dma_start3A_20 : memref<20480x128xf32, #tpu.memory_space<hbm>>) target(%arg9 : memref<128x128xf32, #tpu.memory_space<vmem>>) offsets(%dma_start3A_17 : memref<128xi32, #tpu.memory_space<vmem>>) semaphore(%arg12 : memref<!tpu.dma_semaphore, #tpu.memory_space<semaphore_mem>>)
    %dma_start3A_21 = arith.constant 1 : i32
    %dma_start3A_22 = arith.constant 0 : i32
    %dma_start3A_23 = tpu.memref_slice %arg7[%dma_start3A_21, %dma_start3A_22] : memref<80x128xi32, #tpu.memory_space<vmem>> -> memref<1x128xi32, #tpu.memory_space<vmem>>
    %dma_start3A_24 = tpu.memref_squeeze %dma_start3A_23 : memref<1x128xi32, #tpu.memory_space<vmem>> -> memref<128xi32, #tpu.memory_space<vmem>>
    %dma_start3A_25 = arith.constant 0 : i32
    %dma_start3A_26 = arith.constant 0 : i32
    %dma_start3A_27 = tpu.memref_slice %arg2[%dma_start3A_25, %dma_start3A_26] : memref<20480x128xf32, #tpu.memory_space<hbm>> -> memref<20480x128xf32, #tpu.memory_space<hbm>>
    tpu.enqueue_indirect_dma source(%dma_start3A_27 : memref<20480x128xf32, #tpu.memory_space<hbm>>) target(%arg10 : memref<128x128xf32, #tpu.memory_space<vmem>>) offsets(%dma_start3A_24 : memref<128xi32, #tpu.memory_space<vmem>>) semaphore(%arg13 : memref<!tpu.dma_semaphore, #tpu.memory_space<semaphore_mem>>)
    %scan3A = arith.constant 0 : i32
    %scan3A_28 = arith.constant 10 : i32
    %scan3A_29 = arith.addi %scan3A, %scan3A_28 : i32
    %scan3A_30 = arith.constant 1 : i32
    scf.for %scan3A_68 = %scan3A to %scan3A_29 step %scan3A_30  : i32 {
      %mul3A_69 = arith.constant 1 : i32
      %mul3A_70 = arith.muli %scan3A_68, %mul3A_69 : i32
      %add3A_71 = arith.constant 0 : i32
      %add3A_72 = arith.addi %add3A_71, %mul3A_70 : i32
      %mul3A_73 = arith.constant 8 : i32
      %mul3A_74 = arith.muli %add3A_72, %mul3A_73 : i32
      %add3A_75 = arith.addi %mul3A_11, %mul3A_74 : i32
      "tpu.region"() ({
        %run_scoped3A_215 = tpu.sem_alloc : memref<!tpu.dma_semaphore, #tpu.memory_space<semaphore_mem>>
        %dma_start3A_216 = arith.constant 0 : i32
        %dma_start3A_217 = tpu.memref_slice %arg4[%add3A_75, %dma_start3A_216] : memref<1280x128xi32, #tpu.memory_space<hbm>> -> memref<8x128xi32, #tpu.memory_space<hbm>>
        %dma_start3A_218 = arith.constant 0 : i32
        %dma_start3A_219 = tpu.memref_slice %arg4[%add3A_75, %dma_start3A_218] : memref<1280x128xi32, #tpu.memory_space<hbm>> -> memref<8x128xi32, #tpu.memory_space<hbm>>
        tpu.enqueue_dma source(%dma_start3A_219 : memref<8x128xi32, #tpu.memory_space<hbm>>) target(%arg8 : memref<8x128xi32, #tpu.memory_space<vmem>>) target_semaphore(%run_scoped3A_215 : memref<!tpu.dma_semaphore, #tpu.memory_space<semaphore_mem>>)
        %dma_wait3A_220 = arith.constant 0 : i32
        %dma_wait3A_221 = tpu.memref_slice %arg4[%add3A_75, %dma_wait3A_220] : memref<1280x128xi32, #tpu.memory_space<hbm>> -> memref<8x128xi32, #tpu.memory_space<hbm>>
        %dma_wait3A_222 = arith.constant 0 : i32
        %dma_wait3A_223 = tpu.memref_slice %arg4[%add3A_75, %dma_wait3A_222] : memref<1280x128xi32, #tpu.memory_space<hbm>> -> memref<8x128xi32, #tpu.memory_space<hbm>>
        tpu.wait_dma2 semaphore(%run_scoped3A_215 : memref<!tpu.dma_semaphore, #tpu.memory_space<semaphore_mem>>) src(%dma_wait3A_223 : memref<8x128xi32, #tpu.memory_space<hbm>>) dst(%arg8 : memref<8x128xi32, #tpu.memory_space<vmem>>)
        tpu.yield
      }) : () -> ()
      %add3A_76 = arith.constant 0 : i32
      %add3A_77 = arith.addi %mul3A_74, %add3A_76 : i32
      %dma_wait3A = arith.constant 0 : i32
      %dma_wait3A_78 = tpu.memref_slice %arg7[%add3A_77, %dma_wait3A] : memref<80x128xi32, #tpu.memory_space<vmem>> -> memref<1x128xi32, #tpu.memory_space<vmem>>
      %dma_wait3A_79 = tpu.memref_squeeze %dma_wait3A_78 : memref<1x128xi32, #tpu.memory_space<vmem>> -> memref<128xi32, #tpu.memory_space<vmem>>
      %dma_wait3A_80 = arith.constant 0 : i32
      %dma_wait3A_81 = arith.constant 0 : i32
      %dma_wait3A_82 = tpu.memref_slice %arg2[%dma_wait3A_80, %dma_wait3A_81] : memref<20480x128xf32, #tpu.memory_space<hbm>> -> memref<20480x128xf32, #tpu.memory_space<hbm>>
      tpu.wait_indirect_dma semaphore(%arg12 : memref<!tpu.dma_semaphore, #tpu.memory_space<semaphore_mem>>) src(%dma_wait3A_82 : memref<20480x128xf32, #tpu.memory_space<hbm>>) dst(%arg9 : memref<128x128xf32, #tpu.memory_space<vmem>>)
      %run_scoped3A = arith.constant 0 : i32
      "tpu.region"() ({
        %run_scoped3A_215 = tpu.sem_alloc : memref<!tpu.dma_semaphore, #tpu.memory_space<semaphore_mem>>
        %dma_start3A_216 = arith.constant 0 : i32
        %dma_start3A_217 = tpu.memref_slice %arg8[%run_scoped3A, %dma_start3A_216] : memref<8x128xi32, #tpu.memory_space<vmem>> -> memref<1x128xi32, #tpu.memory_space<vmem>>
        %dma_start3A_218 = tpu.memref_squeeze %dma_start3A_217 : memref<1x128xi32, #tpu.memory_space<vmem>> -> memref<128xi32, #tpu.memory_space<vmem>>
        %dma_start3A_219 = arith.constant 0 : i32
        %dma_start3A_220 = arith.constant 0 : i32
        %dma_start3A_221 = tpu.memref_slice %arg11[%dma_start3A_219, %dma_start3A_220] : memref<10240x128xf32, #tpu.memory_space<vmem_shared>> -> memref<10240x128xf32, #tpu.memory_space<vmem_shared>>
        tpu.enqueue_indirect_dma source(%arg9 : memref<128x128xf32, #tpu.memory_space<vmem>>) target(%dma_start3A_221 : memref<10240x128xf32, #tpu.memory_space<vmem_shared>>) offsets(%dma_start3A_218 : memref<128xi32, #tpu.memory_space<vmem>>) semaphore(%run_scoped3A_215 : memref<!tpu.dma_semaphore, #tpu.memory_space<semaphore_mem>>) {add = true}
        %dma_wait3A_222 = arith.constant 0 : i32
        %dma_wait3A_223 = tpu.memref_slice %arg8[%run_scoped3A, %dma_wait3A_222] : memref<8x128xi32, #tpu.memory_space<vmem>> -> memref<1x128xi32, #tpu.memory_space<vmem>>
        %dma_wait3A_224 = tpu.memref_squeeze %dma_wait3A_223 : memref<1x128xi32, #tpu.memory_space<vmem>> -> memref<128xi32, #tpu.memory_space<vmem>>
        %dma_wait3A_225 = arith.constant 0 : i32
        %dma_wait3A_226 = arith.constant 0 : i32
        %dma_wait3A_227 = tpu.memref_slice %arg11[%dma_wait3A_225, %dma_wait3A_226] : memref<10240x128xf32, #tpu.memory_space<vmem_shared>> -> memref<10240x128xf32, #tpu.memory_space<vmem_shared>>
        tpu.wait_indirect_dma semaphore(%run_scoped3A_215 : memref<!tpu.dma_semaphore, #tpu.memory_space<semaphore_mem>>) src(%arg9 : memref<128x128xf32, #tpu.memory_space<vmem>>) dst(%dma_wait3A_227 : memref<10240x128xf32, #tpu.memory_space<vmem_shared>>)
        tpu.yield
      }) : () -> ()
      %add3A_83 = arith.constant 0 : i32
      %add3A_84 = arith.addi %mul3A_74, %add3A_83 : i32
      %add3A_85 = arith.constant 2 : i32
      %add3A_86 = arith.addi %add3A_84, %add3A_85 : i32
      %lt3A = arith.constant 80 : i32
      %lt3A_87 = arith.cmpi slt, %add3A_86, %lt3A : i32
      %convert_element_type3A = arith.extui %lt3A_87 : i1 to i32
      %cond3A = arith.constant 0 : i32
      %cond3A_88 = arith.cmpi ne, %convert_element_type3A, %cond3A : i32
      scf.if %cond3A_88 {
        %add3A_215 = arith.constant 0 : i32
        %add3A_216 = arith.addi %mul3A_74, %add3A_215 : i32
        %add3A_217 = arith.constant 2 : i32
        %add3A_218 = arith.addi %add3A_216, %add3A_217 : i32
        %dma_start3A_219 = arith.constant 0 : i32
        %dma_start3A_220 = tpu.memref_slice %arg7[%add3A_218, %dma_start3A_219] : memref<80x128xi32, #tpu.memory_space<vmem>> -> memref<1x128xi32, #tpu.memory_space<vmem>>
        %dma_start3A_221 = tpu.memref_squeeze %dma_start3A_220 : memref<1x128xi32, #tpu.memory_space<vmem>> -> memref<128xi32, #tpu.memory_space<vmem>>
        %dma_start3A_222 = arith.constant 0 : i32
        %dma_start3A_223 = arith.constant 0 : i32
        %dma_start3A_224 = tpu.memref_slice %arg2[%dma_start3A_222, %dma_start3A_223] : memref<20480x128xf32, #tpu.memory_space<hbm>> -> memref<20480x128xf32, #tpu.memory_space<hbm>>
        tpu.enqueue_indirect_dma source(%dma_start3A_224 : memref<20480x128xf32, #tpu.memory_space<hbm>>) target(%arg9 : memref<128x128xf32, #tpu.memory_space<vmem>>) offsets(%dma_start3A_221 : memref<128xi32, #tpu.memory_space<vmem>>) semaphore(%arg12 : memref<!tpu.dma_semaphore, #tpu.memory_space<semaphore_mem>>)
      } else {
      }
      %add3A_89 = arith.constant 1 : i32
      %add3A_90 = arith.addi %mul3A_74, %add3A_89 : i32
      %dma_wait3A_91 = arith.constant 0 : i32
      %dma_wait3A_92 = tpu.memref_slice %arg7[%add3A_90, %dma_wait3A_91] : memref<80x128xi32, #tpu.memory_space<vmem>> -> memref<1x128xi32, #tpu.memory_space<vmem>>
      %dma_wait3A_93 = tpu.memref_squeeze %dma_wait3A_92 : memref<1x128xi32, #tpu.memory_space<vmem>> -> memref<128xi32, #tpu.memory_space<vmem>>
      %dma_wait3A_94 = arith.constant 0 : i32
      %dma_wait3A_95 = arith.constant 0 : i32
      %dma_wait3A_96 = tpu.memref_slice %arg2[%dma_wait3A_94, %dma_wait3A_95] : memref<20480x128xf32, #tpu.memory_space<hbm>> -> memref<20480x128xf32, #tpu.memory_space<hbm>>
      tpu.wait_indirect_dma semaphore(%arg13 : memref<!tpu.dma_semaphore, #tpu.memory_space<semaphore_mem>>) src(%dma_wait3A_96 : memref<20480x128xf32, #tpu.memory_space<hbm>>) dst(%arg10 : memref<128x128xf32, #tpu.memory_space<vmem>>)
      %run_scoped3A_97 = arith.constant 1 : i32
      "tpu.region"() ({
        %run_scoped3A_215 = tpu.sem_alloc : memref<!tpu.dma_semaphore, #tpu.memory_space<semaphore_mem>>
        %dma_start3A_216 = arith.constant 0 : i32
        %dma_start3A_217 = tpu.memref_slice %arg8[%run_scoped3A_97, %dma_start3A_216] : memref<8x128xi32, #tpu.memory_space<vmem>> -> memref<1x128xi32, #tpu.memory_space<vmem>>
        %dma_start3A_218 = tpu.memref_squeeze %dma_start3A_217 : memref<1x128xi32, #tpu.memory_space<vmem>> -> memref<128xi32, #tpu.memory_space<vmem>>
        %dma_start3A_219 = arith.constant 0 : i32
        %dma_start3A_220 = arith.constant 0 : i32
        %dma_start3A_221 = tpu.memref_slice %arg11[%dma_start3A_219, %dma_start3A_220] : memref<10240x128xf32, #tpu.memory_space<vmem_shared>> -> memref<10240x128xf32, #tpu.memory_space<vmem_shared>>
        tpu.enqueue_indirect_dma source(%arg10 : memref<128x128xf32, #tpu.memory_space<vmem>>) target(%dma_start3A_221 : memref<10240x128xf32, #tpu.memory_space<vmem_shared>>) offsets(%dma_start3A_218 : memref<128xi32, #tpu.memory_space<vmem>>) semaphore(%run_scoped3A_215 : memref<!tpu.dma_semaphore, #tpu.memory_space<semaphore_mem>>) {add = true}
        %dma_wait3A_222 = arith.constant 0 : i32
        %dma_wait3A_223 = tpu.memref_slice %arg8[%run_scoped3A_97, %dma_wait3A_222] : memref<8x128xi32, #tpu.memory_space<vmem>> -> memref<1x128xi32, #tpu.memory_space<vmem>>
        %dma_wait3A_224 = tpu.memref_squeeze %dma_wait3A_223 : memref<1x128xi32, #tpu.memory_space<vmem>> -> memref<128xi32, #tpu.memory_space<vmem>>
        %dma_wait3A_225 = arith.constant 0 : i32
        %dma_wait3A_226 = arith.constant 0 : i32
        %dma_wait3A_227 = tpu.memref_slice %arg11[%dma_wait3A_225, %dma_wait3A_226] : memref<10240x128xf32, #tpu.memory_space<vmem_shared>> -> memref<10240x128xf32, #tpu.memory_space<vmem_shared>>
        tpu.wait_indirect_dma semaphore(%run_scoped3A_215 : memref<!tpu.dma_semaphore, #tpu.memory_space<semaphore_mem>>) src(%arg10 : memref<128x128xf32, #tpu.memory_space<vmem>>) dst(%dma_wait3A_227 : memref<10240x128xf32, #tpu.memory_space<vmem_shared>>)
        tpu.yield
      }) : () -> ()
      %add3A_98 = arith.constant 1 : i32
      %add3A_99 = arith.addi %mul3A_74, %add3A_98 : i32
      %add3A_100 = arith.constant 2 : i32
      %add3A_101 = arith.addi %add3A_99, %add3A_100 : i32
      %lt3A_102 = arith.constant 80 : i32
      %lt3A_103 = arith.cmpi slt, %add3A_101, %lt3A_102 : i32
      %convert_element_type3A_104 = arith.extui %lt3A_103 : i1 to i32
      %cond3A_105 = arith.constant 0 : i32
      %cond3A_106 = arith.cmpi ne, %convert_element_type3A_104, %cond3A_105 : i32
      scf.if %cond3A_106 {
        %add3A_215 = arith.constant 1 : i32
        %add3A_216 = arith.addi %mul3A_74, %add3A_215 : i32
        %add3A_217 = arith.constant 2 : i32
        %add3A_218 = arith.addi %add3A_216, %add3A_217 : i32
        %dma_start3A_219 = arith.constant 0 : i32
        %dma_start3A_220 = tpu.memref_slice %arg7[%add3A_218, %dma_start3A_219] : memref<80x128xi32, #tpu.memory_space<vmem>> -> memref<1x128xi32, #tpu.memory_space<vmem>>
        %dma_start3A_221 = tpu.memref_squeeze %dma_start3A_220 : memref<1x128xi32, #tpu.memory_space<vmem>> -> memref<128xi32, #tpu.memory_space<vmem>>
        %dma_start3A_222 = arith.constant 0 : i32
        %dma_start3A_223 = arith.constant 0 : i32
        %dma_start3A_224 = tpu.memref_slice %arg2[%dma_start3A_222, %dma_start3A_223] : memref<20480x128xf32, #tpu.memory_space<hbm>> -> memref<20480x128xf32, #tpu.memory_space<hbm>>
        tpu.enqueue_indirect_dma source(%dma_start3A_224 : memref<20480x128xf32, #tpu.memory_space<hbm>>) target(%arg10 : memref<128x128xf32, #tpu.memory_space<vmem>>) offsets(%dma_start3A_221 : memref<128xi32, #tpu.memory_space<vmem>>) semaphore(%arg13 : memref<!tpu.dma_semaphore, #tpu.memory_space<semaphore_mem>>)
      } else {
      }
      %add3A_107 = arith.constant 2 : i32
      %add3A_108 = arith.addi %mul3A_74, %add3A_107 : i32
      %dma_wait3A_109 = arith.constant 0 : i32
      %dma_wait3A_110 = tpu.memref_slice %arg7[%add3A_108, %dma_wait3A_109] : memref<80x128xi32, #tpu.memory_space<vmem>> -> memref<1x128xi32, #tpu.memory_space<vmem>>
      %dma_wait3A_111 = tpu.memref_squeeze %dma_wait3A_110 : memref<1x128xi32, #tpu.memory_space<vmem>> -> memref<128xi32, #tpu.memory_space<vmem>>
      %dma_wait3A_112 = arith.constant 0 : i32
      %dma_wait3A_113 = arith.constant 0 : i32
      %dma_wait3A_114 = tpu.memref_slice %arg2[%dma_wait3A_112, %dma_wait3A_113] : memref<20480x128xf32, #tpu.memory_space<hbm>> -> memref<20480x128xf32, #tpu.memory_space<hbm>>
      tpu.wait_indirect_dma semaphore(%arg12 : memref<!tpu.dma_semaphore, #tpu.memory_space<semaphore_mem>>) src(%dma_wait3A_114 : memref<20480x128xf32, #tpu.memory_space<hbm>>) dst(%arg9 : memref<128x128xf32, #tpu.memory_space<vmem>>)
      %run_scoped3A_115 = arith.constant 2 : i32
      "tpu.region"() ({
        %run_scoped3A_215 = tpu.sem_alloc : memref<!tpu.dma_semaphore, #tpu.memory_space<semaphore_mem>>
        %dma_start3A_216 = arith.constant 0 : i32
        %dma_start3A_217 = tpu.memref_slice %arg8[%run_scoped3A_115, %dma_start3A_216] : memref<8x128xi32, #tpu.memory_space<vmem>> -> memref<1x128xi32, #tpu.memory_space<vmem>>
        %dma_start3A_218 = tpu.memref_squeeze %dma_start3A_217 : memref<1x128xi32, #tpu.memory_space<vmem>> -> memref<128xi32, #tpu.memory_space<vmem>>
        %dma_start3A_219 = arith.constant 0 : i32
        %dma_start3A_220 = arith.constant 0 : i32
        %dma_start3A_221 = tpu.memref_slice %arg11[%dma_start3A_219, %dma_start3A_220] : memref<10240x128xf32, #tpu.memory_space<vmem_shared>> -> memref<10240x128xf32, #tpu.memory_space<vmem_shared>>
        tpu.enqueue_indirect_dma source(%arg9 : memref<128x128xf32, #tpu.memory_space<vmem>>) target(%dma_start3A_221 : memref<10240x128xf32, #tpu.memory_space<vmem_shared>>) offsets(%dma_start3A_218 : memref<128xi32, #tpu.memory_space<vmem>>) semaphore(%run_scoped3A_215 : memref<!tpu.dma_semaphore, #tpu.memory_space<semaphore_mem>>) {add = true}
        %dma_wait3A_222 = arith.constant 0 : i32
        %dma_wait3A_223 = tpu.memref_slice %arg8[%run_scoped3A_115, %dma_wait3A_222] : memref<8x128xi32, #tpu.memory_space<vmem>> -> memref<1x128xi32, #tpu.memory_space<vmem>>
        %dma_wait3A_224 = tpu.memref_squeeze %dma_wait3A_223 : memref<1x128xi32, #tpu.memory_space<vmem>> -> memref<128xi32, #tpu.memory_space<vmem>>
        %dma_wait3A_225 = arith.constant 0 : i32
        %dma_wait3A_226 = arith.constant 0 : i32
        %dma_wait3A_227 = tpu.memref_slice %arg11[%dma_wait3A_225, %dma_wait3A_226] : memref<10240x128xf32, #tpu.memory_space<vmem_shared>> -> memref<10240x128xf32, #tpu.memory_space<vmem_shared>>
        tpu.wait_indirect_dma semaphore(%run_scoped3A_215 : memref<!tpu.dma_semaphore, #tpu.memory_space<semaphore_mem>>) src(%arg9 : memref<128x128xf32, #tpu.memory_space<vmem>>) dst(%dma_wait3A_227 : memref<10240x128xf32, #tpu.memory_space<vmem_shared>>)
        tpu.yield
      }) : () -> ()
      %add3A_116 = arith.constant 2 : i32
      %add3A_117 = arith.addi %mul3A_74, %add3A_116 : i32
      %add3A_118 = arith.constant 2 : i32
      %add3A_119 = arith.addi %add3A_117, %add3A_118 : i32
      %lt3A_120 = arith.constant 80 : i32
      %lt3A_121 = arith.cmpi slt, %add3A_119, %lt3A_120 : i32
      %convert_element_type3A_122 = arith.extui %lt3A_121 : i1 to i32
      %cond3A_123 = arith.constant 0 : i32
      %cond3A_124 = arith.cmpi ne, %convert_element_type3A_122, %cond3A_123 : i32
      scf.if %cond3A_124 {
        %add3A_215 = arith.constant 2 : i32
        %add3A_216 = arith.addi %mul3A_74, %add3A_215 : i32
        %add3A_217 = arith.constant 2 : i32
        %add3A_218 = arith.addi %add3A_216, %add3A_217 : i32
        %dma_start3A_219 = arith.constant 0 : i32
        %dma_start3A_220 = tpu.memref_slice %arg7[%add3A_218, %dma_start3A_219] : memref<80x128xi32, #tpu.memory_space<vmem>> -> memref<1x128xi32, #tpu.memory_space<vmem>>
        %dma_start3A_221 = tpu.memref_squeeze %dma_start3A_220 : memref<1x128xi32, #tpu.memory_space<vmem>> -> memref<128xi32, #tpu.memory_space<vmem>>
        %dma_start3A_222 = arith.constant 0 : i32
        %dma_start3A_223 = arith.constant 0 : i32
        %dma_start3A_224 = tpu.memref_slice %arg2[%dma_start3A_222, %dma_start3A_223] : memref<20480x128xf32, #tpu.memory_space<hbm>> -> memref<20480x128xf32, #tpu.memory_space<hbm>>
        tpu.enqueue_indirect_dma source(%dma_start3A_224 : memref<20480x128xf32, #tpu.memory_space<hbm>>) target(%arg9 : memref<128x128xf32, #tpu.memory_space<vmem>>) offsets(%dma_start3A_221 : memref<128xi32, #tpu.memory_space<vmem>>) semaphore(%arg12 : memref<!tpu.dma_semaphore, #tpu.memory_space<semaphore_mem>>)
      } else {
      }
      %add3A_125 = arith.constant 3 : i32
      %add3A_126 = arith.addi %mul3A_74, %add3A_125 : i32
      %dma_wait3A_127 = arith.constant 0 : i32
      %dma_wait3A_128 = tpu.memref_slice %arg7[%add3A_126, %dma_wait3A_127] : memref<80x128xi32, #tpu.memory_space<vmem>> -> memref<1x128xi32, #tpu.memory_space<vmem>>
      %dma_wait3A_129 = tpu.memref_squeeze %dma_wait3A_128 : memref<1x128xi32, #tpu.memory_space<vmem>> -> memref<128xi32, #tpu.memory_space<vmem>>
      %dma_wait3A_130 = arith.constant 0 : i32
      %dma_wait3A_131 = arith.constant 0 : i32
      %dma_wait3A_132 = tpu.memref_slice %arg2[%dma_wait3A_130, %dma_wait3A_131] : memref<20480x128xf32, #tpu.memory_space<hbm>> -> memref<20480x128xf32, #tpu.memory_space<hbm>>
      tpu.wait_indirect_dma semaphore(%arg13 : memref<!tpu.dma_semaphore, #tpu.memory_space<semaphore_mem>>) src(%dma_wait3A_132 : memref<20480x128xf32, #tpu.memory_space<hbm>>) dst(%arg10 : memref<128x128xf32, #tpu.memory_space<vmem>>)
      %run_scoped3A_133 = arith.constant 3 : i32
      "tpu.region"() ({
        %run_scoped3A_215 = tpu.sem_alloc : memref<!tpu.dma_semaphore, #tpu.memory_space<semaphore_mem>>
        %dma_start3A_216 = arith.constant 0 : i32
        %dma_start3A_217 = tpu.memref_slice %arg8[%run_scoped3A_133, %dma_start3A_216] : memref<8x128xi32, #tpu.memory_space<vmem>> -> memref<1x128xi32, #tpu.memory_space<vmem>>
        %dma_start3A_218 = tpu.memref_squeeze %dma_start3A_217 : memref<1x128xi32, #tpu.memory_space<vmem>> -> memref<128xi32, #tpu.memory_space<vmem>>
        %dma_start3A_219 = arith.constant 0 : i32
        %dma_start3A_220 = arith.constant 0 : i32
        %dma_start3A_221 = tpu.memref_slice %arg11[%dma_start3A_219, %dma_start3A_220] : memref<10240x128xf32, #tpu.memory_space<vmem_shared>> -> memref<10240x128xf32, #tpu.memory_space<vmem_shared>>
        tpu.enqueue_indirect_dma source(%arg10 : memref<128x128xf32, #tpu.memory_space<vmem>>) target(%dma_start3A_221 : memref<10240x128xf32, #tpu.memory_space<vmem_shared>>) offsets(%dma_start3A_218 : memref<128xi32, #tpu.memory_space<vmem>>) semaphore(%run_scoped3A_215 : memref<!tpu.dma_semaphore, #tpu.memory_space<semaphore_mem>>) {add = true}
        %dma_wait3A_222 = arith.constant 0 : i32
        %dma_wait3A_223 = tpu.memref_slice %arg8[%run_scoped3A_133, %dma_wait3A_222] : memref<8x128xi32, #tpu.memory_space<vmem>> -> memref<1x128xi32, #tpu.memory_space<vmem>>
        %dma_wait3A_224 = tpu.memref_squeeze %dma_wait3A_223 : memref<1x128xi32, #tpu.memory_space<vmem>> -> memref<128xi32, #tpu.memory_space<vmem>>
        %dma_wait3A_225 = arith.constant 0 : i32
        %dma_wait3A_226 = arith.constant 0 : i32
        %dma_wait3A_227 = tpu.memref_slice %arg11[%dma_wait3A_225, %dma_wait3A_226] : memref<10240x128xf32, #tpu.memory_space<vmem_shared>> -> memref<10240x128xf32, #tpu.memory_space<vmem_shared>>
        tpu.wait_indirect_dma semaphore(%run_scoped3A_215 : memref<!tpu.dma_semaphore, #tpu.memory_space<semaphore_mem>>) src(%arg10 : memref<128x128xf32, #tpu.memory_space<vmem>>) dst(%dma_wait3A_227 : memref<10240x128xf32, #tpu.memory_space<vmem_shared>>)
        tpu.yield
      }) : () -> ()
      %add3A_134 = arith.constant 3 : i32
      %add3A_135 = arith.addi %mul3A_74, %add3A_134 : i32
      %add3A_136 = arith.constant 2 : i32
      %add3A_137 = arith.addi %add3A_135, %add3A_136 : i32
      %lt3A_138 = arith.constant 80 : i32
      %lt3A_139 = arith.cmpi slt, %add3A_137, %lt3A_138 : i32
      %convert_element_type3A_140 = arith.extui %lt3A_139 : i1 to i32
      %cond3A_141 = arith.constant 0 : i32
      %cond3A_142 = arith.cmpi ne, %convert_element_type3A_140, %cond3A_141 : i32
      scf.if %cond3A_142 {
        %add3A_215 = arith.constant 3 : i32
        %add3A_216 = arith.addi %mul3A_74, %add3A_215 : i32
        %add3A_217 = arith.constant 2 : i32
        %add3A_218 = arith.addi %add3A_216, %add3A_217 : i32
        %dma_start3A_219 = arith.constant 0 : i32
        %dma_start3A_220 = tpu.memref_slice %arg7[%add3A_218, %dma_start3A_219] : memref<80x128xi32, #tpu.memory_space<vmem>> -> memref<1x128xi32, #tpu.memory_space<vmem>>
        %dma_start3A_221 = tpu.memref_squeeze %dma_start3A_220 : memref<1x128xi32, #tpu.memory_space<vmem>> -> memref<128xi32, #tpu.memory_space<vmem>>
        %dma_start3A_222 = arith.constant 0 : i32
        %dma_start3A_223 = arith.constant 0 : i32
        %dma_start3A_224 = tpu.memref_slice %arg2[%dma_start3A_222, %dma_start3A_223] : memref<20480x128xf32, #tpu.memory_space<hbm>> -> memref<20480x128xf32, #tpu.memory_space<hbm>>
        tpu.enqueue_indirect_dma source(%dma_start3A_224 : memref<20480x128xf32, #tpu.memory_space<hbm>>) target(%arg10 : memref<128x128xf32, #tpu.memory_space<vmem>>) offsets(%dma_start3A_221 : memref<128xi32, #tpu.memory_space<vmem>>) semaphore(%arg13 : memref<!tpu.dma_semaphore, #tpu.memory_space<semaphore_mem>>)
      } else {
      }
      %add3A_143 = arith.constant 4 : i32
      %add3A_144 = arith.addi %mul3A_74, %add3A_143 : i32
      %dma_wait3A_145 = arith.constant 0 : i32
      %dma_wait3A_146 = tpu.memref_slice %arg7[%add3A_144, %dma_wait3A_145] : memref<80x128xi32, #tpu.memory_space<vmem>> -> memref<1x128xi32, #tpu.memory_space<vmem>>
      %dma_wait3A_147 = tpu.memref_squeeze %dma_wait3A_146 : memref<1x128xi32, #tpu.memory_space<vmem>> -> memref<128xi32, #tpu.memory_space<vmem>>
      %dma_wait3A_148 = arith.constant 0 : i32
      %dma_wait3A_149 = arith.constant 0 : i32
      %dma_wait3A_150 = tpu.memref_slice %arg2[%dma_wait3A_148, %dma_wait3A_149] : memref<20480x128xf32, #tpu.memory_space<hbm>> -> memref<20480x128xf32, #tpu.memory_space<hbm>>
      tpu.wait_indirect_dma semaphore(%arg12 : memref<!tpu.dma_semaphore, #tpu.memory_space<semaphore_mem>>) src(%dma_wait3A_150 : memref<20480x128xf32, #tpu.memory_space<hbm>>) dst(%arg9 : memref<128x128xf32, #tpu.memory_space<vmem>>)
      %run_scoped3A_151 = arith.constant 4 : i32
      "tpu.region"() ({
        %run_scoped3A_215 = tpu.sem_alloc : memref<!tpu.dma_semaphore, #tpu.memory_space<semaphore_mem>>
        %dma_start3A_216 = arith.constant 0 : i32
        %dma_start3A_217 = tpu.memref_slice %arg8[%run_scoped3A_151, %dma_start3A_216] : memref<8x128xi32, #tpu.memory_space<vmem>> -> memref<1x128xi32, #tpu.memory_space<vmem>>
        %dma_start3A_218 = tpu.memref_squeeze %dma_start3A_217 : memref<1x128xi32, #tpu.memory_space<vmem>> -> memref<128xi32, #tpu.memory_space<vmem>>
        %dma_start3A_219 = arith.constant 0 : i32
        %dma_start3A_220 = arith.constant 0 : i32
        %dma_start3A_221 = tpu.memref_slice %arg11[%dma_start3A_219, %dma_start3A_220] : memref<10240x128xf32, #tpu.memory_space<vmem_shared>> -> memref<10240x128xf32, #tpu.memory_space<vmem_shared>>
        tpu.enqueue_indirect_dma source(%arg9 : memref<128x128xf32, #tpu.memory_space<vmem>>) target(%dma_start3A_221 : memref<10240x128xf32, #tpu.memory_space<vmem_shared>>) offsets(%dma_start3A_218 : memref<128xi32, #tpu.memory_space<vmem>>) semaphore(%run_scoped3A_215 : memref<!tpu.dma_semaphore, #tpu.memory_space<semaphore_mem>>) {add = true}
        %dma_wait3A_222 = arith.constant 0 : i32
        %dma_wait3A_223 = tpu.memref_slice %arg8[%run_scoped3A_151, %dma_wait3A_222] : memref<8x128xi32, #tpu.memory_space<vmem>> -> memref<1x128xi32, #tpu.memory_space<vmem>>
        %dma_wait3A_224 = tpu.memref_squeeze %dma_wait3A_223 : memref<1x128xi32, #tpu.memory_space<vmem>> -> memref<128xi32, #tpu.memory_space<vmem>>
        %dma_wait3A_225 = arith.constant 0 : i32
        %dma_wait3A_226 = arith.constant 0 : i32
        %dma_wait3A_227 = tpu.memref_slice %arg11[%dma_wait3A_225, %dma_wait3A_226] : memref<10240x128xf32, #tpu.memory_space<vmem_shared>> -> memref<10240x128xf32, #tpu.memory_space<vmem_shared>>
        tpu.wait_indirect_dma semaphore(%run_scoped3A_215 : memref<!tpu.dma_semaphore, #tpu.memory_space<semaphore_mem>>) src(%arg9 : memref<128x128xf32, #tpu.memory_space<vmem>>) dst(%dma_wait3A_227 : memref<10240x128xf32, #tpu.memory_space<vmem_shared>>)
        tpu.yield
      }) : () -> ()
      %add3A_152 = arith.constant 4 : i32
      %add3A_153 = arith.addi %mul3A_74, %add3A_152 : i32
      %add3A_154 = arith.constant 2 : i32
      %add3A_155 = arith.addi %add3A_153, %add3A_154 : i32
      %lt3A_156 = arith.constant 80 : i32
      %lt3A_157 = arith.cmpi slt, %add3A_155, %lt3A_156 : i32
      %convert_element_type3A_158 = arith.extui %lt3A_157 : i1 to i32
      %cond3A_159 = arith.constant 0 : i32
      %cond3A_160 = arith.cmpi ne, %convert_element_type3A_158, %cond3A_159 : i32
      scf.if %cond3A_160 {
        %add3A_215 = arith.constant 4 : i32
        %add3A_216 = arith.addi %mul3A_74, %add3A_215 : i32
        %add3A_217 = arith.constant 2 : i32
        %add3A_218 = arith.addi %add3A_216, %add3A_217 : i32
        %dma_start3A_219 = arith.constant 0 : i32
        %dma_start3A_220 = tpu.memref_slice %arg7[%add3A_218, %dma_start3A_219] : memref<80x128xi32, #tpu.memory_space<vmem>> -> memref<1x128xi32, #tpu.memory_space<vmem>>
        %dma_start3A_221 = tpu.memref_squeeze %dma_start3A_220 : memref<1x128xi32, #tpu.memory_space<vmem>> -> memref<128xi32, #tpu.memory_space<vmem>>
        %dma_start3A_222 = arith.constant 0 : i32
        %dma_start3A_223 = arith.constant 0 : i32
        %dma_start3A_224 = tpu.memref_slice %arg2[%dma_start3A_222, %dma_start3A_223] : memref<20480x128xf32, #tpu.memory_space<hbm>> -> memref<20480x128xf32, #tpu.memory_space<hbm>>
        tpu.enqueue_indirect_dma source(%dma_start3A_224 : memref<20480x128xf32, #tpu.memory_space<hbm>>) target(%arg9 : memref<128x128xf32, #tpu.memory_space<vmem>>) offsets(%dma_start3A_221 : memref<128xi32, #tpu.memory_space<vmem>>) semaphore(%arg12 : memref<!tpu.dma_semaphore, #tpu.memory_space<semaphore_mem>>)
      } else {
      }
      %add3A_161 = arith.constant 5 : i32
      %add3A_162 = arith.addi %mul3A_74, %add3A_161 : i32
      %dma_wait3A_163 = arith.constant 0 : i32
      %dma_wait3A_164 = tpu.memref_slice %arg7[%add3A_162, %dma_wait3A_163] : memref<80x128xi32, #tpu.memory_space<vmem>> -> memref<1x128xi32, #tpu.memory_space<vmem>>
      %dma_wait3A_165 = tpu.memref_squeeze %dma_wait3A_164 : memref<1x128xi32, #tpu.memory_space<vmem>> -> memref<128xi32, #tpu.memory_space<vmem>>
      %dma_wait3A_166 = arith.constant 0 : i32
      %dma_wait3A_167 = arith.constant 0 : i32
      %dma_wait3A_168 = tpu.memref_slice %arg2[%dma_wait3A_166, %dma_wait3A_167] : memref<20480x128xf32, #tpu.memory_space<hbm>> -> memref<20480x128xf32, #tpu.memory_space<hbm>>
      tpu.wait_indirect_dma semaphore(%arg13 : memref<!tpu.dma_semaphore, #tpu.memory_space<semaphore_mem>>) src(%dma_wait3A_168 : memref<20480x128xf32, #tpu.memory_space<hbm>>) dst(%arg10 : memref<128x128xf32, #tpu.memory_space<vmem>>)
      %run_scoped3A_169 = arith.constant 5 : i32
      "tpu.region"() ({
        %run_scoped3A_215 = tpu.sem_alloc : memref<!tpu.dma_semaphore, #tpu.memory_space<semaphore_mem>>
        %dma_start3A_216 = arith.constant 0 : i32
        %dma_start3A_217 = tpu.memref_slice %arg8[%run_scoped3A_169, %dma_start3A_216] : memref<8x128xi32, #tpu.memory_space<vmem>> -> memref<1x128xi32, #tpu.memory_space<vmem>>
        %dma_start3A_218 = tpu.memref_squeeze %dma_start3A_217 : memref<1x128xi32, #tpu.memory_space<vmem>> -> memref<128xi32, #tpu.memory_space<vmem>>
        %dma_start3A_219 = arith.constant 0 : i32
        %dma_start3A_220 = arith.constant 0 : i32
        %dma_start3A_221 = tpu.memref_slice %arg11[%dma_start3A_219, %dma_start3A_220] : memref<10240x128xf32, #tpu.memory_space<vmem_shared>> -> memref<10240x128xf32, #tpu.memory_space<vmem_shared>>
        tpu.enqueue_indirect_dma source(%arg10 : memref<128x128xf32, #tpu.memory_space<vmem>>) target(%dma_start3A_221 : memref<10240x128xf32, #tpu.memory_space<vmem_shared>>) offsets(%dma_start3A_218 : memref<128xi32, #tpu.memory_space<vmem>>) semaphore(%run_scoped3A_215 : memref<!tpu.dma_semaphore, #tpu.memory_space<semaphore_mem>>) {add = true}
        %dma_wait3A_222 = arith.constant 0 : i32
        %dma_wait3A_223 = tpu.memref_slice %arg8[%run_scoped3A_169, %dma_wait3A_222] : memref<8x128xi32, #tpu.memory_space<vmem>> -> memref<1x128xi32, #tpu.memory_space<vmem>>
        %dma_wait3A_224 = tpu.memref_squeeze %dma_wait3A_223 : memref<1x128xi32, #tpu.memory_space<vmem>> -> memref<128xi32, #tpu.memory_space<vmem>>
        %dma_wait3A_225 = arith.constant 0 : i32
        %dma_wait3A_226 = arith.constant 0 : i32
        %dma_wait3A_227 = tpu.memref_slice %arg11[%dma_wait3A_225, %dma_wait3A_226] : memref<10240x128xf32, #tpu.memory_space<vmem_shared>> -> memref<10240x128xf32, #tpu.memory_space<vmem_shared>>
        tpu.wait_indirect_dma semaphore(%run_scoped3A_215 : memref<!tpu.dma_semaphore, #tpu.memory_space<semaphore_mem>>) src(%arg10 : memref<128x128xf32, #tpu.memory_space<vmem>>) dst(%dma_wait3A_227 : memref<10240x128xf32, #tpu.memory_space<vmem_shared>>)
        tpu.yield
      }) : () -> ()
      %add3A_170 = arith.constant 5 : i32
      %add3A_171 = arith.addi %mul3A_74, %add3A_170 : i32
      %add3A_172 = arith.constant 2 : i32
      %add3A_173 = arith.addi %add3A_171, %add3A_172 : i32
      %lt3A_174 = arith.constant 80 : i32
      %lt3A_175 = arith.cmpi slt, %add3A_173, %lt3A_174 : i32
      %convert_element_type3A_176 = arith.extui %lt3A_175 : i1 to i32
      %cond3A_177 = arith.constant 0 : i32
      %cond3A_178 = arith.cmpi ne, %convert_element_type3A_176, %cond3A_177 : i32
      scf.if %cond3A_178 {
        %add3A_215 = arith.constant 5 : i32
        %add3A_216 = arith.addi %mul3A_74, %add3A_215 : i32
        %add3A_217 = arith.constant 2 : i32
        %add3A_218 = arith.addi %add3A_216, %add3A_217 : i32
        %dma_start3A_219 = arith.constant 0 : i32
        %dma_start3A_220 = tpu.memref_slice %arg7[%add3A_218, %dma_start3A_219] : memref<80x128xi32, #tpu.memory_space<vmem>> -> memref<1x128xi32, #tpu.memory_space<vmem>>
        %dma_start3A_221 = tpu.memref_squeeze %dma_start3A_220 : memref<1x128xi32, #tpu.memory_space<vmem>> -> memref<128xi32, #tpu.memory_space<vmem>>
        %dma_start3A_222 = arith.constant 0 : i32
        %dma_start3A_223 = arith.constant 0 : i32
        %dma_start3A_224 = tpu.memref_slice %arg2[%dma_start3A_222, %dma_start3A_223] : memref<20480x128xf32, #tpu.memory_space<hbm>> -> memref<20480x128xf32, #tpu.memory_space<hbm>>
        tpu.enqueue_indirect_dma source(%dma_start3A_224 : memref<20480x128xf32, #tpu.memory_space<hbm>>) target(%arg10 : memref<128x128xf32, #tpu.memory_space<vmem>>) offsets(%dma_start3A_221 : memref<128xi32, #tpu.memory_space<vmem>>) semaphore(%arg13 : memref<!tpu.dma_semaphore, #tpu.memory_space<semaphore_mem>>)
      } else {
      }
      %add3A_179 = arith.constant 6 : i32
      %add3A_180 = arith.addi %mul3A_74, %add3A_179 : i32
      %dma_wait3A_181 = arith.constant 0 : i32
      %dma_wait3A_182 = tpu.memref_slice %arg7[%add3A_180, %dma_wait3A_181] : memref<80x128xi32, #tpu.memory_space<vmem>> -> memref<1x128xi32, #tpu.memory_space<vmem>>
      %dma_wait3A_183 = tpu.memref_squeeze %dma_wait3A_182 : memref<1x128xi32, #tpu.memory_space<vmem>> -> memref<128xi32, #tpu.memory_space<vmem>>
      %dma_wait3A_184 = arith.constant 0 : i32
      %dma_wait3A_185 = arith.constant 0 : i32
      %dma_wait3A_186 = tpu.memref_slice %arg2[%dma_wait3A_184, %dma_wait3A_185] : memref<20480x128xf32, #tpu.memory_space<hbm>> -> memref<20480x128xf32, #tpu.memory_space<hbm>>
      tpu.wait_indirect_dma semaphore(%arg12 : memref<!tpu.dma_semaphore, #tpu.memory_space<semaphore_mem>>) src(%dma_wait3A_186 : memref<20480x128xf32, #tpu.memory_space<hbm>>) dst(%arg9 : memref<128x128xf32, #tpu.memory_space<vmem>>)
      %run_scoped3A_187 = arith.constant 6 : i32
      "tpu.region"() ({
        %run_scoped3A_215 = tpu.sem_alloc : memref<!tpu.dma_semaphore, #tpu.memory_space<semaphore_mem>>
        %dma_start3A_216 = arith.constant 0 : i32
        %dma_start3A_217 = tpu.memref_slice %arg8[%run_scoped3A_187, %dma_start3A_216] : memref<8x128xi32, #tpu.memory_space<vmem>> -> memref<1x128xi32, #tpu.memory_space<vmem>>
        %dma_start3A_218 = tpu.memref_squeeze %dma_start3A_217 : memref<1x128xi32, #tpu.memory_space<vmem>> -> memref<128xi32, #tpu.memory_space<vmem>>
        %dma_start3A_219 = arith.constant 0 : i32
        %dma_start3A_220 = arith.constant 0 : i32
        %dma_start3A_221 = tpu.memref_slice %arg11[%dma_start3A_219, %dma_start3A_220] : memref<10240x128xf32, #tpu.memory_space<vmem_shared>> -> memref<10240x128xf32, #tpu.memory_space<vmem_shared>>
        tpu.enqueue_indirect_dma source(%arg9 : memref<128x128xf32, #tpu.memory_space<vmem>>) target(%dma_start3A_221 : memref<10240x128xf32, #tpu.memory_space<vmem_shared>>) offsets(%dma_start3A_218 : memref<128xi32, #tpu.memory_space<vmem>>) semaphore(%run_scoped3A_215 : memref<!tpu.dma_semaphore, #tpu.memory_space<semaphore_mem>>) {add = true}
        %dma_wait3A_222 = arith.constant 0 : i32
        %dma_wait3A_223 = tpu.memref_slice %arg8[%run_scoped3A_187, %dma_wait3A_222] : memref<8x128xi32, #tpu.memory_space<vmem>> -> memref<1x128xi32, #tpu.memory_space<vmem>>
        %dma_wait3A_224 = tpu.memref_squeeze %dma_wait3A_223 : memref<1x128xi32, #tpu.memory_space<vmem>> -> memref<128xi32, #tpu.memory_space<vmem>>
        %dma_wait3A_225 = arith.constant 0 : i32
        %dma_wait3A_226 = arith.constant 0 : i32
        %dma_wait3A_227 = tpu.memref_slice %arg11[%dma_wait3A_225, %dma_wait3A_226] : memref<10240x128xf32, #tpu.memory_space<vmem_shared>> -> memref<10240x128xf32, #tpu.memory_space<vmem_shared>>
        tpu.wait_indirect_dma semaphore(%run_scoped3A_215 : memref<!tpu.dma_semaphore, #tpu.memory_space<semaphore_mem>>) src(%arg9 : memref<128x128xf32, #tpu.memory_space<vmem>>) dst(%dma_wait3A_227 : memref<10240x128xf32, #tpu.memory_space<vmem_shared>>)
        tpu.yield
      }) : () -> ()
      %add3A_188 = arith.constant 6 : i32
      %add3A_189 = arith.addi %mul3A_74, %add3A_188 : i32
      %add3A_190 = arith.constant 2 : i32
      %add3A_191 = arith.addi %add3A_189, %add3A_190 : i32
      %lt3A_192 = arith.constant 80 : i32
      %lt3A_193 = arith.cmpi slt, %add3A_191, %lt3A_192 : i32
      %convert_element_type3A_194 = arith.extui %lt3A_193 : i1 to i32
      %cond3A_195 = arith.constant 0 : i32
      %cond3A_196 = arith.cmpi ne, %convert_element_type3A_194, %cond3A_195 : i32
      scf.if %cond3A_196 {
        %add3A_215 = arith.constant 6 : i32
        %add3A_216 = arith.addi %mul3A_74, %add3A_215 : i32
        %add3A_217 = arith.constant 2 : i32
        %add3A_218 = arith.addi %add3A_216, %add3A_217 : i32
        %dma_start3A_219 = arith.constant 0 : i32
        %dma_start3A_220 = tpu.memref_slice %arg7[%add3A_218, %dma_start3A_219] : memref<80x128xi32, #tpu.memory_space<vmem>> -> memref<1x128xi32, #tpu.memory_space<vmem>>
        %dma_start3A_221 = tpu.memref_squeeze %dma_start3A_220 : memref<1x128xi32, #tpu.memory_space<vmem>> -> memref<128xi32, #tpu.memory_space<vmem>>
        %dma_start3A_222 = arith.constant 0 : i32
        %dma_start3A_223 = arith.constant 0 : i32
        %dma_start3A_224 = tpu.memref_slice %arg2[%dma_start3A_222, %dma_start3A_223] : memref<20480x128xf32, #tpu.memory_space<hbm>> -> memref<20480x128xf32, #tpu.memory_space<hbm>>
        tpu.enqueue_indirect_dma source(%dma_start3A_224 : memref<20480x128xf32, #tpu.memory_space<hbm>>) target(%arg9 : memref<128x128xf32, #tpu.memory_space<vmem>>) offsets(%dma_start3A_221 : memref<128xi32, #tpu.memory_space<vmem>>) semaphore(%arg12 : memref<!tpu.dma_semaphore, #tpu.memory_space<semaphore_mem>>)
      } else {
      }
      %add3A_197 = arith.constant 7 : i32
      %add3A_198 = arith.addi %mul3A_74, %add3A_197 : i32
      %dma_wait3A_199 = arith.constant 0 : i32
      %dma_wait3A_200 = tpu.memref_slice %arg7[%add3A_198, %dma_wait3A_199] : memref<80x128xi32, #tpu.memory_space<vmem>> -> memref<1x128xi32, #tpu.memory_space<vmem>>
      %dma_wait3A_201 = tpu.memref_squeeze %dma_wait3A_200 : memref<1x128xi32, #tpu.memory_space<vmem>> -> memref<128xi32, #tpu.memory_space<vmem>>
      %dma_wait3A_202 = arith.constant 0 : i32
      %dma_wait3A_203 = arith.constant 0 : i32
      %dma_wait3A_204 = tpu.memref_slice %arg2[%dma_wait3A_202, %dma_wait3A_203] : memref<20480x128xf32, #tpu.memory_space<hbm>> -> memref<20480x128xf32, #tpu.memory_space<hbm>>
      tpu.wait_indirect_dma semaphore(%arg13 : memref<!tpu.dma_semaphore, #tpu.memory_space<semaphore_mem>>) src(%dma_wait3A_204 : memref<20480x128xf32, #tpu.memory_space<hbm>>) dst(%arg10 : memref<128x128xf32, #tpu.memory_space<vmem>>)
      %run_scoped3A_205 = arith.constant 7 : i32
      "tpu.region"() ({
        %run_scoped3A_215 = tpu.sem_alloc : memref<!tpu.dma_semaphore, #tpu.memory_space<semaphore_mem>>
        %dma_start3A_216 = arith.constant 0 : i32
        %dma_start3A_217 = tpu.memref_slice %arg8[%run_scoped3A_205, %dma_start3A_216] : memref<8x128xi32, #tpu.memory_space<vmem>> -> memref<1x128xi32, #tpu.memory_space<vmem>>
        %dma_start3A_218 = tpu.memref_squeeze %dma_start3A_217 : memref<1x128xi32, #tpu.memory_space<vmem>> -> memref<128xi32, #tpu.memory_space<vmem>>
        %dma_start3A_219 = arith.constant 0 : i32
        %dma_start3A_220 = arith.constant 0 : i32
        %dma_start3A_221 = tpu.memref_slice %arg11[%dma_start3A_219, %dma_start3A_220] : memref<10240x128xf32, #tpu.memory_space<vmem_shared>> -> memref<10240x128xf32, #tpu.memory_space<vmem_shared>>
        tpu.enqueue_indirect_dma source(%arg10 : memref<128x128xf32, #tpu.memory_space<vmem>>) target(%dma_start3A_221 : memref<10240x128xf32, #tpu.memory_space<vmem_shared>>) offsets(%dma_start3A_218 : memref<128xi32, #tpu.memory_space<vmem>>) semaphore(%run_scoped3A_215 : memref<!tpu.dma_semaphore, #tpu.memory_space<semaphore_mem>>) {add = true}
        %dma_wait3A_222 = arith.constant 0 : i32
        %dma_wait3A_223 = tpu.memref_slice %arg8[%run_scoped3A_205, %dma_wait3A_222] : memref<8x128xi32, #tpu.memory_space<vmem>> -> memref<1x128xi32, #tpu.memory_space<vmem>>
        %dma_wait3A_224 = tpu.memref_squeeze %dma_wait3A_223 : memref<1x128xi32, #tpu.memory_space<vmem>> -> memref<128xi32, #tpu.memory_space<vmem>>
        %dma_wait3A_225 = arith.constant 0 : i32
        %dma_wait3A_226 = arith.constant 0 : i32
        %dma_wait3A_227 = tpu.memref_slice %arg11[%dma_wait3A_225, %dma_wait3A_226] : memref<10240x128xf32, #tpu.memory_space<vmem_shared>> -> memref<10240x128xf32, #tpu.memory_space<vmem_shared>>
        tpu.wait_indirect_dma semaphore(%run_scoped3A_215 : memref<!tpu.dma_semaphore, #tpu.memory_space<semaphore_mem>>) src(%arg10 : memref<128x128xf32, #tpu.memory_space<vmem>>) dst(%dma_wait3A_227 : memref<10240x128xf32, #tpu.memory_space<vmem_shared>>)
        tpu.yield
      }) : () -> ()
      %add3A_206 = arith.constant 7 : i32
      %add3A_207 = arith.addi %mul3A_74, %add3A_206 : i32
      %add3A_208 = arith.constant 2 : i32
      %add3A_209 = arith.addi %add3A_207, %add3A_208 : i32
      %lt3A_210 = arith.constant 80 : i32
      %lt3A_211 = arith.cmpi slt, %add3A_209, %lt3A_210 : i32
      %convert_element_type3A_212 = arith.extui %lt3A_211 : i1 to i32
      %cond3A_213 = arith.constant 0 : i32
      %cond3A_214 = arith.cmpi ne, %convert_element_type3A_212, %cond3A_213 : i32
      scf.if %cond3A_214 {
        %add3A_215 = arith.constant 7 : i32
        %add3A_216 = arith.addi %mul3A_74, %add3A_215 : i32
        %add3A_217 = arith.constant 2 : i32
        %add3A_218 = arith.addi %add3A_216, %add3A_217 : i32
        %dma_start3A_219 = arith.constant 0 : i32
        %dma_start3A_220 = tpu.memref_slice %arg7[%add3A_218, %dma_start3A_219] : memref<80x128xi32, #tpu.memory_space<vmem>> -> memref<1x128xi32, #tpu.memory_space<vmem>>
        %dma_start3A_221 = tpu.memref_squeeze %dma_start3A_220 : memref<1x128xi32, #tpu.memory_space<vmem>> -> memref<128xi32, #tpu.memory_space<vmem>>
        %dma_start3A_222 = arith.constant 0 : i32
        %dma_start3A_223 = arith.constant 0 : i32
        %dma_start3A_224 = tpu.memref_slice %arg2[%dma_start3A_222, %dma_start3A_223] : memref<20480x128xf32, #tpu.memory_space<hbm>> -> memref<20480x128xf32, #tpu.memory_space<hbm>>
        tpu.enqueue_indirect_dma source(%dma_start3A_224 : memref<20480x128xf32, #tpu.memory_space<hbm>>) target(%arg10 : memref<128x128xf32, #tpu.memory_space<vmem>>) offsets(%dma_start3A_221 : memref<128xi32, #tpu.memory_space<vmem>>) semaphore(%arg13 : memref<!tpu.dma_semaphore, #tpu.memory_space<semaphore_mem>>)
      } else {
      }
    }
    %scan3A_31 = arith.constant 10 : i32
    %barrier3A_32 = arith.constant 0 : index
    tpu.barrier barrier_id(%barrier3A_32)
    %add3A_33 = arith.constant 0 : i32
    %add3A_34 = arith.addi %mul3A_0, %add3A_33 : i32
    "tpu.region"() ({
      %run_scoped3A = tpu.sem_alloc : memref<!tpu.dma_semaphore, #tpu.memory_space<semaphore_mem>>
      %dma_start3A_68 = arith.constant 0 : i32
      %dma_start3A_69 = tpu.memref_slice %arg11[%add3A_34, %dma_start3A_68] : memref<10240x128xf32, #tpu.memory_space<vmem_shared>> -> memref<128x128xf32, #tpu.memory_space<vmem_shared>>
      %dma_start3A_70 = arith.constant 0 : i32
      %dma_start3A_71 = tpu.memref_slice %arg11[%add3A_34, %dma_start3A_70] : memref<10240x128xf32, #tpu.memory_space<vmem_shared>> -> memref<128x128xf32, #tpu.memory_space<vmem_shared>>
      tpu.enqueue_dma source(%dma_start3A_71 : memref<128x128xf32, #tpu.memory_space<vmem_shared>>) target(%arg9 : memref<128x128xf32, #tpu.memory_space<vmem>>) target_semaphore(%run_scoped3A : memref<!tpu.dma_semaphore, #tpu.memory_space<semaphore_mem>>)
      %dma_wait3A = arith.constant 0 : i32
      %dma_wait3A_72 = tpu.memref_slice %arg11[%add3A_34, %dma_wait3A] : memref<10240x128xf32, #tpu.memory_space<vmem_shared>> -> memref<128x128xf32, #tpu.memory_space<vmem_shared>>
      %dma_wait3A_73 = arith.constant 0 : i32
      %dma_wait3A_74 = tpu.memref_slice %arg11[%add3A_34, %dma_wait3A_73] : memref<10240x128xf32, #tpu.memory_space<vmem_shared>> -> memref<128x128xf32, #tpu.memory_space<vmem_shared>>
      tpu.wait_dma2 semaphore(%run_scoped3A : memref<!tpu.dma_semaphore, #tpu.memory_space<semaphore_mem>>) src(%dma_wait3A_74 : memref<128x128xf32, #tpu.memory_space<vmem_shared>>) dst(%arg9 : memref<128x128xf32, #tpu.memory_space<vmem>>)
      tpu.yield
    }) : () -> ()
    %mul3A_35 = arith.constant 10240 : i32
    %mul3A_36 = arith.muli %arg0, %mul3A_35 : i32
    %add3A_37 = arith.addi %mul3A_36, %mul3A_0 : i32
    %add3A_38 = arith.constant 0 : i32
    %add3A_39 = arith.addi %add3A_37, %add3A_38 : i32
    "tpu.region"() ({
      %run_scoped3A = tpu.sem_alloc : memref<!tpu.dma_semaphore, #tpu.memory_space<semaphore_mem>>
      %dma_start3A_68 = arith.constant 0 : i32
      %dma_start3A_69 = tpu.memref_slice %arg6[%add3A_39, %dma_start3A_68] : memref<20480x128xf32, #tpu.memory_space<hbm>> -> memref<128x128xf32, #tpu.memory_space<hbm>>
      %dma_start3A_70 = arith.constant 0 : i32
      %dma_start3A_71 = tpu.memref_slice %arg6[%add3A_39, %dma_start3A_70] : memref<20480x128xf32, #tpu.memory_space<hbm>> -> memref<128x128xf32, #tpu.memory_space<hbm>>
      tpu.enqueue_dma source(%arg9 : memref<128x128xf32, #tpu.memory_space<vmem>>) target(%dma_start3A_71 : memref<128x128xf32, #tpu.memory_space<hbm>>) target_semaphore(%run_scoped3A : memref<!tpu.dma_semaphore, #tpu.memory_space<semaphore_mem>>)
      %dma_wait3A = arith.constant 0 : i32
      %dma_wait3A_72 = tpu.memref_slice %arg6[%add3A_39, %dma_wait3A] : memref<20480x128xf32, #tpu.memory_space<hbm>> -> memref<128x128xf32, #tpu.memory_space<hbm>>
      %dma_wait3A_73 = arith.constant 0 : i32
      %dma_wait3A_74 = tpu.memref_slice %arg6[%add3A_39, %dma_wait3A_73] : memref<20480x128xf32, #tpu.memory_space<hbm>> -> memref<128x128xf32, #tpu.memory_space<hbm>>
      tpu.wait_dma2 semaphore(%run_scoped3A : memref<!tpu.dma_semaphore, #tpu.memory_space<semaphore_mem>>) src(%arg9 : memref<128x128xf32, #tpu.memory_space<vmem>>) dst(%dma_wait3A_74 : memref<128x128xf32, #tpu.memory_space<hbm>>)
      tpu.yield
    }) : () -> ()
    %add3A_40 = arith.constant 128 : i32
    %add3A_41 = arith.addi %mul3A_0, %add3A_40 : i32
    "tpu.region"() ({
      %run_scoped3A = tpu.sem_alloc : memref<!tpu.dma_semaphore, #tpu.memory_space<semaphore_mem>>
      %dma_start3A_68 = arith.constant 0 : i32
      %dma_start3A_69 = tpu.memref_slice %arg11[%add3A_41, %dma_start3A_68] : memref<10240x128xf32, #tpu.memory_space<vmem_shared>> -> memref<128x128xf32, #tpu.memory_space<vmem_shared>>
      %dma_start3A_70 = arith.constant 0 : i32
      %dma_start3A_71 = tpu.memref_slice %arg11[%add3A_41, %dma_start3A_70] : memref<10240x128xf32, #tpu.memory_space<vmem_shared>> -> memref<128x128xf32, #tpu.memory_space<vmem_shared>>
      tpu.enqueue_dma source(%dma_start3A_71 : memref<128x128xf32, #tpu.memory_space<vmem_shared>>) target(%arg9 : memref<128x128xf32, #tpu.memory_space<vmem>>) target_semaphore(%run_scoped3A : memref<!tpu.dma_semaphore, #tpu.memory_space<semaphore_mem>>)
      %dma_wait3A = arith.constant 0 : i32
      %dma_wait3A_72 = tpu.memref_slice %arg11[%add3A_41, %dma_wait3A] : memref<10240x128xf32, #tpu.memory_space<vmem_shared>> -> memref<128x128xf32, #tpu.memory_space<vmem_shared>>
      %dma_wait3A_73 = arith.constant 0 : i32
      %dma_wait3A_74 = tpu.memref_slice %arg11[%add3A_41, %dma_wait3A_73] : memref<10240x128xf32, #tpu.memory_space<vmem_shared>> -> memref<128x128xf32, #tpu.memory_space<vmem_shared>>
      tpu.wait_dma2 semaphore(%run_scoped3A : memref<!tpu.dma_semaphore, #tpu.memory_space<semaphore_mem>>) src(%dma_wait3A_74 : memref<128x128xf32, #tpu.memory_space<vmem_shared>>) dst(%arg9 : memref<128x128xf32, #tpu.memory_space<vmem>>)
      tpu.yield
    }) : () -> ()
    %mul3A_42 = arith.constant 10240 : i32
    %mul3A_43 = arith.muli %arg0, %mul3A_42 : i32
    %add3A_44 = arith.addi %mul3A_43, %mul3A_0 : i32
    %add3A_45 = arith.constant 128 : i32
    %add3A_46 = arith.addi %add3A_44, %add3A_45 : i32
    "tpu.region"() ({
      %run_scoped3A = tpu.sem_alloc : memref<!tpu.dma_semaphore, #tpu.memory_space<semaphore_mem>>
      %dma_start3A_68 = arith.constant 0 : i32
      %dma_start3A_69 = tpu.memref_slice %arg6[%add3A_46, %dma_start3A_68] : memref<20480x128xf32, #tpu.memory_space<hbm>> -> memref<128x128xf32, #tpu.memory_space<hbm>>
      %dma_start3A_70 = arith.constant 0 : i32
      %dma_start3A_71 = tpu.memref_slice %arg6[%add3A_46, %dma_start3A_70] : memref<20480x128xf32, #tpu.memory_space<hbm>> -> memref<128x128xf32, #tpu.memory_space<hbm>>
      tpu.enqueue_dma source(%arg9 : memref<128x128xf32, #tpu.memory_space<vmem>>) target(%dma_start3A_71 : memref<128x128xf32, #tpu.memory_space<hbm>>) target_semaphore(%run_scoped3A : memref<!tpu.dma_semaphore, #tpu.memory_space<semaphore_mem>>)
      %dma_wait3A = arith.constant 0 : i32
      %dma_wait3A_72 = tpu.memref_slice %arg6[%add3A_46, %dma_wait3A] : memref<20480x128xf32, #tpu.memory_space<hbm>> -> memref<128x128xf32, #tpu.memory_space<hbm>>
      %dma_wait3A_73 = arith.constant 0 : i32
      %dma_wait3A_74 = tpu.memref_slice %arg6[%add3A_46, %dma_wait3A_73] : memref<20480x128xf32, #tpu.memory_space<hbm>> -> memref<128x128xf32, #tpu.memory_space<hbm>>
      tpu.wait_dma2 semaphore(%run_scoped3A : memref<!tpu.dma_semaphore, #tpu.memory_space<semaphore_mem>>) src(%arg9 : memref<128x128xf32, #tpu.memory_space<vmem>>) dst(%dma_wait3A_74 : memref<128x128xf32, #tpu.memory_space<hbm>>)
      tpu.yield
    }) : () -> ()
    %add3A_47 = arith.constant 256 : i32
    %add3A_48 = arith.addi %mul3A_0, %add3A_47 : i32
    "tpu.region"() ({
      %run_scoped3A = tpu.sem_alloc : memref<!tpu.dma_semaphore, #tpu.memory_space<semaphore_mem>>
      %dma_start3A_68 = arith.constant 0 : i32
      %dma_start3A_69 = tpu.memref_slice %arg11[%add3A_48, %dma_start3A_68] : memref<10240x128xf32, #tpu.memory_space<vmem_shared>> -> memref<128x128xf32, #tpu.memory_space<vmem_shared>>
      %dma_start3A_70 = arith.constant 0 : i32
      %dma_start3A_71 = tpu.memref_slice %arg11[%add3A_48, %dma_start3A_70] : memref<10240x128xf32, #tpu.memory_space<vmem_shared>> -> memref<128x128xf32, #tpu.memory_space<vmem_shared>>
      tpu.enqueue_dma source(%dma_start3A_71 : memref<128x128xf32, #tpu.memory_space<vmem_shared>>) target(%arg9 : memref<128x128xf32, #tpu.memory_space<vmem>>) target_semaphore(%run_scoped3A : memref<!tpu.dma_semaphore, #tpu.memory_space<semaphore_mem>>)
      %dma_wait3A = arith.constant 0 : i32
      %dma_wait3A_72 = tpu.memref_slice %arg11[%add3A_48, %dma_wait3A] : memref<10240x128xf32, #tpu.memory_space<vmem_shared>> -> memref<128x128xf32, #tpu.memory_space<vmem_shared>>
      %dma_wait3A_73 = arith.constant 0 : i32
      %dma_wait3A_74 = tpu.memref_slice %arg11[%add3A_48, %dma_wait3A_73] : memref<10240x128xf32, #tpu.memory_space<vmem_shared>> -> memref<128x128xf32, #tpu.memory_space<vmem_shared>>
      tpu.wait_dma2 semaphore(%run_scoped3A : memref<!tpu.dma_semaphore, #tpu.memory_space<semaphore_mem>>) src(%dma_wait3A_74 : memref<128x128xf32, #tpu.memory_space<vmem_shared>>) dst(%arg9 : memref<128x128xf32, #tpu.memory_space<vmem>>)
      tpu.yield
    }) : () -> ()
    %mul3A_49 = arith.constant 10240 : i32
    %mul3A_50 = arith.muli %arg0, %mul3A_49 : i32
    %add3A_51 = arith.addi %mul3A_50, %mul3A_0 : i32
    %add3A_52 = arith.constant 256 : i32
    %add3A_53 = arith.addi %add3A_51, %add3A_52 : i32
    "tpu.region"() ({
      %run_scoped3A = tpu.sem_alloc : memref<!tpu.dma_semaphore, #tpu.memory_space<semaphore_mem>>
      %dma_start3A_68 = arith.constant 0 : i32
      %dma_start3A_69 = tpu.memref_slice %arg6[%add3A_53, %dma_start3A_68] : memref<20480x128xf32, #tpu.memory_space<hbm>> -> memref<128x128xf32, #tpu.memory_space<hbm>>
      %dma_start3A_70 = arith.constant 0 : i32
      %dma_start3A_71 = tpu.memref_slice %arg6[%add3A_53, %dma_start3A_70] : memref<20480x128xf32, #tpu.memory_space<hbm>> -> memref<128x128xf32, #tpu.memory_space<hbm>>
      tpu.enqueue_dma source(%arg9 : memref<128x128xf32, #tpu.memory_space<vmem>>) target(%dma_start3A_71 : memref<128x128xf32, #tpu.memory_space<hbm>>) target_semaphore(%run_scoped3A : memref<!tpu.dma_semaphore, #tpu.memory_space<semaphore_mem>>)
      %dma_wait3A = arith.constant 0 : i32
      %dma_wait3A_72 = tpu.memref_slice %arg6[%add3A_53, %dma_wait3A] : memref<20480x128xf32, #tpu.memory_space<hbm>> -> memref<128x128xf32, #tpu.memory_space<hbm>>
      %dma_wait3A_73 = arith.constant 0 : i32
      %dma_wait3A_74 = tpu.memref_slice %arg6[%add3A_53, %dma_wait3A_73] : memref<20480x128xf32, #tpu.memory_space<hbm>> -> memref<128x128xf32, #tpu.memory_space<hbm>>
      tpu.wait_dma2 semaphore(%run_scoped3A : memref<!tpu.dma_semaphore, #tpu.memory_space<semaphore_mem>>) src(%arg9 : memref<128x128xf32, #tpu.memory_space<vmem>>) dst(%dma_wait3A_74 : memref<128x128xf32, #tpu.memory_space<hbm>>)
      tpu.yield
    }) : () -> ()
    %add3A_54 = arith.constant 384 : i32
    %add3A_55 = arith.addi %mul3A_0, %add3A_54 : i32
    "tpu.region"() ({
      %run_scoped3A = tpu.sem_alloc : memref<!tpu.dma_semaphore, #tpu.memory_space<semaphore_mem>>
      %dma_start3A_68 = arith.constant 0 : i32
      %dma_start3A_69 = tpu.memref_slice %arg11[%add3A_55, %dma_start3A_68] : memref<10240x128xf32, #tpu.memory_space<vmem_shared>> -> memref<128x128xf32, #tpu.memory_space<vmem_shared>>
      %dma_start3A_70 = arith.constant 0 : i32
      %dma_start3A_71 = tpu.memref_slice %arg11[%add3A_55, %dma_start3A_70] : memref<10240x128xf32, #tpu.memory_space<vmem_shared>> -> memref<128x128xf32, #tpu.memory_space<vmem_shared>>
      tpu.enqueue_dma source(%dma_start3A_71 : memref<128x128xf32, #tpu.memory_space<vmem_shared>>) target(%arg9 : memref<128x128xf32, #tpu.memory_space<vmem>>) target_semaphore(%run_scoped3A : memref<!tpu.dma_semaphore, #tpu.memory_space<semaphore_mem>>)
      %dma_wait3A = arith.constant 0 : i32
      %dma_wait3A_72 = tpu.memref_slice %arg11[%add3A_55, %dma_wait3A] : memref<10240x128xf32, #tpu.memory_space<vmem_shared>> -> memref<128x128xf32, #tpu.memory_space<vmem_shared>>
      %dma_wait3A_73 = arith.constant 0 : i32
      %dma_wait3A_74 = tpu.memref_slice %arg11[%add3A_55, %dma_wait3A_73] : memref<10240x128xf32, #tpu.memory_space<vmem_shared>> -> memref<128x128xf32, #tpu.memory_space<vmem_shared>>
      tpu.wait_dma2 semaphore(%run_scoped3A : memref<!tpu.dma_semaphore, #tpu.memory_space<semaphore_mem>>) src(%dma_wait3A_74 : memref<128x128xf32, #tpu.memory_space<vmem_shared>>) dst(%arg9 : memref<128x128xf32, #tpu.memory_space<vmem>>)
      tpu.yield
    }) : () -> ()
    %mul3A_56 = arith.constant 10240 : i32
    %mul3A_57 = arith.muli %arg0, %mul3A_56 : i32
    %add3A_58 = arith.addi %mul3A_57, %mul3A_0 : i32
    %add3A_59 = arith.constant 384 : i32
    %add3A_60 = arith.addi %add3A_58, %add3A_59 : i32
    "tpu.region"() ({
      %run_scoped3A = tpu.sem_alloc : memref<!tpu.dma_semaphore, #tpu.memory_space<semaphore_mem>>
      %dma_start3A_68 = arith.constant 0 : i32
      %dma_start3A_69 = tpu.memref_slice %arg6[%add3A_60, %dma_start3A_68] : memref<20480x128xf32, #tpu.memory_space<hbm>> -> memref<128x128xf32, #tpu.memory_space<hbm>>
      %dma_start3A_70 = arith.constant 0 : i32
      %dma_start3A_71 = tpu.memref_slice %arg6[%add3A_60, %dma_start3A_70] : memref<20480x128xf32, #tpu.memory_space<hbm>> -> memref<128x128xf32, #tpu.memory_space<hbm>>
      tpu.enqueue_dma source(%arg9 : memref<128x128xf32, #tpu.memory_space<vmem>>) target(%dma_start3A_71 : memref<128x128xf32, #tpu.memory_space<hbm>>) target_semaphore(%run_scoped3A : memref<!tpu.dma_semaphore, #tpu.memory_space<semaphore_mem>>)
      %dma_wait3A = arith.constant 0 : i32
      %dma_wait3A_72 = tpu.memref_slice %arg6[%add3A_60, %dma_wait3A] : memref<20480x128xf32, #tpu.memory_space<hbm>> -> memref<128x128xf32, #tpu.memory_space<hbm>>
      %dma_wait3A_73 = arith.constant 0 : i32
      %dma_wait3A_74 = tpu.memref_slice %arg6[%add3A_60, %dma_wait3A_73] : memref<20480x128xf32, #tpu.memory_space<hbm>> -> memref<128x128xf32, #tpu.memory_space<hbm>>
      tpu.wait_dma2 semaphore(%run_scoped3A : memref<!tpu.dma_semaphore, #tpu.memory_space<semaphore_mem>>) src(%arg9 : memref<128x128xf32, #tpu.memory_space<vmem>>) dst(%dma_wait3A_74 : memref<128x128xf32, #tpu.memory_space<hbm>>)
      tpu.yield
    }) : () -> ()
    %add3A_61 = arith.constant 512 : i32
    %add3A_62 = arith.addi %mul3A_0, %add3A_61 : i32
    "tpu.region"() ({
      %run_scoped3A = tpu.sem_alloc : memref<!tpu.dma_semaphore, #tpu.memory_space<semaphore_mem>>
      %dma_start3A_68 = arith.constant 0 : i32
      %dma_start3A_69 = tpu.memref_slice %arg11[%add3A_62, %dma_start3A_68] : memref<10240x128xf32, #tpu.memory_space<vmem_shared>> -> memref<128x128xf32, #tpu.memory_space<vmem_shared>>
      %dma_start3A_70 = arith.constant 0 : i32
      %dma_start3A_71 = tpu.memref_slice %arg11[%add3A_62, %dma_start3A_70] : memref<10240x128xf32, #tpu.memory_space<vmem_shared>> -> memref<128x128xf32, #tpu.memory_space<vmem_shared>>
      tpu.enqueue_dma source(%dma_start3A_71 : memref<128x128xf32, #tpu.memory_space<vmem_shared>>) target(%arg9 : memref<128x128xf32, #tpu.memory_space<vmem>>) target_semaphore(%run_scoped3A : memref<!tpu.dma_semaphore, #tpu.memory_space<semaphore_mem>>)
      %dma_wait3A = arith.constant 0 : i32
      %dma_wait3A_72 = tpu.memref_slice %arg11[%add3A_62, %dma_wait3A] : memref<10240x128xf32, #tpu.memory_space<vmem_shared>> -> memref<128x128xf32, #tpu.memory_space<vmem_shared>>
      %dma_wait3A_73 = arith.constant 0 : i32
      %dma_wait3A_74 = tpu.memref_slice %arg11[%add3A_62, %dma_wait3A_73] : memref<10240x128xf32, #tpu.memory_space<vmem_shared>> -> memref<128x128xf32, #tpu.memory_space<vmem_shared>>
      tpu.wait_dma2 semaphore(%run_scoped3A : memref<!tpu.dma_semaphore, #tpu.memory_space<semaphore_mem>>) src(%dma_wait3A_74 : memref<128x128xf32, #tpu.memory_space<vmem_shared>>) dst(%arg9 : memref<128x128xf32, #tpu.memory_space<vmem>>)
      tpu.yield
    }) : () -> ()
    %mul3A_63 = arith.constant 10240 : i32
    %mul3A_64 = arith.muli %arg0, %mul3A_63 : i32
    %add3A_65 = arith.addi %mul3A_64, %mul3A_0 : i32
    %add3A_66 = arith.constant 512 : i32
    %add3A_67 = arith.addi %add3A_65, %add3A_66 : i32
    "tpu.region"() ({
      %run_scoped3A = tpu.sem_alloc : memref<!tpu.dma_semaphore, #tpu.memory_space<semaphore_mem>>
      %dma_start3A_68 = arith.constant 0 : i32
      %dma_start3A_69 = tpu.memref_slice %arg6[%add3A_67, %dma_start3A_68] : memref<20480x128xf32, #tpu.memory_space<hbm>> -> memref<128x128xf32, #tpu.memory_space<hbm>>
      %dma_start3A_70 = arith.constant 0 : i32
      %dma_start3A_71 = tpu.memref_slice %arg6[%add3A_67, %dma_start3A_70] : memref<20480x128xf32, #tpu.memory_space<hbm>> -> memref<128x128xf32, #tpu.memory_space<hbm>>
      tpu.enqueue_dma source(%arg9 : memref<128x128xf32, #tpu.memory_space<vmem>>) target(%dma_start3A_71 : memref<128x128xf32, #tpu.memory_space<hbm>>) target_semaphore(%run_scoped3A : memref<!tpu.dma_semaphore, #tpu.memory_space<semaphore_mem>>)
      %dma_wait3A = arith.constant 0 : i32
      %dma_wait3A_72 = tpu.memref_slice %arg6[%add3A_67, %dma_wait3A] : memref<20480x128xf32, #tpu.memory_space<hbm>> -> memref<128x128xf32, #tpu.memory_space<hbm>>
      %dma_wait3A_73 = arith.constant 0 : i32
      %dma_wait3A_74 = tpu.memref_slice %arg6[%add3A_67, %dma_wait3A_73] : memref<20480x128xf32, #tpu.memory_space<hbm>> -> memref<128x128xf32, #tpu.memory_space<hbm>>
      tpu.wait_dma2 semaphore(%run_scoped3A : memref<!tpu.dma_semaphore, #tpu.memory_space<semaphore_mem>>) src(%arg9 : memref<128x128xf32, #tpu.memory_space<vmem>>) dst(%dma_wait3A_74 : memref<128x128xf32, #tpu.memory_space<hbm>>)
      tpu.yield
    }) : () -> ()
    return
  }
}

#map = affine_map<(d0, d1) -> (0, 0)>
module attributes {stable_mosaic.version = 14 : i64} {
  func.func @_sc_deg_body(%arg0: i32, %arg1: i32, %arg2: memref<1280x128xi32, #tpu.memory_space<hbm>>, %arg3: memref<128x128xf32, #tpu.memory_space<hbm>>, %arg4: memref<128x128xf32, #tpu.memory_space<hbm>>, %arg5: memref<20480x128xf32, #tpu.memory_space<hbm>>, %arg6: memref<8x128xi32, #tpu.memory_space<vmem>>, %arg7: memref<128x128xf32, #tpu.memory_space<vmem>>, %arg8: memref<128x128xf32, #tpu.memory_space<vmem>>, %arg9: memref<10240x128xf32, #tpu.memory_space<vmem_shared>>) attributes {dimension_semantics = [#tpu.dimension_semantics<core_parallel>, #tpu.dimension_semantics<subcore_parallel>], iteration_bounds = array<i64: 2, 16>, scalar_prefetch = 0 : i64, scratch_operands = 4 : i64, tpu.core_type = #tpu.core_type<sc_vector_subcore>, window_params = [{transform_indices = #map}, {transform_indices = #map}, {transform_indices = #map}, {transform_indices = #map}]} {
    %mul3A = arith.constant 640 : i32
    %mul3A_0 = arith.muli %arg1, %mul3A : i32
    "tpu.region"() ({
      %run_scoped3A = tpu.sem_alloc : memref<!tpu.dma_semaphore, #tpu.memory_space<semaphore_mem>>
      %dma_start3A = arith.constant 0 : i32
      %dma_start3A_55 = arith.constant 0 : i32
      %dma_start3A_56 = tpu.memref_slice %arg4[%dma_start3A, %dma_start3A_55] : memref<128x128xf32, #tpu.memory_space<hbm>> -> memref<128x128xf32, #tpu.memory_space<hbm>>
      %dma_start3A_57 = arith.constant 0 : i32
      %dma_start3A_58 = arith.constant 0 : i32
      %dma_start3A_59 = tpu.memref_slice %arg4[%dma_start3A_57, %dma_start3A_58] : memref<128x128xf32, #tpu.memory_space<hbm>> -> memref<128x128xf32, #tpu.memory_space<hbm>>
      tpu.enqueue_dma source(%dma_start3A_59 : memref<128x128xf32, #tpu.memory_space<hbm>>) target(%arg7 : memref<128x128xf32, #tpu.memory_space<vmem>>) target_semaphore(%run_scoped3A : memref<!tpu.dma_semaphore, #tpu.memory_space<semaphore_mem>>)
      %dma_wait3A = arith.constant 0 : i32
      %dma_wait3A_60 = arith.constant 0 : i32
      %dma_wait3A_61 = tpu.memref_slice %arg4[%dma_wait3A, %dma_wait3A_60] : memref<128x128xf32, #tpu.memory_space<hbm>> -> memref<128x128xf32, #tpu.memory_space<hbm>>
      %dma_wait3A_62 = arith.constant 0 : i32
      %dma_wait3A_63 = arith.constant 0 : i32
      %dma_wait3A_64 = tpu.memref_slice %arg4[%dma_wait3A_62, %dma_wait3A_63] : memref<128x128xf32, #tpu.memory_space<hbm>> -> memref<128x128xf32, #tpu.memory_space<hbm>>
      tpu.wait_dma2 semaphore(%run_scoped3A : memref<!tpu.dma_semaphore, #tpu.memory_space<semaphore_mem>>) src(%dma_wait3A_64 : memref<128x128xf32, #tpu.memory_space<hbm>>) dst(%arg7 : memref<128x128xf32, #tpu.memory_space<vmem>>)
      tpu.yield
    }) : () -> ()
    "tpu.region"() ({
      %run_scoped3A = tpu.sem_alloc : memref<!tpu.dma_semaphore, #tpu.memory_space<semaphore_mem>>
      tpu.enqueue_dma source(%arg3 : memref<128x128xf32, #tpu.memory_space<hbm>>) target(%arg8 : memref<128x128xf32, #tpu.memory_space<vmem>>) target_semaphore(%run_scoped3A : memref<!tpu.dma_semaphore, #tpu.memory_space<semaphore_mem>>)
      tpu.wait_dma2 semaphore(%run_scoped3A : memref<!tpu.dma_semaphore, #tpu.memory_space<semaphore_mem>>) src(%arg3 : memref<128x128xf32, #tpu.memory_space<hbm>>) dst(%arg8 : memref<128x128xf32, #tpu.memory_space<vmem>>)
      tpu.yield
    }) : () -> ()
    %add3A = arith.constant 0 : i32
    %add3A_1 = arith.addi %mul3A_0, %add3A : i32
    "tpu.region"() ({
      %run_scoped3A = tpu.sem_alloc : memref<!tpu.dma_semaphore, #tpu.memory_space<semaphore_mem>>
      %dma_start3A = arith.constant 0 : i32
      %dma_start3A_55 = tpu.memref_slice %arg9[%add3A_1, %dma_start3A] : memref<10240x128xf32, #tpu.memory_space<vmem_shared>> -> memref<128x128xf32, #tpu.memory_space<vmem_shared>>
      %dma_start3A_56 = arith.constant 0 : i32
      %dma_start3A_57 = tpu.memref_slice %arg9[%add3A_1, %dma_start3A_56] : memref<10240x128xf32, #tpu.memory_space<vmem_shared>> -> memref<128x128xf32, #tpu.memory_space<vmem_shared>>
      tpu.enqueue_dma source(%arg8 : memref<128x128xf32, #tpu.memory_space<vmem>>) target(%dma_start3A_57 : memref<128x128xf32, #tpu.memory_space<vmem_shared>>) target_semaphore(%run_scoped3A : memref<!tpu.dma_semaphore, #tpu.memory_space<semaphore_mem>>)
      %dma_wait3A = arith.constant 0 : i32
      %dma_wait3A_58 = tpu.memref_slice %arg9[%add3A_1, %dma_wait3A] : memref<10240x128xf32, #tpu.memory_space<vmem_shared>> -> memref<128x128xf32, #tpu.memory_space<vmem_shared>>
      %dma_wait3A_59 = arith.constant 0 : i32
      %dma_wait3A_60 = tpu.memref_slice %arg9[%add3A_1, %dma_wait3A_59] : memref<10240x128xf32, #tpu.memory_space<vmem_shared>> -> memref<128x128xf32, #tpu.memory_space<vmem_shared>>
      tpu.wait_dma2 semaphore(%run_scoped3A : memref<!tpu.dma_semaphore, #tpu.memory_space<semaphore_mem>>) src(%arg8 : memref<128x128xf32, #tpu.memory_space<vmem>>) dst(%dma_wait3A_60 : memref<128x128xf32, #tpu.memory_space<vmem_shared>>)
      tpu.yield
    }) : () -> ()
    %add3A_2 = arith.constant 128 : i32
    %add3A_3 = arith.addi %mul3A_0, %add3A_2 : i32
    "tpu.region"() ({
      %run_scoped3A = tpu.sem_alloc : memref<!tpu.dma_semaphore, #tpu.memory_space<semaphore_mem>>
      %dma_start3A = arith.constant 0 : i32
      %dma_start3A_55 = tpu.memref_slice %arg9[%add3A_3, %dma_start3A] : memref<10240x128xf32, #tpu.memory_space<vmem_shared>> -> memref<128x128xf32, #tpu.memory_space<vmem_shared>>
      %dma_start3A_56 = arith.constant 0 : i32
      %dma_start3A_57 = tpu.memref_slice %arg9[%add3A_3, %dma_start3A_56] : memref<10240x128xf32, #tpu.memory_space<vmem_shared>> -> memref<128x128xf32, #tpu.memory_space<vmem_shared>>
      tpu.enqueue_dma source(%arg8 : memref<128x128xf32, #tpu.memory_space<vmem>>) target(%dma_start3A_57 : memref<128x128xf32, #tpu.memory_space<vmem_shared>>) target_semaphore(%run_scoped3A : memref<!tpu.dma_semaphore, #tpu.memory_space<semaphore_mem>>)
      %dma_wait3A = arith.constant 0 : i32
      %dma_wait3A_58 = tpu.memref_slice %arg9[%add3A_3, %dma_wait3A] : memref<10240x128xf32, #tpu.memory_space<vmem_shared>> -> memref<128x128xf32, #tpu.memory_space<vmem_shared>>
      %dma_wait3A_59 = arith.constant 0 : i32
      %dma_wait3A_60 = tpu.memref_slice %arg9[%add3A_3, %dma_wait3A_59] : memref<10240x128xf32, #tpu.memory_space<vmem_shared>> -> memref<128x128xf32, #tpu.memory_space<vmem_shared>>
      tpu.wait_dma2 semaphore(%run_scoped3A : memref<!tpu.dma_semaphore, #tpu.memory_space<semaphore_mem>>) src(%arg8 : memref<128x128xf32, #tpu.memory_space<vmem>>) dst(%dma_wait3A_60 : memref<128x128xf32, #tpu.memory_space<vmem_shared>>)
      tpu.yield
    }) : () -> ()
    %add3A_4 = arith.constant 256 : i32
    %add3A_5 = arith.addi %mul3A_0, %add3A_4 : i32
    "tpu.region"() ({
      %run_scoped3A = tpu.sem_alloc : memref<!tpu.dma_semaphore, #tpu.memory_space<semaphore_mem>>
      %dma_start3A = arith.constant 0 : i32
      %dma_start3A_55 = tpu.memref_slice %arg9[%add3A_5, %dma_start3A] : memref<10240x128xf32, #tpu.memory_space<vmem_shared>> -> memref<128x128xf32, #tpu.memory_space<vmem_shared>>
      %dma_start3A_56 = arith.constant 0 : i32
      %dma_start3A_57 = tpu.memref_slice %arg9[%add3A_5, %dma_start3A_56] : memref<10240x128xf32, #tpu.memory_space<vmem_shared>> -> memref<128x128xf32, #tpu.memory_space<vmem_shared>>
      tpu.enqueue_dma source(%arg8 : memref<128x128xf32, #tpu.memory_space<vmem>>) target(%dma_start3A_57 : memref<128x128xf32, #tpu.memory_space<vmem_shared>>) target_semaphore(%run_scoped3A : memref<!tpu.dma_semaphore, #tpu.memory_space<semaphore_mem>>)
      %dma_wait3A = arith.constant 0 : i32
      %dma_wait3A_58 = tpu.memref_slice %arg9[%add3A_5, %dma_wait3A] : memref<10240x128xf32, #tpu.memory_space<vmem_shared>> -> memref<128x128xf32, #tpu.memory_space<vmem_shared>>
      %dma_wait3A_59 = arith.constant 0 : i32
      %dma_wait3A_60 = tpu.memref_slice %arg9[%add3A_5, %dma_wait3A_59] : memref<10240x128xf32, #tpu.memory_space<vmem_shared>> -> memref<128x128xf32, #tpu.memory_space<vmem_shared>>
      tpu.wait_dma2 semaphore(%run_scoped3A : memref<!tpu.dma_semaphore, #tpu.memory_space<semaphore_mem>>) src(%arg8 : memref<128x128xf32, #tpu.memory_space<vmem>>) dst(%dma_wait3A_60 : memref<128x128xf32, #tpu.memory_space<vmem_shared>>)
      tpu.yield
    }) : () -> ()
    %add3A_6 = arith.constant 384 : i32
    %add3A_7 = arith.addi %mul3A_0, %add3A_6 : i32
    "tpu.region"() ({
      %run_scoped3A = tpu.sem_alloc : memref<!tpu.dma_semaphore, #tpu.memory_space<semaphore_mem>>
      %dma_start3A = arith.constant 0 : i32
      %dma_start3A_55 = tpu.memref_slice %arg9[%add3A_7, %dma_start3A] : memref<10240x128xf32, #tpu.memory_space<vmem_shared>> -> memref<128x128xf32, #tpu.memory_space<vmem_shared>>
      %dma_start3A_56 = arith.constant 0 : i32
      %dma_start3A_57 = tpu.memref_slice %arg9[%add3A_7, %dma_start3A_56] : memref<10240x128xf32, #tpu.memory_space<vmem_shared>> -> memref<128x128xf32, #tpu.memory_space<vmem_shared>>
      tpu.enqueue_dma source(%arg8 : memref<128x128xf32, #tpu.memory_space<vmem>>) target(%dma_start3A_57 : memref<128x128xf32, #tpu.memory_space<vmem_shared>>) target_semaphore(%run_scoped3A : memref<!tpu.dma_semaphore, #tpu.memory_space<semaphore_mem>>)
      %dma_wait3A = arith.constant 0 : i32
      %dma_wait3A_58 = tpu.memref_slice %arg9[%add3A_7, %dma_wait3A] : memref<10240x128xf32, #tpu.memory_space<vmem_shared>> -> memref<128x128xf32, #tpu.memory_space<vmem_shared>>
      %dma_wait3A_59 = arith.constant 0 : i32
      %dma_wait3A_60 = tpu.memref_slice %arg9[%add3A_7, %dma_wait3A_59] : memref<10240x128xf32, #tpu.memory_space<vmem_shared>> -> memref<128x128xf32, #tpu.memory_space<vmem_shared>>
      tpu.wait_dma2 semaphore(%run_scoped3A : memref<!tpu.dma_semaphore, #tpu.memory_space<semaphore_mem>>) src(%arg8 : memref<128x128xf32, #tpu.memory_space<vmem>>) dst(%dma_wait3A_60 : memref<128x128xf32, #tpu.memory_space<vmem_shared>>)
      tpu.yield
    }) : () -> ()
    %add3A_8 = arith.constant 512 : i32
    %add3A_9 = arith.addi %mul3A_0, %add3A_8 : i32
    "tpu.region"() ({
      %run_scoped3A = tpu.sem_alloc : memref<!tpu.dma_semaphore, #tpu.memory_space<semaphore_mem>>
      %dma_start3A = arith.constant 0 : i32
      %dma_start3A_55 = tpu.memref_slice %arg9[%add3A_9, %dma_start3A] : memref<10240x128xf32, #tpu.memory_space<vmem_shared>> -> memref<128x128xf32, #tpu.memory_space<vmem_shared>>
      %dma_start3A_56 = arith.constant 0 : i32
      %dma_start3A_57 = tpu.memref_slice %arg9[%add3A_9, %dma_start3A_56] : memref<10240x128xf32, #tpu.memory_space<vmem_shared>> -> memref<128x128xf32, #tpu.memory_space<vmem_shared>>
      tpu.enqueue_dma source(%arg8 : memref<128x128xf32, #tpu.memory_space<vmem>>) target(%dma_start3A_57 : memref<128x128xf32, #tpu.memory_space<vmem_shared>>) target_semaphore(%run_scoped3A : memref<!tpu.dma_semaphore, #tpu.memory_space<semaphore_mem>>)
      %dma_wait3A = arith.constant 0 : i32
      %dma_wait3A_58 = tpu.memref_slice %arg9[%add3A_9, %dma_wait3A] : memref<10240x128xf32, #tpu.memory_space<vmem_shared>> -> memref<128x128xf32, #tpu.memory_space<vmem_shared>>
      %dma_wait3A_59 = arith.constant 0 : i32
      %dma_wait3A_60 = tpu.memref_slice %arg9[%add3A_9, %dma_wait3A_59] : memref<10240x128xf32, #tpu.memory_space<vmem_shared>> -> memref<128x128xf32, #tpu.memory_space<vmem_shared>>
      tpu.wait_dma2 semaphore(%run_scoped3A : memref<!tpu.dma_semaphore, #tpu.memory_space<semaphore_mem>>) src(%arg8 : memref<128x128xf32, #tpu.memory_space<vmem>>) dst(%dma_wait3A_60 : memref<128x128xf32, #tpu.memory_space<vmem_shared>>)
      tpu.yield
    }) : () -> ()
    %barrier3A = arith.constant 0 : index
    tpu.barrier barrier_id(%barrier3A)
    %mul3A_10 = arith.constant 640 : i32
    %mul3A_11 = arith.muli %arg0, %mul3A_10 : i32
    %mul3A_12 = arith.constant 40 : i32
    %mul3A_13 = arith.muli %arg1, %mul3A_12 : i32
    %add3A_14 = arith.addi %mul3A_11, %mul3A_13 : i32
    %scan3A = arith.constant 0 : i32
    %scan3A_15 = arith.constant 5 : i32
    %scan3A_16 = arith.addi %scan3A, %scan3A_15 : i32
    %scan3A_17 = arith.constant 1 : i32
    scf.for %scan3A_55 = %scan3A to %scan3A_16 step %scan3A_17  : i32 {
      %mul3A_56 = arith.constant 1 : i32
      %mul3A_57 = arith.muli %scan3A_55, %mul3A_56 : i32
      %add3A_58 = arith.constant 0 : i32
      %add3A_59 = arith.addi %add3A_58, %mul3A_57 : i32
      %mul3A_60 = arith.constant 8 : i32
      %mul3A_61 = arith.muli %add3A_59, %mul3A_60 : i32
      %add3A_62 = arith.addi %add3A_14, %mul3A_61 : i32
      "tpu.region"() ({
        %run_scoped3A_70 = tpu.sem_alloc : memref<!tpu.dma_semaphore, #tpu.memory_space<semaphore_mem>>
        %dma_start3A = arith.constant 0 : i32
        %dma_start3A_71 = tpu.memref_slice %arg2[%add3A_62, %dma_start3A] : memref<1280x128xi32, #tpu.memory_space<hbm>> -> memref<8x128xi32, #tpu.memory_space<hbm>>
        %dma_start3A_72 = arith.constant 0 : i32
        %dma_start3A_73 = tpu.memref_slice %arg2[%add3A_62, %dma_start3A_72] : memref<1280x128xi32, #tpu.memory_space<hbm>> -> memref<8x128xi32, #tpu.memory_space<hbm>>
        tpu.enqueue_dma source(%dma_start3A_73 : memref<8x128xi32, #tpu.memory_space<hbm>>) target(%arg6 : memref<8x128xi32, #tpu.memory_space<vmem>>) target_semaphore(%run_scoped3A_70 : memref<!tpu.dma_semaphore, #tpu.memory_space<semaphore_mem>>)
        %dma_wait3A = arith.constant 0 : i32
        %dma_wait3A_74 = tpu.memref_slice %arg2[%add3A_62, %dma_wait3A] : memref<1280x128xi32, #tpu.memory_space<hbm>> -> memref<8x128xi32, #tpu.memory_space<hbm>>
        %dma_wait3A_75 = arith.constant 0 : i32
        %dma_wait3A_76 = tpu.memref_slice %arg2[%add3A_62, %dma_wait3A_75] : memref<1280x128xi32, #tpu.memory_space<hbm>> -> memref<8x128xi32, #tpu.memory_space<hbm>>
        tpu.wait_dma2 semaphore(%run_scoped3A_70 : memref<!tpu.dma_semaphore, #tpu.memory_space<semaphore_mem>>) src(%dma_wait3A_76 : memref<8x128xi32, #tpu.memory_space<hbm>>) dst(%arg6 : memref<8x128xi32, #tpu.memory_space<vmem>>)
        tpu.yield
      }) : () -> ()
      %run_scoped3A = arith.constant 0 : i32
      "tpu.region"() ({
        %run_scoped3A_70 = tpu.sem_alloc : memref<!tpu.dma_semaphore, #tpu.memory_space<semaphore_mem>>
        %dma_start3A = arith.constant 0 : i32
        %dma_start3A_71 = tpu.memref_slice %arg6[%run_scoped3A, %dma_start3A] : memref<8x128xi32, #tpu.memory_space<vmem>> -> memref<1x128xi32, #tpu.memory_space<vmem>>
        %dma_start3A_72 = tpu.memref_squeeze %dma_start3A_71 : memref<1x128xi32, #tpu.memory_space<vmem>> -> memref<128xi32, #tpu.memory_space<vmem>>
        %dma_start3A_73 = arith.constant 0 : i32
        %dma_start3A_74 = arith.constant 0 : i32
        %dma_start3A_75 = tpu.memref_slice %arg9[%dma_start3A_73, %dma_start3A_74] : memref<10240x128xf32, #tpu.memory_space<vmem_shared>> -> memref<10240x128xf32, #tpu.memory_space<vmem_shared>>
        tpu.enqueue_indirect_dma source(%arg7 : memref<128x128xf32, #tpu.memory_space<vmem>>) target(%dma_start3A_75 : memref<10240x128xf32, #tpu.memory_space<vmem_shared>>) offsets(%dma_start3A_72 : memref<128xi32, #tpu.memory_space<vmem>>) semaphore(%run_scoped3A_70 : memref<!tpu.dma_semaphore, #tpu.memory_space<semaphore_mem>>) {add = true}
        %dma_wait3A = arith.constant 0 : i32
        %dma_wait3A_76 = tpu.memref_slice %arg6[%run_scoped3A, %dma_wait3A] : memref<8x128xi32, #tpu.memory_space<vmem>> -> memref<1x128xi32, #tpu.memory_space<vmem>>
        %dma_wait3A_77 = tpu.memref_squeeze %dma_wait3A_76 : memref<1x128xi32, #tpu.memory_space<vmem>> -> memref<128xi32, #tpu.memory_space<vmem>>
        %dma_wait3A_78 = arith.constant 0 : i32
        %dma_wait3A_79 = arith.constant 0 : i32
        %dma_wait3A_80 = tpu.memref_slice %arg9[%dma_wait3A_78, %dma_wait3A_79] : memref<10240x128xf32, #tpu.memory_space<vmem_shared>> -> memref<10240x128xf32, #tpu.memory_space<vmem_shared>>
        tpu.wait_indirect_dma semaphore(%run_scoped3A_70 : memref<!tpu.dma_semaphore, #tpu.memory_space<semaphore_mem>>) src(%arg7 : memref<128x128xf32, #tpu.memory_space<vmem>>) dst(%dma_wait3A_80 : memref<10240x128xf32, #tpu.memory_space<vmem_shared>>)
        tpu.yield
      }) : () -> ()
      %run_scoped3A_63 = arith.constant 1 : i32
      "tpu.region"() ({
        %run_scoped3A_70 = tpu.sem_alloc : memref<!tpu.dma_semaphore, #tpu.memory_space<semaphore_mem>>
        %dma_start3A = arith.constant 0 : i32
        %dma_start3A_71 = tpu.memref_slice %arg6[%run_scoped3A_63, %dma_start3A] : memref<8x128xi32, #tpu.memory_space<vmem>> -> memref<1x128xi32, #tpu.memory_space<vmem>>
        %dma_start3A_72 = tpu.memref_squeeze %dma_start3A_71 : memref<1x128xi32, #tpu.memory_space<vmem>> -> memref<128xi32, #tpu.memory_space<vmem>>
        %dma_start3A_73 = arith.constant 0 : i32
        %dma_start3A_74 = arith.constant 0 : i32
        %dma_start3A_75 = tpu.memref_slice %arg9[%dma_start3A_73, %dma_start3A_74] : memref<10240x128xf32, #tpu.memory_space<vmem_shared>> -> memref<10240x128xf32, #tpu.memory_space<vmem_shared>>
        tpu.enqueue_indirect_dma source(%arg7 : memref<128x128xf32, #tpu.memory_space<vmem>>) target(%dma_start3A_75 : memref<10240x128xf32, #tpu.memory_space<vmem_shared>>) offsets(%dma_start3A_72 : memref<128xi32, #tpu.memory_space<vmem>>) semaphore(%run_scoped3A_70 : memref<!tpu.dma_semaphore, #tpu.memory_space<semaphore_mem>>) {add = true}
        %dma_wait3A = arith.constant 0 : i32
        %dma_wait3A_76 = tpu.memref_slice %arg6[%run_scoped3A_63, %dma_wait3A] : memref<8x128xi32, #tpu.memory_space<vmem>> -> memref<1x128xi32, #tpu.memory_space<vmem>>
        %dma_wait3A_77 = tpu.memref_squeeze %dma_wait3A_76 : memref<1x128xi32, #tpu.memory_space<vmem>> -> memref<128xi32, #tpu.memory_space<vmem>>
        %dma_wait3A_78 = arith.constant 0 : i32
        %dma_wait3A_79 = arith.constant 0 : i32
        %dma_wait3A_80 = tpu.memref_slice %arg9[%dma_wait3A_78, %dma_wait3A_79] : memref<10240x128xf32, #tpu.memory_space<vmem_shared>> -> memref<10240x128xf32, #tpu.memory_space<vmem_shared>>
        tpu.wait_indirect_dma semaphore(%run_scoped3A_70 : memref<!tpu.dma_semaphore, #tpu.memory_space<semaphore_mem>>) src(%arg7 : memref<128x128xf32, #tpu.memory_space<vmem>>) dst(%dma_wait3A_80 : memref<10240x128xf32, #tpu.memory_space<vmem_shared>>)
        tpu.yield
      }) : () -> ()
      %run_scoped3A_64 = arith.constant 2 : i32
      "tpu.region"() ({
        %run_scoped3A_70 = tpu.sem_alloc : memref<!tpu.dma_semaphore, #tpu.memory_space<semaphore_mem>>
        %dma_start3A = arith.constant 0 : i32
        %dma_start3A_71 = tpu.memref_slice %arg6[%run_scoped3A_64, %dma_start3A] : memref<8x128xi32, #tpu.memory_space<vmem>> -> memref<1x128xi32, #tpu.memory_space<vmem>>
        %dma_start3A_72 = tpu.memref_squeeze %dma_start3A_71 : memref<1x128xi32, #tpu.memory_space<vmem>> -> memref<128xi32, #tpu.memory_space<vmem>>
        %dma_start3A_73 = arith.constant 0 : i32
        %dma_start3A_74 = arith.constant 0 : i32
        %dma_start3A_75 = tpu.memref_slice %arg9[%dma_start3A_73, %dma_start3A_74] : memref<10240x128xf32, #tpu.memory_space<vmem_shared>> -> memref<10240x128xf32, #tpu.memory_space<vmem_shared>>
        tpu.enqueue_indirect_dma source(%arg7 : memref<128x128xf32, #tpu.memory_space<vmem>>) target(%dma_start3A_75 : memref<10240x128xf32, #tpu.memory_space<vmem_shared>>) offsets(%dma_start3A_72 : memref<128xi32, #tpu.memory_space<vmem>>) semaphore(%run_scoped3A_70 : memref<!tpu.dma_semaphore, #tpu.memory_space<semaphore_mem>>) {add = true}
        %dma_wait3A = arith.constant 0 : i32
        %dma_wait3A_76 = tpu.memref_slice %arg6[%run_scoped3A_64, %dma_wait3A] : memref<8x128xi32, #tpu.memory_space<vmem>> -> memref<1x128xi32, #tpu.memory_space<vmem>>
        %dma_wait3A_77 = tpu.memref_squeeze %dma_wait3A_76 : memref<1x128xi32, #tpu.memory_space<vmem>> -> memref<128xi32, #tpu.memory_space<vmem>>
        %dma_wait3A_78 = arith.constant 0 : i32
        %dma_wait3A_79 = arith.constant 0 : i32
        %dma_wait3A_80 = tpu.memref_slice %arg9[%dma_wait3A_78, %dma_wait3A_79] : memref<10240x128xf32, #tpu.memory_space<vmem_shared>> -> memref<10240x128xf32, #tpu.memory_space<vmem_shared>>
        tpu.wait_indirect_dma semaphore(%run_scoped3A_70 : memref<!tpu.dma_semaphore, #tpu.memory_space<semaphore_mem>>) src(%arg7 : memref<128x128xf32, #tpu.memory_space<vmem>>) dst(%dma_wait3A_80 : memref<10240x128xf32, #tpu.memory_space<vmem_shared>>)
        tpu.yield
      }) : () -> ()
      %run_scoped3A_65 = arith.constant 3 : i32
      "tpu.region"() ({
        %run_scoped3A_70 = tpu.sem_alloc : memref<!tpu.dma_semaphore, #tpu.memory_space<semaphore_mem>>
        %dma_start3A = arith.constant 0 : i32
        %dma_start3A_71 = tpu.memref_slice %arg6[%run_scoped3A_65, %dma_start3A] : memref<8x128xi32, #tpu.memory_space<vmem>> -> memref<1x128xi32, #tpu.memory_space<vmem>>
        %dma_start3A_72 = tpu.memref_squeeze %dma_start3A_71 : memref<1x128xi32, #tpu.memory_space<vmem>> -> memref<128xi32, #tpu.memory_space<vmem>>
        %dma_start3A_73 = arith.constant 0 : i32
        %dma_start3A_74 = arith.constant 0 : i32
        %dma_start3A_75 = tpu.memref_slice %arg9[%dma_start3A_73, %dma_start3A_74] : memref<10240x128xf32, #tpu.memory_space<vmem_shared>> -> memref<10240x128xf32, #tpu.memory_space<vmem_shared>>
        tpu.enqueue_indirect_dma source(%arg7 : memref<128x128xf32, #tpu.memory_space<vmem>>) target(%dma_start3A_75 : memref<10240x128xf32, #tpu.memory_space<vmem_shared>>) offsets(%dma_start3A_72 : memref<128xi32, #tpu.memory_space<vmem>>) semaphore(%run_scoped3A_70 : memref<!tpu.dma_semaphore, #tpu.memory_space<semaphore_mem>>) {add = true}
        %dma_wait3A = arith.constant 0 : i32
        %dma_wait3A_76 = tpu.memref_slice %arg6[%run_scoped3A_65, %dma_wait3A] : memref<8x128xi32, #tpu.memory_space<vmem>> -> memref<1x128xi32, #tpu.memory_space<vmem>>
        %dma_wait3A_77 = tpu.memref_squeeze %dma_wait3A_76 : memref<1x128xi32, #tpu.memory_space<vmem>> -> memref<128xi32, #tpu.memory_space<vmem>>
        %dma_wait3A_78 = arith.constant 0 : i32
        %dma_wait3A_79 = arith.constant 0 : i32
        %dma_wait3A_80 = tpu.memref_slice %arg9[%dma_wait3A_78, %dma_wait3A_79] : memref<10240x128xf32, #tpu.memory_space<vmem_shared>> -> memref<10240x128xf32, #tpu.memory_space<vmem_shared>>
        tpu.wait_indirect_dma semaphore(%run_scoped3A_70 : memref<!tpu.dma_semaphore, #tpu.memory_space<semaphore_mem>>) src(%arg7 : memref<128x128xf32, #tpu.memory_space<vmem>>) dst(%dma_wait3A_80 : memref<10240x128xf32, #tpu.memory_space<vmem_shared>>)
        tpu.yield
      }) : () -> ()
      %run_scoped3A_66 = arith.constant 4 : i32
      "tpu.region"() ({
        %run_scoped3A_70 = tpu.sem_alloc : memref<!tpu.dma_semaphore, #tpu.memory_space<semaphore_mem>>
        %dma_start3A = arith.constant 0 : i32
        %dma_start3A_71 = tpu.memref_slice %arg6[%run_scoped3A_66, %dma_start3A] : memref<8x128xi32, #tpu.memory_space<vmem>> -> memref<1x128xi32, #tpu.memory_space<vmem>>
        %dma_start3A_72 = tpu.memref_squeeze %dma_start3A_71 : memref<1x128xi32, #tpu.memory_space<vmem>> -> memref<128xi32, #tpu.memory_space<vmem>>
        %dma_start3A_73 = arith.constant 0 : i32
        %dma_start3A_74 = arith.constant 0 : i32
        %dma_start3A_75 = tpu.memref_slice %arg9[%dma_start3A_73, %dma_start3A_74] : memref<10240x128xf32, #tpu.memory_space<vmem_shared>> -> memref<10240x128xf32, #tpu.memory_space<vmem_shared>>
        tpu.enqueue_indirect_dma source(%arg7 : memref<128x128xf32, #tpu.memory_space<vmem>>) target(%dma_start3A_75 : memref<10240x128xf32, #tpu.memory_space<vmem_shared>>) offsets(%dma_start3A_72 : memref<128xi32, #tpu.memory_space<vmem>>) semaphore(%run_scoped3A_70 : memref<!tpu.dma_semaphore, #tpu.memory_space<semaphore_mem>>) {add = true}
        %dma_wait3A = arith.constant 0 : i32
        %dma_wait3A_76 = tpu.memref_slice %arg6[%run_scoped3A_66, %dma_wait3A] : memref<8x128xi32, #tpu.memory_space<vmem>> -> memref<1x128xi32, #tpu.memory_space<vmem>>
        %dma_wait3A_77 = tpu.memref_squeeze %dma_wait3A_76 : memref<1x128xi32, #tpu.memory_space<vmem>> -> memref<128xi32, #tpu.memory_space<vmem>>
        %dma_wait3A_78 = arith.constant 0 : i32
        %dma_wait3A_79 = arith.constant 0 : i32
        %dma_wait3A_80 = tpu.memref_slice %arg9[%dma_wait3A_78, %dma_wait3A_79] : memref<10240x128xf32, #tpu.memory_space<vmem_shared>> -> memref<10240x128xf32, #tpu.memory_space<vmem_shared>>
        tpu.wait_indirect_dma semaphore(%run_scoped3A_70 : memref<!tpu.dma_semaphore, #tpu.memory_space<semaphore_mem>>) src(%arg7 : memref<128x128xf32, #tpu.memory_space<vmem>>) dst(%dma_wait3A_80 : memref<10240x128xf32, #tpu.memory_space<vmem_shared>>)
        tpu.yield
      }) : () -> ()
      %run_scoped3A_67 = arith.constant 5 : i32
      "tpu.region"() ({
        %run_scoped3A_70 = tpu.sem_alloc : memref<!tpu.dma_semaphore, #tpu.memory_space<semaphore_mem>>
        %dma_start3A = arith.constant 0 : i32
        %dma_start3A_71 = tpu.memref_slice %arg6[%run_scoped3A_67, %dma_start3A] : memref<8x128xi32, #tpu.memory_space<vmem>> -> memref<1x128xi32, #tpu.memory_space<vmem>>
        %dma_start3A_72 = tpu.memref_squeeze %dma_start3A_71 : memref<1x128xi32, #tpu.memory_space<vmem>> -> memref<128xi32, #tpu.memory_space<vmem>>
        %dma_start3A_73 = arith.constant 0 : i32
        %dma_start3A_74 = arith.constant 0 : i32
        %dma_start3A_75 = tpu.memref_slice %arg9[%dma_start3A_73, %dma_start3A_74] : memref<10240x128xf32, #tpu.memory_space<vmem_shared>> -> memref<10240x128xf32, #tpu.memory_space<vmem_shared>>
        tpu.enqueue_indirect_dma source(%arg7 : memref<128x128xf32, #tpu.memory_space<vmem>>) target(%dma_start3A_75 : memref<10240x128xf32, #tpu.memory_space<vmem_shared>>) offsets(%dma_start3A_72 : memref<128xi32, #tpu.memory_space<vmem>>) semaphore(%run_scoped3A_70 : memref<!tpu.dma_semaphore, #tpu.memory_space<semaphore_mem>>) {add = true}
        %dma_wait3A = arith.constant 0 : i32
        %dma_wait3A_76 = tpu.memref_slice %arg6[%run_scoped3A_67, %dma_wait3A] : memref<8x128xi32, #tpu.memory_space<vmem>> -> memref<1x128xi32, #tpu.memory_space<vmem>>
        %dma_wait3A_77 = tpu.memref_squeeze %dma_wait3A_76 : memref<1x128xi32, #tpu.memory_space<vmem>> -> memref<128xi32, #tpu.memory_space<vmem>>
        %dma_wait3A_78 = arith.constant 0 : i32
        %dma_wait3A_79 = arith.constant 0 : i32
        %dma_wait3A_80 = tpu.memref_slice %arg9[%dma_wait3A_78, %dma_wait3A_79] : memref<10240x128xf32, #tpu.memory_space<vmem_shared>> -> memref<10240x128xf32, #tpu.memory_space<vmem_shared>>
        tpu.wait_indirect_dma semaphore(%run_scoped3A_70 : memref<!tpu.dma_semaphore, #tpu.memory_space<semaphore_mem>>) src(%arg7 : memref<128x128xf32, #tpu.memory_space<vmem>>) dst(%dma_wait3A_80 : memref<10240x128xf32, #tpu.memory_space<vmem_shared>>)
        tpu.yield
      }) : () -> ()
      %run_scoped3A_68 = arith.constant 6 : i32
      "tpu.region"() ({
        %run_scoped3A_70 = tpu.sem_alloc : memref<!tpu.dma_semaphore, #tpu.memory_space<semaphore_mem>>
        %dma_start3A = arith.constant 0 : i32
        %dma_start3A_71 = tpu.memref_slice %arg6[%run_scoped3A_68, %dma_start3A] : memref<8x128xi32, #tpu.memory_space<vmem>> -> memref<1x128xi32, #tpu.memory_space<vmem>>
        %dma_start3A_72 = tpu.memref_squeeze %dma_start3A_71 : memref<1x128xi32, #tpu.memory_space<vmem>> -> memref<128xi32, #tpu.memory_space<vmem>>
        %dma_start3A_73 = arith.constant 0 : i32
        %dma_start3A_74 = arith.constant 0 : i32
        %dma_start3A_75 = tpu.memref_slice %arg9[%dma_start3A_73, %dma_start3A_74] : memref<10240x128xf32, #tpu.memory_space<vmem_shared>> -> memref<10240x128xf32, #tpu.memory_space<vmem_shared>>
        tpu.enqueue_indirect_dma source(%arg7 : memref<128x128xf32, #tpu.memory_space<vmem>>) target(%dma_start3A_75 : memref<10240x128xf32, #tpu.memory_space<vmem_shared>>) offsets(%dma_start3A_72 : memref<128xi32, #tpu.memory_space<vmem>>) semaphore(%run_scoped3A_70 : memref<!tpu.dma_semaphore, #tpu.memory_space<semaphore_mem>>) {add = true}
        %dma_wait3A = arith.constant 0 : i32
        %dma_wait3A_76 = tpu.memref_slice %arg6[%run_scoped3A_68, %dma_wait3A] : memref<8x128xi32, #tpu.memory_space<vmem>> -> memref<1x128xi32, #tpu.memory_space<vmem>>
        %dma_wait3A_77 = tpu.memref_squeeze %dma_wait3A_76 : memref<1x128xi32, #tpu.memory_space<vmem>> -> memref<128xi32, #tpu.memory_space<vmem>>
        %dma_wait3A_78 = arith.constant 0 : i32
        %dma_wait3A_79 = arith.constant 0 : i32
        %dma_wait3A_80 = tpu.memref_slice %arg9[%dma_wait3A_78, %dma_wait3A_79] : memref<10240x128xf32, #tpu.memory_space<vmem_shared>> -> memref<10240x128xf32, #tpu.memory_space<vmem_shared>>
        tpu.wait_indirect_dma semaphore(%run_scoped3A_70 : memref<!tpu.dma_semaphore, #tpu.memory_space<semaphore_mem>>) src(%arg7 : memref<128x128xf32, #tpu.memory_space<vmem>>) dst(%dma_wait3A_80 : memref<10240x128xf32, #tpu.memory_space<vmem_shared>>)
        tpu.yield
      }) : () -> ()
      %run_scoped3A_69 = arith.constant 7 : i32
      "tpu.region"() ({
        %run_scoped3A_70 = tpu.sem_alloc : memref<!tpu.dma_semaphore, #tpu.memory_space<semaphore_mem>>
        %dma_start3A = arith.constant 0 : i32
        %dma_start3A_71 = tpu.memref_slice %arg6[%run_scoped3A_69, %dma_start3A] : memref<8x128xi32, #tpu.memory_space<vmem>> -> memref<1x128xi32, #tpu.memory_space<vmem>>
        %dma_start3A_72 = tpu.memref_squeeze %dma_start3A_71 : memref<1x128xi32, #tpu.memory_space<vmem>> -> memref<128xi32, #tpu.memory_space<vmem>>
        %dma_start3A_73 = arith.constant 0 : i32
        %dma_start3A_74 = arith.constant 0 : i32
        %dma_start3A_75 = tpu.memref_slice %arg9[%dma_start3A_73, %dma_start3A_74] : memref<10240x128xf32, #tpu.memory_space<vmem_shared>> -> memref<10240x128xf32, #tpu.memory_space<vmem_shared>>
        tpu.enqueue_indirect_dma source(%arg7 : memref<128x128xf32, #tpu.memory_space<vmem>>) target(%dma_start3A_75 : memref<10240x128xf32, #tpu.memory_space<vmem_shared>>) offsets(%dma_start3A_72 : memref<128xi32, #tpu.memory_space<vmem>>) semaphore(%run_scoped3A_70 : memref<!tpu.dma_semaphore, #tpu.memory_space<semaphore_mem>>) {add = true}
        %dma_wait3A = arith.constant 0 : i32
        %dma_wait3A_76 = tpu.memref_slice %arg6[%run_scoped3A_69, %dma_wait3A] : memref<8x128xi32, #tpu.memory_space<vmem>> -> memref<1x128xi32, #tpu.memory_space<vmem>>
        %dma_wait3A_77 = tpu.memref_squeeze %dma_wait3A_76 : memref<1x128xi32, #tpu.memory_space<vmem>> -> memref<128xi32, #tpu.memory_space<vmem>>
        %dma_wait3A_78 = arith.constant 0 : i32
        %dma_wait3A_79 = arith.constant 0 : i32
        %dma_wait3A_80 = tpu.memref_slice %arg9[%dma_wait3A_78, %dma_wait3A_79] : memref<10240x128xf32, #tpu.memory_space<vmem_shared>> -> memref<10240x128xf32, #tpu.memory_space<vmem_shared>>
        tpu.wait_indirect_dma semaphore(%run_scoped3A_70 : memref<!tpu.dma_semaphore, #tpu.memory_space<semaphore_mem>>) src(%arg7 : memref<128x128xf32, #tpu.memory_space<vmem>>) dst(%dma_wait3A_80 : memref<10240x128xf32, #tpu.memory_space<vmem_shared>>)
        tpu.yield
      }) : () -> ()
    }
    %scan3A_18 = arith.constant 5 : i32
    %barrier3A_19 = arith.constant 0 : index
    tpu.barrier barrier_id(%barrier3A_19)
    %add3A_20 = arith.constant 0 : i32
    %add3A_21 = arith.addi %mul3A_0, %add3A_20 : i32
    "tpu.region"() ({
      %run_scoped3A = tpu.sem_alloc : memref<!tpu.dma_semaphore, #tpu.memory_space<semaphore_mem>>
      %dma_start3A = arith.constant 0 : i32
      %dma_start3A_55 = tpu.memref_slice %arg9[%add3A_21, %dma_start3A] : memref<10240x128xf32, #tpu.memory_space<vmem_shared>> -> memref<128x128xf32, #tpu.memory_space<vmem_shared>>
      %dma_start3A_56 = arith.constant 0 : i32
      %dma_start3A_57 = tpu.memref_slice %arg9[%add3A_21, %dma_start3A_56] : memref<10240x128xf32, #tpu.memory_space<vmem_shared>> -> memref<128x128xf32, #tpu.memory_space<vmem_shared>>
      tpu.enqueue_dma source(%dma_start3A_57 : memref<128x128xf32, #tpu.memory_space<vmem_shared>>) target(%arg8 : memref<128x128xf32, #tpu.memory_space<vmem>>) target_semaphore(%run_scoped3A : memref<!tpu.dma_semaphore, #tpu.memory_space<semaphore_mem>>)
      %dma_wait3A = arith.constant 0 : i32
      %dma_wait3A_58 = tpu.memref_slice %arg9[%add3A_21, %dma_wait3A] : memref<10240x128xf32, #tpu.memory_space<vmem_shared>> -> memref<128x128xf32, #tpu.memory_space<vmem_shared>>
      %dma_wait3A_59 = arith.constant 0 : i32
      %dma_wait3A_60 = tpu.memref_slice %arg9[%add3A_21, %dma_wait3A_59] : memref<10240x128xf32, #tpu.memory_space<vmem_shared>> -> memref<128x128xf32, #tpu.memory_space<vmem_shared>>
      tpu.wait_dma2 semaphore(%run_scoped3A : memref<!tpu.dma_semaphore, #tpu.memory_space<semaphore_mem>>) src(%dma_wait3A_60 : memref<128x128xf32, #tpu.memory_space<vmem_shared>>) dst(%arg8 : memref<128x128xf32, #tpu.memory_space<vmem>>)
      tpu.yield
    }) : () -> ()
    %mul3A_22 = arith.constant 10240 : i32
    %mul3A_23 = arith.muli %arg0, %mul3A_22 : i32
    %add3A_24 = arith.addi %mul3A_23, %mul3A_0 : i32
    %add3A_25 = arith.constant 0 : i32
    %add3A_26 = arith.addi %add3A_24, %add3A_25 : i32
    "tpu.region"() ({
      %run_scoped3A = tpu.sem_alloc : memref<!tpu.dma_semaphore, #tpu.memory_space<semaphore_mem>>
      %dma_start3A = arith.constant 0 : i32
      %dma_start3A_55 = tpu.memref_slice %arg5[%add3A_26, %dma_start3A] : memref<20480x128xf32, #tpu.memory_space<hbm>> -> memref<128x128xf32, #tpu.memory_space<hbm>>
      %dma_start3A_56 = arith.constant 0 : i32
      %dma_start3A_57 = tpu.memref_slice %arg5[%add3A_26, %dma_start3A_56] : memref<20480x128xf32, #tpu.memory_space<hbm>> -> memref<128x128xf32, #tpu.memory_space<hbm>>
      tpu.enqueue_dma source(%arg8 : memref<128x128xf32, #tpu.memory_space<vmem>>) target(%dma_start3A_57 : memref<128x128xf32, #tpu.memory_space<hbm>>) target_semaphore(%run_scoped3A : memref<!tpu.dma_semaphore, #tpu.memory_space<semaphore_mem>>)
      %dma_wait3A = arith.constant 0 : i32
      %dma_wait3A_58 = tpu.memref_slice %arg5[%add3A_26, %dma_wait3A] : memref<20480x128xf32, #tpu.memory_space<hbm>> -> memref<128x128xf32, #tpu.memory_space<hbm>>
      %dma_wait3A_59 = arith.constant 0 : i32
      %dma_wait3A_60 = tpu.memref_slice %arg5[%add3A_26, %dma_wait3A_59] : memref<20480x128xf32, #tpu.memory_space<hbm>> -> memref<128x128xf32, #tpu.memory_space<hbm>>
      tpu.wait_dma2 semaphore(%run_scoped3A : memref<!tpu.dma_semaphore, #tpu.memory_space<semaphore_mem>>) src(%arg8 : memref<128x128xf32, #tpu.memory_space<vmem>>) dst(%dma_wait3A_60 : memref<128x128xf32, #tpu.memory_space<hbm>>)
      tpu.yield
    }) : () -> ()
    %add3A_27 = arith.constant 128 : i32
    %add3A_28 = arith.addi %mul3A_0, %add3A_27 : i32
    "tpu.region"() ({
      %run_scoped3A = tpu.sem_alloc : memref<!tpu.dma_semaphore, #tpu.memory_space<semaphore_mem>>
      %dma_start3A = arith.constant 0 : i32
      %dma_start3A_55 = tpu.memref_slice %arg9[%add3A_28, %dma_start3A] : memref<10240x128xf32, #tpu.memory_space<vmem_shared>> -> memref<128x128xf32, #tpu.memory_space<vmem_shared>>
      %dma_start3A_56 = arith.constant 0 : i32
      %dma_start3A_57 = tpu.memref_slice %arg9[%add3A_28, %dma_start3A_56] : memref<10240x128xf32, #tpu.memory_space<vmem_shared>> -> memref<128x128xf32, #tpu.memory_space<vmem_shared>>
      tpu.enqueue_dma source(%dma_start3A_57 : memref<128x128xf32, #tpu.memory_space<vmem_shared>>) target(%arg8 : memref<128x128xf32, #tpu.memory_space<vmem>>) target_semaphore(%run_scoped3A : memref<!tpu.dma_semaphore, #tpu.memory_space<semaphore_mem>>)
      %dma_wait3A = arith.constant 0 : i32
      %dma_wait3A_58 = tpu.memref_slice %arg9[%add3A_28, %dma_wait3A] : memref<10240x128xf32, #tpu.memory_space<vmem_shared>> -> memref<128x128xf32, #tpu.memory_space<vmem_shared>>
      %dma_wait3A_59 = arith.constant 0 : i32
      %dma_wait3A_60 = tpu.memref_slice %arg9[%add3A_28, %dma_wait3A_59] : memref<10240x128xf32, #tpu.memory_space<vmem_shared>> -> memref<128x128xf32, #tpu.memory_space<vmem_shared>>
      tpu.wait_dma2 semaphore(%run_scoped3A : memref<!tpu.dma_semaphore, #tpu.memory_space<semaphore_mem>>) src(%dma_wait3A_60 : memref<128x128xf32, #tpu.memory_space<vmem_shared>>) dst(%arg8 : memref<128x128xf32, #tpu.memory_space<vmem>>)
      tpu.yield
    }) : () -> ()
    %mul3A_29 = arith.constant 10240 : i32
    %mul3A_30 = arith.muli %arg0, %mul3A_29 : i32
    %add3A_31 = arith.addi %mul3A_30, %mul3A_0 : i32
    %add3A_32 = arith.constant 128 : i32
    %add3A_33 = arith.addi %add3A_31, %add3A_32 : i32
    "tpu.region"() ({
      %run_scoped3A = tpu.sem_alloc : memref<!tpu.dma_semaphore, #tpu.memory_space<semaphore_mem>>
      %dma_start3A = arith.constant 0 : i32
      %dma_start3A_55 = tpu.memref_slice %arg5[%add3A_33, %dma_start3A] : memref<20480x128xf32, #tpu.memory_space<hbm>> -> memref<128x128xf32, #tpu.memory_space<hbm>>
      %dma_start3A_56 = arith.constant 0 : i32
      %dma_start3A_57 = tpu.memref_slice %arg5[%add3A_33, %dma_start3A_56] : memref<20480x128xf32, #tpu.memory_space<hbm>> -> memref<128x128xf32, #tpu.memory_space<hbm>>
      tpu.enqueue_dma source(%arg8 : memref<128x128xf32, #tpu.memory_space<vmem>>) target(%dma_start3A_57 : memref<128x128xf32, #tpu.memory_space<hbm>>) target_semaphore(%run_scoped3A : memref<!tpu.dma_semaphore, #tpu.memory_space<semaphore_mem>>)
      %dma_wait3A = arith.constant 0 : i32
      %dma_wait3A_58 = tpu.memref_slice %arg5[%add3A_33, %dma_wait3A] : memref<20480x128xf32, #tpu.memory_space<hbm>> -> memref<128x128xf32, #tpu.memory_space<hbm>>
      %dma_wait3A_59 = arith.constant 0 : i32
      %dma_wait3A_60 = tpu.memref_slice %arg5[%add3A_33, %dma_wait3A_59] : memref<20480x128xf32, #tpu.memory_space<hbm>> -> memref<128x128xf32, #tpu.memory_space<hbm>>
      tpu.wait_dma2 semaphore(%run_scoped3A : memref<!tpu.dma_semaphore, #tpu.memory_space<semaphore_mem>>) src(%arg8 : memref<128x128xf32, #tpu.memory_space<vmem>>) dst(%dma_wait3A_60 : memref<128x128xf32, #tpu.memory_space<hbm>>)
      tpu.yield
    }) : () -> ()
    %add3A_34 = arith.constant 256 : i32
    %add3A_35 = arith.addi %mul3A_0, %add3A_34 : i32
    "tpu.region"() ({
      %run_scoped3A = tpu.sem_alloc : memref<!tpu.dma_semaphore, #tpu.memory_space<semaphore_mem>>
      %dma_start3A = arith.constant 0 : i32
      %dma_start3A_55 = tpu.memref_slice %arg9[%add3A_35, %dma_start3A] : memref<10240x128xf32, #tpu.memory_space<vmem_shared>> -> memref<128x128xf32, #tpu.memory_space<vmem_shared>>
      %dma_start3A_56 = arith.constant 0 : i32
      %dma_start3A_57 = tpu.memref_slice %arg9[%add3A_35, %dma_start3A_56] : memref<10240x128xf32, #tpu.memory_space<vmem_shared>> -> memref<128x128xf32, #tpu.memory_space<vmem_shared>>
      tpu.enqueue_dma source(%dma_start3A_57 : memref<128x128xf32, #tpu.memory_space<vmem_shared>>) target(%arg8 : memref<128x128xf32, #tpu.memory_space<vmem>>) target_semaphore(%run_scoped3A : memref<!tpu.dma_semaphore, #tpu.memory_space<semaphore_mem>>)
      %dma_wait3A = arith.constant 0 : i32
      %dma_wait3A_58 = tpu.memref_slice %arg9[%add3A_35, %dma_wait3A] : memref<10240x128xf32, #tpu.memory_space<vmem_shared>> -> memref<128x128xf32, #tpu.memory_space<vmem_shared>>
      %dma_wait3A_59 = arith.constant 0 : i32
      %dma_wait3A_60 = tpu.memref_slice %arg9[%add3A_35, %dma_wait3A_59] : memref<10240x128xf32, #tpu.memory_space<vmem_shared>> -> memref<128x128xf32, #tpu.memory_space<vmem_shared>>
      tpu.wait_dma2 semaphore(%run_scoped3A : memref<!tpu.dma_semaphore, #tpu.memory_space<semaphore_mem>>) src(%dma_wait3A_60 : memref<128x128xf32, #tpu.memory_space<vmem_shared>>) dst(%arg8 : memref<128x128xf32, #tpu.memory_space<vmem>>)
      tpu.yield
    }) : () -> ()
    %mul3A_36 = arith.constant 10240 : i32
    %mul3A_37 = arith.muli %arg0, %mul3A_36 : i32
    %add3A_38 = arith.addi %mul3A_37, %mul3A_0 : i32
    %add3A_39 = arith.constant 256 : i32
    %add3A_40 = arith.addi %add3A_38, %add3A_39 : i32
    "tpu.region"() ({
      %run_scoped3A = tpu.sem_alloc : memref<!tpu.dma_semaphore, #tpu.memory_space<semaphore_mem>>
      %dma_start3A = arith.constant 0 : i32
      %dma_start3A_55 = tpu.memref_slice %arg5[%add3A_40, %dma_start3A] : memref<20480x128xf32, #tpu.memory_space<hbm>> -> memref<128x128xf32, #tpu.memory_space<hbm>>
      %dma_start3A_56 = arith.constant 0 : i32
      %dma_start3A_57 = tpu.memref_slice %arg5[%add3A_40, %dma_start3A_56] : memref<20480x128xf32, #tpu.memory_space<hbm>> -> memref<128x128xf32, #tpu.memory_space<hbm>>
      tpu.enqueue_dma source(%arg8 : memref<128x128xf32, #tpu.memory_space<vmem>>) target(%dma_start3A_57 : memref<128x128xf32, #tpu.memory_space<hbm>>) target_semaphore(%run_scoped3A : memref<!tpu.dma_semaphore, #tpu.memory_space<semaphore_mem>>)
      %dma_wait3A = arith.constant 0 : i32
      %dma_wait3A_58 = tpu.memref_slice %arg5[%add3A_40, %dma_wait3A] : memref<20480x128xf32, #tpu.memory_space<hbm>> -> memref<128x128xf32, #tpu.memory_space<hbm>>
      %dma_wait3A_59 = arith.constant 0 : i32
      %dma_wait3A_60 = tpu.memref_slice %arg5[%add3A_40, %dma_wait3A_59] : memref<20480x128xf32, #tpu.memory_space<hbm>> -> memref<128x128xf32, #tpu.memory_space<hbm>>
      tpu.wait_dma2 semaphore(%run_scoped3A : memref<!tpu.dma_semaphore, #tpu.memory_space<semaphore_mem>>) src(%arg8 : memref<128x128xf32, #tpu.memory_space<vmem>>) dst(%dma_wait3A_60 : memref<128x128xf32, #tpu.memory_space<hbm>>)
      tpu.yield
    }) : () -> ()
    %add3A_41 = arith.constant 384 : i32
    %add3A_42 = arith.addi %mul3A_0, %add3A_41 : i32
    "tpu.region"() ({
      %run_scoped3A = tpu.sem_alloc : memref<!tpu.dma_semaphore, #tpu.memory_space<semaphore_mem>>
      %dma_start3A = arith.constant 0 : i32
      %dma_start3A_55 = tpu.memref_slice %arg9[%add3A_42, %dma_start3A] : memref<10240x128xf32, #tpu.memory_space<vmem_shared>> -> memref<128x128xf32, #tpu.memory_space<vmem_shared>>
      %dma_start3A_56 = arith.constant 0 : i32
      %dma_start3A_57 = tpu.memref_slice %arg9[%add3A_42, %dma_start3A_56] : memref<10240x128xf32, #tpu.memory_space<vmem_shared>> -> memref<128x128xf32, #tpu.memory_space<vmem_shared>>
      tpu.enqueue_dma source(%dma_start3A_57 : memref<128x128xf32, #tpu.memory_space<vmem_shared>>) target(%arg8 : memref<128x128xf32, #tpu.memory_space<vmem>>) target_semaphore(%run_scoped3A : memref<!tpu.dma_semaphore, #tpu.memory_space<semaphore_mem>>)
      %dma_wait3A = arith.constant 0 : i32
      %dma_wait3A_58 = tpu.memref_slice %arg9[%add3A_42, %dma_wait3A] : memref<10240x128xf32, #tpu.memory_space<vmem_shared>> -> memref<128x128xf32, #tpu.memory_space<vmem_shared>>
      %dma_wait3A_59 = arith.constant 0 : i32
      %dma_wait3A_60 = tpu.memref_slice %arg9[%add3A_42, %dma_wait3A_59] : memref<10240x128xf32, #tpu.memory_space<vmem_shared>> -> memref<128x128xf32, #tpu.memory_space<vmem_shared>>
      tpu.wait_dma2 semaphore(%run_scoped3A : memref<!tpu.dma_semaphore, #tpu.memory_space<semaphore_mem>>) src(%dma_wait3A_60 : memref<128x128xf32, #tpu.memory_space<vmem_shared>>) dst(%arg8 : memref<128x128xf32, #tpu.memory_space<vmem>>)
      tpu.yield
    }) : () -> ()
    %mul3A_43 = arith.constant 10240 : i32
    %mul3A_44 = arith.muli %arg0, %mul3A_43 : i32
    %add3A_45 = arith.addi %mul3A_44, %mul3A_0 : i32
    %add3A_46 = arith.constant 384 : i32
    %add3A_47 = arith.addi %add3A_45, %add3A_46 : i32
    "tpu.region"() ({
      %run_scoped3A = tpu.sem_alloc : memref<!tpu.dma_semaphore, #tpu.memory_space<semaphore_mem>>
      %dma_start3A = arith.constant 0 : i32
      %dma_start3A_55 = tpu.memref_slice %arg5[%add3A_47, %dma_start3A] : memref<20480x128xf32, #tpu.memory_space<hbm>> -> memref<128x128xf32, #tpu.memory_space<hbm>>
      %dma_start3A_56 = arith.constant 0 : i32
      %dma_start3A_57 = tpu.memref_slice %arg5[%add3A_47, %dma_start3A_56] : memref<20480x128xf32, #tpu.memory_space<hbm>> -> memref<128x128xf32, #tpu.memory_space<hbm>>
      tpu.enqueue_dma source(%arg8 : memref<128x128xf32, #tpu.memory_space<vmem>>) target(%dma_start3A_57 : memref<128x128xf32, #tpu.memory_space<hbm>>) target_semaphore(%run_scoped3A : memref<!tpu.dma_semaphore, #tpu.memory_space<semaphore_mem>>)
      %dma_wait3A = arith.constant 0 : i32
      %dma_wait3A_58 = tpu.memref_slice %arg5[%add3A_47, %dma_wait3A] : memref<20480x128xf32, #tpu.memory_space<hbm>> -> memref<128x128xf32, #tpu.memory_space<hbm>>
      %dma_wait3A_59 = arith.constant 0 : i32
      %dma_wait3A_60 = tpu.memref_slice %arg5[%add3A_47, %dma_wait3A_59] : memref<20480x128xf32, #tpu.memory_space<hbm>> -> memref<128x128xf32, #tpu.memory_space<hbm>>
      tpu.wait_dma2 semaphore(%run_scoped3A : memref<!tpu.dma_semaphore, #tpu.memory_space<semaphore_mem>>) src(%arg8 : memref<128x128xf32, #tpu.memory_space<vmem>>) dst(%dma_wait3A_60 : memref<128x128xf32, #tpu.memory_space<hbm>>)
      tpu.yield
    }) : () -> ()
    %add3A_48 = arith.constant 512 : i32
    %add3A_49 = arith.addi %mul3A_0, %add3A_48 : i32
    "tpu.region"() ({
      %run_scoped3A = tpu.sem_alloc : memref<!tpu.dma_semaphore, #tpu.memory_space<semaphore_mem>>
      %dma_start3A = arith.constant 0 : i32
      %dma_start3A_55 = tpu.memref_slice %arg9[%add3A_49, %dma_start3A] : memref<10240x128xf32, #tpu.memory_space<vmem_shared>> -> memref<128x128xf32, #tpu.memory_space<vmem_shared>>
      %dma_start3A_56 = arith.constant 0 : i32
      %dma_start3A_57 = tpu.memref_slice %arg9[%add3A_49, %dma_start3A_56] : memref<10240x128xf32, #tpu.memory_space<vmem_shared>> -> memref<128x128xf32, #tpu.memory_space<vmem_shared>>
      tpu.enqueue_dma source(%dma_start3A_57 : memref<128x128xf32, #tpu.memory_space<vmem_shared>>) target(%arg8 : memref<128x128xf32, #tpu.memory_space<vmem>>) target_semaphore(%run_scoped3A : memref<!tpu.dma_semaphore, #tpu.memory_space<semaphore_mem>>)
      %dma_wait3A = arith.constant 0 : i32
      %dma_wait3A_58 = tpu.memref_slice %arg9[%add3A_49, %dma_wait3A] : memref<10240x128xf32, #tpu.memory_space<vmem_shared>> -> memref<128x128xf32, #tpu.memory_space<vmem_shared>>
      %dma_wait3A_59 = arith.constant 0 : i32
      %dma_wait3A_60 = tpu.memref_slice %arg9[%add3A_49, %dma_wait3A_59] : memref<10240x128xf32, #tpu.memory_space<vmem_shared>> -> memref<128x128xf32, #tpu.memory_space<vmem_shared>>
      tpu.wait_dma2 semaphore(%run_scoped3A : memref<!tpu.dma_semaphore, #tpu.memory_space<semaphore_mem>>) src(%dma_wait3A_60 : memref<128x128xf32, #tpu.memory_space<vmem_shared>>) dst(%arg8 : memref<128x128xf32, #tpu.memory_space<vmem>>)
      tpu.yield
    }) : () -> ()
    %mul3A_50 = arith.constant 10240 : i32
    %mul3A_51 = arith.muli %arg0, %mul3A_50 : i32
    %add3A_52 = arith.addi %mul3A_51, %mul3A_0 : i32
    %add3A_53 = arith.constant 512 : i32
    %add3A_54 = arith.addi %add3A_52, %add3A_53 : i32
    "tpu.region"() ({
      %run_scoped3A = tpu.sem_alloc : memref<!tpu.dma_semaphore, #tpu.memory_space<semaphore_mem>>
      %dma_start3A = arith.constant 0 : i32
      %dma_start3A_55 = tpu.memref_slice %arg5[%add3A_54, %dma_start3A] : memref<20480x128xf32, #tpu.memory_space<hbm>> -> memref<128x128xf32, #tpu.memory_space<hbm>>
      %dma_start3A_56 = arith.constant 0 : i32
      %dma_start3A_57 = tpu.memref_slice %arg5[%add3A_54, %dma_start3A_56] : memref<20480x128xf32, #tpu.memory_space<hbm>> -> memref<128x128xf32, #tpu.memory_space<hbm>>
      tpu.enqueue_dma source(%arg8 : memref<128x128xf32, #tpu.memory_space<vmem>>) target(%dma_start3A_57 : memref<128x128xf32, #tpu.memory_space<hbm>>) target_semaphore(%run_scoped3A : memref<!tpu.dma_semaphore, #tpu.memory_space<semaphore_mem>>)
      %dma_wait3A = arith.constant 0 : i32
      %dma_wait3A_58 = tpu.memref_slice %arg5[%add3A_54, %dma_wait3A] : memref<20480x128xf32, #tpu.memory_space<hbm>> -> memref<128x128xf32, #tpu.memory_space<hbm>>
      %dma_wait3A_59 = arith.constant 0 : i32
      %dma_wait3A_60 = tpu.memref_slice %arg5[%add3A_54, %dma_wait3A_59] : memref<20480x128xf32, #tpu.memory_space<hbm>> -> memref<128x128xf32, #tpu.memory_space<hbm>>
      tpu.wait_dma2 semaphore(%run_scoped3A : memref<!tpu.dma_semaphore, #tpu.memory_space<semaphore_mem>>) src(%arg8 : memref<128x128xf32, #tpu.memory_space<vmem>>) dst(%dma_wait3A_60 : memref<128x128xf32, #tpu.memory_space<hbm>>)
      tpu.yield
    }) : () -> ()
    return
  }
}

#map = affine_map<(d0, d1) -> (0, 0)>
module attributes {stable_mosaic.version = 14 : i64} {
  func.func @_sc_agg_body(%arg0: i32, %arg1: i32, %arg2: memref<20480x128xf32, #tpu.memory_space<hbm>>, %arg3: memref<2560x128xi32, #tpu.memory_space<hbm>>, %arg4: memref<1280x128xi32, #tpu.memory_space<hbm>>, %arg5: memref<128x128xf32, #tpu.memory_space<hbm>>, %arg6: memref<20480x128xf32, #tpu.memory_space<hbm>>, %arg7: memref<80x128xi32, #tpu.memory_space<vmem>>, %arg8: memref<8x128xi32, #tpu.memory_space<vmem>>, %arg9: memref<128x128xf32, #tpu.memory_space<vmem>>, %arg10: memref<128x128xf32, #tpu.memory_space<vmem>>, %arg11: memref<10240x128xf32, #tpu.memory_space<vmem_shared>>, %arg12: memref<!tpu.dma_semaphore, #tpu.memory_space<semaphore_mem>>, %arg13: memref<!tpu.dma_semaphore, #tpu.memory_space<semaphore_mem>>) attributes {dimension_semantics = [#tpu.dimension_semantics<core_parallel>, #tpu.dimension_semantics<subcore_parallel>], iteration_bounds = array<i64: 2, 16>, scalar_prefetch = 0 : i64, scratch_operands = 7 : i64, tpu.core_type = #tpu.core_type<sc_vector_subcore>, window_params = [{transform_indices = #map}, {transform_indices = #map}, {transform_indices = #map}, {transform_indices = #map}, {transform_indices = #map}]} {
    %mul3A = arith.constant 640 : i32
    %mul3A_0 = arith.muli %arg1, %mul3A : i32
    "tpu.region"() ({
      %run_scoped3A = tpu.sem_alloc : memref<!tpu.dma_semaphore, #tpu.memory_space<semaphore_mem>>
      tpu.enqueue_dma source(%arg5 : memref<128x128xf32, #tpu.memory_space<hbm>>) target(%arg9 : memref<128x128xf32, #tpu.memory_space<vmem>>) target_semaphore(%run_scoped3A : memref<!tpu.dma_semaphore, #tpu.memory_space<semaphore_mem>>)
      tpu.wait_dma2 semaphore(%run_scoped3A : memref<!tpu.dma_semaphore, #tpu.memory_space<semaphore_mem>>) src(%arg5 : memref<128x128xf32, #tpu.memory_space<hbm>>) dst(%arg9 : memref<128x128xf32, #tpu.memory_space<vmem>>)
      tpu.yield
    }) : () -> ()
    %add3A = arith.constant 0 : i32
    %add3A_1 = arith.addi %mul3A_0, %add3A : i32
    "tpu.region"() ({
      %run_scoped3A = tpu.sem_alloc : memref<!tpu.dma_semaphore, #tpu.memory_space<semaphore_mem>>
      %dma_start3A_68 = arith.constant 0 : i32
      %dma_start3A_69 = tpu.memref_slice %arg11[%add3A_1, %dma_start3A_68] : memref<10240x128xf32, #tpu.memory_space<vmem_shared>> -> memref<128x128xf32, #tpu.memory_space<vmem_shared>>
      %dma_start3A_70 = arith.constant 0 : i32
      %dma_start3A_71 = tpu.memref_slice %arg11[%add3A_1, %dma_start3A_70] : memref<10240x128xf32, #tpu.memory_space<vmem_shared>> -> memref<128x128xf32, #tpu.memory_space<vmem_shared>>
      tpu.enqueue_dma source(%arg9 : memref<128x128xf32, #tpu.memory_space<vmem>>) target(%dma_start3A_71 : memref<128x128xf32, #tpu.memory_space<vmem_shared>>) target_semaphore(%run_scoped3A : memref<!tpu.dma_semaphore, #tpu.memory_space<semaphore_mem>>)
      %dma_wait3A = arith.constant 0 : i32
      %dma_wait3A_72 = tpu.memref_slice %arg11[%add3A_1, %dma_wait3A] : memref<10240x128xf32, #tpu.memory_space<vmem_shared>> -> memref<128x128xf32, #tpu.memory_space<vmem_shared>>
      %dma_wait3A_73 = arith.constant 0 : i32
      %dma_wait3A_74 = tpu.memref_slice %arg11[%add3A_1, %dma_wait3A_73] : memref<10240x128xf32, #tpu.memory_space<vmem_shared>> -> memref<128x128xf32, #tpu.memory_space<vmem_shared>>
      tpu.wait_dma2 semaphore(%run_scoped3A : memref<!tpu.dma_semaphore, #tpu.memory_space<semaphore_mem>>) src(%arg9 : memref<128x128xf32, #tpu.memory_space<vmem>>) dst(%dma_wait3A_74 : memref<128x128xf32, #tpu.memory_space<vmem_shared>>)
      tpu.yield
    }) : () -> ()
    %add3A_2 = arith.constant 128 : i32
    %add3A_3 = arith.addi %mul3A_0, %add3A_2 : i32
    "tpu.region"() ({
      %run_scoped3A = tpu.sem_alloc : memref<!tpu.dma_semaphore, #tpu.memory_space<semaphore_mem>>
      %dma_start3A_68 = arith.constant 0 : i32
      %dma_start3A_69 = tpu.memref_slice %arg11[%add3A_3, %dma_start3A_68] : memref<10240x128xf32, #tpu.memory_space<vmem_shared>> -> memref<128x128xf32, #tpu.memory_space<vmem_shared>>
      %dma_start3A_70 = arith.constant 0 : i32
      %dma_start3A_71 = tpu.memref_slice %arg11[%add3A_3, %dma_start3A_70] : memref<10240x128xf32, #tpu.memory_space<vmem_shared>> -> memref<128x128xf32, #tpu.memory_space<vmem_shared>>
      tpu.enqueue_dma source(%arg9 : memref<128x128xf32, #tpu.memory_space<vmem>>) target(%dma_start3A_71 : memref<128x128xf32, #tpu.memory_space<vmem_shared>>) target_semaphore(%run_scoped3A : memref<!tpu.dma_semaphore, #tpu.memory_space<semaphore_mem>>)
      %dma_wait3A = arith.constant 0 : i32
      %dma_wait3A_72 = tpu.memref_slice %arg11[%add3A_3, %dma_wait3A] : memref<10240x128xf32, #tpu.memory_space<vmem_shared>> -> memref<128x128xf32, #tpu.memory_space<vmem_shared>>
      %dma_wait3A_73 = arith.constant 0 : i32
      %dma_wait3A_74 = tpu.memref_slice %arg11[%add3A_3, %dma_wait3A_73] : memref<10240x128xf32, #tpu.memory_space<vmem_shared>> -> memref<128x128xf32, #tpu.memory_space<vmem_shared>>
      tpu.wait_dma2 semaphore(%run_scoped3A : memref<!tpu.dma_semaphore, #tpu.memory_space<semaphore_mem>>) src(%arg9 : memref<128x128xf32, #tpu.memory_space<vmem>>) dst(%dma_wait3A_74 : memref<128x128xf32, #tpu.memory_space<vmem_shared>>)
      tpu.yield
    }) : () -> ()
    %add3A_4 = arith.constant 256 : i32
    %add3A_5 = arith.addi %mul3A_0, %add3A_4 : i32
    "tpu.region"() ({
      %run_scoped3A = tpu.sem_alloc : memref<!tpu.dma_semaphore, #tpu.memory_space<semaphore_mem>>
      %dma_start3A_68 = arith.constant 0 : i32
      %dma_start3A_69 = tpu.memref_slice %arg11[%add3A_5, %dma_start3A_68] : memref<10240x128xf32, #tpu.memory_space<vmem_shared>> -> memref<128x128xf32, #tpu.memory_space<vmem_shared>>
      %dma_start3A_70 = arith.constant 0 : i32
      %dma_start3A_71 = tpu.memref_slice %arg11[%add3A_5, %dma_start3A_70] : memref<10240x128xf32, #tpu.memory_space<vmem_shared>> -> memref<128x128xf32, #tpu.memory_space<vmem_shared>>
      tpu.enqueue_dma source(%arg9 : memref<128x128xf32, #tpu.memory_space<vmem>>) target(%dma_start3A_71 : memref<128x128xf32, #tpu.memory_space<vmem_shared>>) target_semaphore(%run_scoped3A : memref<!tpu.dma_semaphore, #tpu.memory_space<semaphore_mem>>)
      %dma_wait3A = arith.constant 0 : i32
      %dma_wait3A_72 = tpu.memref_slice %arg11[%add3A_5, %dma_wait3A] : memref<10240x128xf32, #tpu.memory_space<vmem_shared>> -> memref<128x128xf32, #tpu.memory_space<vmem_shared>>
      %dma_wait3A_73 = arith.constant 0 : i32
      %dma_wait3A_74 = tpu.memref_slice %arg11[%add3A_5, %dma_wait3A_73] : memref<10240x128xf32, #tpu.memory_space<vmem_shared>> -> memref<128x128xf32, #tpu.memory_space<vmem_shared>>
      tpu.wait_dma2 semaphore(%run_scoped3A : memref<!tpu.dma_semaphore, #tpu.memory_space<semaphore_mem>>) src(%arg9 : memref<128x128xf32, #tpu.memory_space<vmem>>) dst(%dma_wait3A_74 : memref<128x128xf32, #tpu.memory_space<vmem_shared>>)
      tpu.yield
    }) : () -> ()
    %add3A_6 = arith.constant 384 : i32
    %add3A_7 = arith.addi %mul3A_0, %add3A_6 : i32
    "tpu.region"() ({
      %run_scoped3A = tpu.sem_alloc : memref<!tpu.dma_semaphore, #tpu.memory_space<semaphore_mem>>
      %dma_start3A_68 = arith.constant 0 : i32
      %dma_start3A_69 = tpu.memref_slice %arg11[%add3A_7, %dma_start3A_68] : memref<10240x128xf32, #tpu.memory_space<vmem_shared>> -> memref<128x128xf32, #tpu.memory_space<vmem_shared>>
      %dma_start3A_70 = arith.constant 0 : i32
      %dma_start3A_71 = tpu.memref_slice %arg11[%add3A_7, %dma_start3A_70] : memref<10240x128xf32, #tpu.memory_space<vmem_shared>> -> memref<128x128xf32, #tpu.memory_space<vmem_shared>>
      tpu.enqueue_dma source(%arg9 : memref<128x128xf32, #tpu.memory_space<vmem>>) target(%dma_start3A_71 : memref<128x128xf32, #tpu.memory_space<vmem_shared>>) target_semaphore(%run_scoped3A : memref<!tpu.dma_semaphore, #tpu.memory_space<semaphore_mem>>)
      %dma_wait3A = arith.constant 0 : i32
      %dma_wait3A_72 = tpu.memref_slice %arg11[%add3A_7, %dma_wait3A] : memref<10240x128xf32, #tpu.memory_space<vmem_shared>> -> memref<128x128xf32, #tpu.memory_space<vmem_shared>>
      %dma_wait3A_73 = arith.constant 0 : i32
      %dma_wait3A_74 = tpu.memref_slice %arg11[%add3A_7, %dma_wait3A_73] : memref<10240x128xf32, #tpu.memory_space<vmem_shared>> -> memref<128x128xf32, #tpu.memory_space<vmem_shared>>
      tpu.wait_dma2 semaphore(%run_scoped3A : memref<!tpu.dma_semaphore, #tpu.memory_space<semaphore_mem>>) src(%arg9 : memref<128x128xf32, #tpu.memory_space<vmem>>) dst(%dma_wait3A_74 : memref<128x128xf32, #tpu.memory_space<vmem_shared>>)
      tpu.yield
    }) : () -> ()
    %add3A_8 = arith.constant 512 : i32
    %add3A_9 = arith.addi %mul3A_0, %add3A_8 : i32
    "tpu.region"() ({
      %run_scoped3A = tpu.sem_alloc : memref<!tpu.dma_semaphore, #tpu.memory_space<semaphore_mem>>
      %dma_start3A_68 = arith.constant 0 : i32
      %dma_start3A_69 = tpu.memref_slice %arg11[%add3A_9, %dma_start3A_68] : memref<10240x128xf32, #tpu.memory_space<vmem_shared>> -> memref<128x128xf32, #tpu.memory_space<vmem_shared>>
      %dma_start3A_70 = arith.constant 0 : i32
      %dma_start3A_71 = tpu.memref_slice %arg11[%add3A_9, %dma_start3A_70] : memref<10240x128xf32, #tpu.memory_space<vmem_shared>> -> memref<128x128xf32, #tpu.memory_space<vmem_shared>>
      tpu.enqueue_dma source(%arg9 : memref<128x128xf32, #tpu.memory_space<vmem>>) target(%dma_start3A_71 : memref<128x128xf32, #tpu.memory_space<vmem_shared>>) target_semaphore(%run_scoped3A : memref<!tpu.dma_semaphore, #tpu.memory_space<semaphore_mem>>)
      %dma_wait3A = arith.constant 0 : i32
      %dma_wait3A_72 = tpu.memref_slice %arg11[%add3A_9, %dma_wait3A] : memref<10240x128xf32, #tpu.memory_space<vmem_shared>> -> memref<128x128xf32, #tpu.memory_space<vmem_shared>>
      %dma_wait3A_73 = arith.constant 0 : i32
      %dma_wait3A_74 = tpu.memref_slice %arg11[%add3A_9, %dma_wait3A_73] : memref<10240x128xf32, #tpu.memory_space<vmem_shared>> -> memref<128x128xf32, #tpu.memory_space<vmem_shared>>
      tpu.wait_dma2 semaphore(%run_scoped3A : memref<!tpu.dma_semaphore, #tpu.memory_space<semaphore_mem>>) src(%arg9 : memref<128x128xf32, #tpu.memory_space<vmem>>) dst(%dma_wait3A_74 : memref<128x128xf32, #tpu.memory_space<vmem_shared>>)
      tpu.yield
    }) : () -> ()
    %barrier3A = arith.constant 0 : index
    tpu.barrier barrier_id(%barrier3A)
    %mul3A_10 = arith.constant 80 : i32
    %mul3A_11 = arith.muli %arg1, %mul3A_10 : i32
    %mul3A_12 = arith.constant 1280 : i32
    %mul3A_13 = arith.muli %arg0, %mul3A_12 : i32
    %add3A_14 = arith.addi %mul3A_13, %mul3A_11 : i32
    "tpu.region"() ({
      %run_scoped3A = tpu.sem_alloc : memref<!tpu.dma_semaphore, #tpu.memory_space<semaphore_mem>>
      %dma_start3A_68 = arith.constant 0 : i32
      %dma_start3A_69 = tpu.memref_slice %arg3[%add3A_14, %dma_start3A_68] : memref<2560x128xi32, #tpu.memory_space<hbm>> -> memref<80x128xi32, #tpu.memory_space<hbm>>
      %dma_start3A_70 = arith.constant 0 : i32
      %dma_start3A_71 = tpu.memref_slice %arg3[%add3A_14, %dma_start3A_70] : memref<2560x128xi32, #tpu.memory_space<hbm>> -> memref<80x128xi32, #tpu.memory_space<hbm>>
      tpu.enqueue_dma source(%dma_start3A_71 : memref<80x128xi32, #tpu.memory_space<hbm>>) target(%arg7 : memref<80x128xi32, #tpu.memory_space<vmem>>) target_semaphore(%run_scoped3A : memref<!tpu.dma_semaphore, #tpu.memory_space<semaphore_mem>>)
      %dma_wait3A = arith.constant 0 : i32
      %dma_wait3A_72 = tpu.memref_slice %arg3[%add3A_14, %dma_wait3A] : memref<2560x128xi32, #tpu.memory_space<hbm>> -> memref<80x128xi32, #tpu.memory_space<hbm>>
      %dma_wait3A_73 = arith.constant 0 : i32
      %dma_wait3A_74 = tpu.memref_slice %arg3[%add3A_14, %dma_wait3A_73] : memref<2560x128xi32, #tpu.memory_space<hbm>> -> memref<80x128xi32, #tpu.memory_space<hbm>>
      tpu.wait_dma2 semaphore(%run_scoped3A : memref<!tpu.dma_semaphore, #tpu.memory_space<semaphore_mem>>) src(%dma_wait3A_74 : memref<80x128xi32, #tpu.memory_space<hbm>>) dst(%arg7 : memref<80x128xi32, #tpu.memory_space<vmem>>)
      tpu.yield
    }) : () -> ()
    %dma_start3A = arith.constant 0 : i32
    %dma_start3A_15 = arith.constant 0 : i32
    %dma_start3A_16 = tpu.memref_slice %arg7[%dma_start3A, %dma_start3A_15] : memref<80x128xi32, #tpu.memory_space<vmem>> -> memref<1x128xi32, #tpu.memory_space<vmem>>
    %dma_start3A_17 = tpu.memref_squeeze %dma_start3A_16 : memref<1x128xi32, #tpu.memory_space<vmem>> -> memref<128xi32, #tpu.memory_space<vmem>>
    %dma_start3A_18 = arith.constant 0 : i32
    %dma_start3A_19 = arith.constant 0 : i32
    %dma_start3A_20 = tpu.memref_slice %arg2[%dma_start3A_18, %dma_start3A_19] : memref<20480x128xf32, #tpu.memory_space<hbm>> -> memref<20480x128xf32, #tpu.memory_space<hbm>>
    tpu.enqueue_indirect_dma source(%dma_start3A_20 : memref<20480x128xf32, #tpu.memory_space<hbm>>) target(%arg9 : memref<128x128xf32, #tpu.memory_space<vmem>>) offsets(%dma_start3A_17 : memref<128xi32, #tpu.memory_space<vmem>>) semaphore(%arg12 : memref<!tpu.dma_semaphore, #tpu.memory_space<semaphore_mem>>)
    %dma_start3A_21 = arith.constant 1 : i32
    %dma_start3A_22 = arith.constant 0 : i32
    %dma_start3A_23 = tpu.memref_slice %arg7[%dma_start3A_21, %dma_start3A_22] : memref<80x128xi32, #tpu.memory_space<vmem>> -> memref<1x128xi32, #tpu.memory_space<vmem>>
    %dma_start3A_24 = tpu.memref_squeeze %dma_start3A_23 : memref<1x128xi32, #tpu.memory_space<vmem>> -> memref<128xi32, #tpu.memory_space<vmem>>
    %dma_start3A_25 = arith.constant 0 : i32
    %dma_start3A_26 = arith.constant 0 : i32
    %dma_start3A_27 = tpu.memref_slice %arg2[%dma_start3A_25, %dma_start3A_26] : memref<20480x128xf32, #tpu.memory_space<hbm>> -> memref<20480x128xf32, #tpu.memory_space<hbm>>
    tpu.enqueue_indirect_dma source(%dma_start3A_27 : memref<20480x128xf32, #tpu.memory_space<hbm>>) target(%arg10 : memref<128x128xf32, #tpu.memory_space<vmem>>) offsets(%dma_start3A_24 : memref<128xi32, #tpu.memory_space<vmem>>) semaphore(%arg13 : memref<!tpu.dma_semaphore, #tpu.memory_space<semaphore_mem>>)
    %scan3A = arith.constant 0 : i32
    %scan3A_28 = arith.constant 10 : i32
    %scan3A_29 = arith.addi %scan3A, %scan3A_28 : i32
    %scan3A_30 = arith.constant 1 : i32
    scf.for %scan3A_68 = %scan3A to %scan3A_29 step %scan3A_30  : i32 {
      %mul3A_69 = arith.constant 1 : i32
      %mul3A_70 = arith.muli %scan3A_68, %mul3A_69 : i32
      %add3A_71 = arith.constant 0 : i32
      %add3A_72 = arith.addi %add3A_71, %mul3A_70 : i32
      %mul3A_73 = arith.constant 8 : i32
      %mul3A_74 = arith.muli %add3A_72, %mul3A_73 : i32
      %add3A_75 = arith.addi %mul3A_11, %mul3A_74 : i32
      "tpu.region"() ({
        %run_scoped3A_215 = tpu.sem_alloc : memref<!tpu.dma_semaphore, #tpu.memory_space<semaphore_mem>>
        %dma_start3A_216 = arith.constant 0 : i32
        %dma_start3A_217 = tpu.memref_slice %arg4[%add3A_75, %dma_start3A_216] : memref<1280x128xi32, #tpu.memory_space<hbm>> -> memref<8x128xi32, #tpu.memory_space<hbm>>
        %dma_start3A_218 = arith.constant 0 : i32
        %dma_start3A_219 = tpu.memref_slice %arg4[%add3A_75, %dma_start3A_218] : memref<1280x128xi32, #tpu.memory_space<hbm>> -> memref<8x128xi32, #tpu.memory_space<hbm>>
        tpu.enqueue_dma source(%dma_start3A_219 : memref<8x128xi32, #tpu.memory_space<hbm>>) target(%arg8 : memref<8x128xi32, #tpu.memory_space<vmem>>) target_semaphore(%run_scoped3A_215 : memref<!tpu.dma_semaphore, #tpu.memory_space<semaphore_mem>>)
        %dma_wait3A_220 = arith.constant 0 : i32
        %dma_wait3A_221 = tpu.memref_slice %arg4[%add3A_75, %dma_wait3A_220] : memref<1280x128xi32, #tpu.memory_space<hbm>> -> memref<8x128xi32, #tpu.memory_space<hbm>>
        %dma_wait3A_222 = arith.constant 0 : i32
        %dma_wait3A_223 = tpu.memref_slice %arg4[%add3A_75, %dma_wait3A_222] : memref<1280x128xi32, #tpu.memory_space<hbm>> -> memref<8x128xi32, #tpu.memory_space<hbm>>
        tpu.wait_dma2 semaphore(%run_scoped3A_215 : memref<!tpu.dma_semaphore, #tpu.memory_space<semaphore_mem>>) src(%dma_wait3A_223 : memref<8x128xi32, #tpu.memory_space<hbm>>) dst(%arg8 : memref<8x128xi32, #tpu.memory_space<vmem>>)
        tpu.yield
      }) : () -> ()
      %add3A_76 = arith.constant 0 : i32
      %add3A_77 = arith.addi %mul3A_74, %add3A_76 : i32
      %dma_wait3A = arith.constant 0 : i32
      %dma_wait3A_78 = tpu.memref_slice %arg7[%add3A_77, %dma_wait3A] : memref<80x128xi32, #tpu.memory_space<vmem>> -> memref<1x128xi32, #tpu.memory_space<vmem>>
      %dma_wait3A_79 = tpu.memref_squeeze %dma_wait3A_78 : memref<1x128xi32, #tpu.memory_space<vmem>> -> memref<128xi32, #tpu.memory_space<vmem>>
      %dma_wait3A_80 = arith.constant 0 : i32
      %dma_wait3A_81 = arith.constant 0 : i32
      %dma_wait3A_82 = tpu.memref_slice %arg2[%dma_wait3A_80, %dma_wait3A_81] : memref<20480x128xf32, #tpu.memory_space<hbm>> -> memref<20480x128xf32, #tpu.memory_space<hbm>>
      tpu.wait_indirect_dma semaphore(%arg12 : memref<!tpu.dma_semaphore, #tpu.memory_space<semaphore_mem>>) src(%dma_wait3A_82 : memref<20480x128xf32, #tpu.memory_space<hbm>>) dst(%arg9 : memref<128x128xf32, #tpu.memory_space<vmem>>)
      %run_scoped3A = arith.constant 0 : i32
      "tpu.region"() ({
        %run_scoped3A_215 = tpu.sem_alloc : memref<!tpu.dma_semaphore, #tpu.memory_space<semaphore_mem>>
        %dma_start3A_216 = arith.constant 0 : i32
        %dma_start3A_217 = tpu.memref_slice %arg8[%run_scoped3A, %dma_start3A_216] : memref<8x128xi32, #tpu.memory_space<vmem>> -> memref<1x128xi32, #tpu.memory_space<vmem>>
        %dma_start3A_218 = tpu.memref_squeeze %dma_start3A_217 : memref<1x128xi32, #tpu.memory_space<vmem>> -> memref<128xi32, #tpu.memory_space<vmem>>
        %dma_start3A_219 = arith.constant 0 : i32
        %dma_start3A_220 = arith.constant 0 : i32
        %dma_start3A_221 = tpu.memref_slice %arg11[%dma_start3A_219, %dma_start3A_220] : memref<10240x128xf32, #tpu.memory_space<vmem_shared>> -> memref<10240x128xf32, #tpu.memory_space<vmem_shared>>
        tpu.enqueue_indirect_dma source(%arg9 : memref<128x128xf32, #tpu.memory_space<vmem>>) target(%dma_start3A_221 : memref<10240x128xf32, #tpu.memory_space<vmem_shared>>) offsets(%dma_start3A_218 : memref<128xi32, #tpu.memory_space<vmem>>) semaphore(%run_scoped3A_215 : memref<!tpu.dma_semaphore, #tpu.memory_space<semaphore_mem>>) {add = true}
        %dma_wait3A_222 = arith.constant 0 : i32
        %dma_wait3A_223 = tpu.memref_slice %arg8[%run_scoped3A, %dma_wait3A_222] : memref<8x128xi32, #tpu.memory_space<vmem>> -> memref<1x128xi32, #tpu.memory_space<vmem>>
        %dma_wait3A_224 = tpu.memref_squeeze %dma_wait3A_223 : memref<1x128xi32, #tpu.memory_space<vmem>> -> memref<128xi32, #tpu.memory_space<vmem>>
        %dma_wait3A_225 = arith.constant 0 : i32
        %dma_wait3A_226 = arith.constant 0 : i32
        %dma_wait3A_227 = tpu.memref_slice %arg11[%dma_wait3A_225, %dma_wait3A_226] : memref<10240x128xf32, #tpu.memory_space<vmem_shared>> -> memref<10240x128xf32, #tpu.memory_space<vmem_shared>>
        tpu.wait_indirect_dma semaphore(%run_scoped3A_215 : memref<!tpu.dma_semaphore, #tpu.memory_space<semaphore_mem>>) src(%arg9 : memref<128x128xf32, #tpu.memory_space<vmem>>) dst(%dma_wait3A_227 : memref<10240x128xf32, #tpu.memory_space<vmem_shared>>)
        tpu.yield
      }) : () -> ()
      %add3A_83 = arith.constant 0 : i32
      %add3A_84 = arith.addi %mul3A_74, %add3A_83 : i32
      %add3A_85 = arith.constant 2 : i32
      %add3A_86 = arith.addi %add3A_84, %add3A_85 : i32
      %lt3A = arith.constant 80 : i32
      %lt3A_87 = arith.cmpi slt, %add3A_86, %lt3A : i32
      %convert_element_type3A = arith.extui %lt3A_87 : i1 to i32
      %cond3A = arith.constant 0 : i32
      %cond3A_88 = arith.cmpi ne, %convert_element_type3A, %cond3A : i32
      scf.if %cond3A_88 {
        %add3A_215 = arith.constant 0 : i32
        %add3A_216 = arith.addi %mul3A_74, %add3A_215 : i32
        %add3A_217 = arith.constant 2 : i32
        %add3A_218 = arith.addi %add3A_216, %add3A_217 : i32
        %dma_start3A_219 = arith.constant 0 : i32
        %dma_start3A_220 = tpu.memref_slice %arg7[%add3A_218, %dma_start3A_219] : memref<80x128xi32, #tpu.memory_space<vmem>> -> memref<1x128xi32, #tpu.memory_space<vmem>>
        %dma_start3A_221 = tpu.memref_squeeze %dma_start3A_220 : memref<1x128xi32, #tpu.memory_space<vmem>> -> memref<128xi32, #tpu.memory_space<vmem>>
        %dma_start3A_222 = arith.constant 0 : i32
        %dma_start3A_223 = arith.constant 0 : i32
        %dma_start3A_224 = tpu.memref_slice %arg2[%dma_start3A_222, %dma_start3A_223] : memref<20480x128xf32, #tpu.memory_space<hbm>> -> memref<20480x128xf32, #tpu.memory_space<hbm>>
        tpu.enqueue_indirect_dma source(%dma_start3A_224 : memref<20480x128xf32, #tpu.memory_space<hbm>>) target(%arg9 : memref<128x128xf32, #tpu.memory_space<vmem>>) offsets(%dma_start3A_221 : memref<128xi32, #tpu.memory_space<vmem>>) semaphore(%arg12 : memref<!tpu.dma_semaphore, #tpu.memory_space<semaphore_mem>>)
      } else {
      }
      %add3A_89 = arith.constant 1 : i32
      %add3A_90 = arith.addi %mul3A_74, %add3A_89 : i32
      %dma_wait3A_91 = arith.constant 0 : i32
      %dma_wait3A_92 = tpu.memref_slice %arg7[%add3A_90, %dma_wait3A_91] : memref<80x128xi32, #tpu.memory_space<vmem>> -> memref<1x128xi32, #tpu.memory_space<vmem>>
      %dma_wait3A_93 = tpu.memref_squeeze %dma_wait3A_92 : memref<1x128xi32, #tpu.memory_space<vmem>> -> memref<128xi32, #tpu.memory_space<vmem>>
      %dma_wait3A_94 = arith.constant 0 : i32
      %dma_wait3A_95 = arith.constant 0 : i32
      %dma_wait3A_96 = tpu.memref_slice %arg2[%dma_wait3A_94, %dma_wait3A_95] : memref<20480x128xf32, #tpu.memory_space<hbm>> -> memref<20480x128xf32, #tpu.memory_space<hbm>>
      tpu.wait_indirect_dma semaphore(%arg13 : memref<!tpu.dma_semaphore, #tpu.memory_space<semaphore_mem>>) src(%dma_wait3A_96 : memref<20480x128xf32, #tpu.memory_space<hbm>>) dst(%arg10 : memref<128x128xf32, #tpu.memory_space<vmem>>)
      %run_scoped3A_97 = arith.constant 1 : i32
      "tpu.region"() ({
        %run_scoped3A_215 = tpu.sem_alloc : memref<!tpu.dma_semaphore, #tpu.memory_space<semaphore_mem>>
        %dma_start3A_216 = arith.constant 0 : i32
        %dma_start3A_217 = tpu.memref_slice %arg8[%run_scoped3A_97, %dma_start3A_216] : memref<8x128xi32, #tpu.memory_space<vmem>> -> memref<1x128xi32, #tpu.memory_space<vmem>>
        %dma_start3A_218 = tpu.memref_squeeze %dma_start3A_217 : memref<1x128xi32, #tpu.memory_space<vmem>> -> memref<128xi32, #tpu.memory_space<vmem>>
        %dma_start3A_219 = arith.constant 0 : i32
        %dma_start3A_220 = arith.constant 0 : i32
        %dma_start3A_221 = tpu.memref_slice %arg11[%dma_start3A_219, %dma_start3A_220] : memref<10240x128xf32, #tpu.memory_space<vmem_shared>> -> memref<10240x128xf32, #tpu.memory_space<vmem_shared>>
        tpu.enqueue_indirect_dma source(%arg10 : memref<128x128xf32, #tpu.memory_space<vmem>>) target(%dma_start3A_221 : memref<10240x128xf32, #tpu.memory_space<vmem_shared>>) offsets(%dma_start3A_218 : memref<128xi32, #tpu.memory_space<vmem>>) semaphore(%run_scoped3A_215 : memref<!tpu.dma_semaphore, #tpu.memory_space<semaphore_mem>>) {add = true}
        %dma_wait3A_222 = arith.constant 0 : i32
        %dma_wait3A_223 = tpu.memref_slice %arg8[%run_scoped3A_97, %dma_wait3A_222] : memref<8x128xi32, #tpu.memory_space<vmem>> -> memref<1x128xi32, #tpu.memory_space<vmem>>
        %dma_wait3A_224 = tpu.memref_squeeze %dma_wait3A_223 : memref<1x128xi32, #tpu.memory_space<vmem>> -> memref<128xi32, #tpu.memory_space<vmem>>
        %dma_wait3A_225 = arith.constant 0 : i32
        %dma_wait3A_226 = arith.constant 0 : i32
        %dma_wait3A_227 = tpu.memref_slice %arg11[%dma_wait3A_225, %dma_wait3A_226] : memref<10240x128xf32, #tpu.memory_space<vmem_shared>> -> memref<10240x128xf32, #tpu.memory_space<vmem_shared>>
        tpu.wait_indirect_dma semaphore(%run_scoped3A_215 : memref<!tpu.dma_semaphore, #tpu.memory_space<semaphore_mem>>) src(%arg10 : memref<128x128xf32, #tpu.memory_space<vmem>>) dst(%dma_wait3A_227 : memref<10240x128xf32, #tpu.memory_space<vmem_shared>>)
        tpu.yield
      }) : () -> ()
      %add3A_98 = arith.constant 1 : i32
      %add3A_99 = arith.addi %mul3A_74, %add3A_98 : i32
      %add3A_100 = arith.constant 2 : i32
      %add3A_101 = arith.addi %add3A_99, %add3A_100 : i32
      %lt3A_102 = arith.constant 80 : i32
      %lt3A_103 = arith.cmpi slt, %add3A_101, %lt3A_102 : i32
      %convert_element_type3A_104 = arith.extui %lt3A_103 : i1 to i32
      %cond3A_105 = arith.constant 0 : i32
      %cond3A_106 = arith.cmpi ne, %convert_element_type3A_104, %cond3A_105 : i32
      scf.if %cond3A_106 {
        %add3A_215 = arith.constant 1 : i32
        %add3A_216 = arith.addi %mul3A_74, %add3A_215 : i32
        %add3A_217 = arith.constant 2 : i32
        %add3A_218 = arith.addi %add3A_216, %add3A_217 : i32
        %dma_start3A_219 = arith.constant 0 : i32
        %dma_start3A_220 = tpu.memref_slice %arg7[%add3A_218, %dma_start3A_219] : memref<80x128xi32, #tpu.memory_space<vmem>> -> memref<1x128xi32, #tpu.memory_space<vmem>>
        %dma_start3A_221 = tpu.memref_squeeze %dma_start3A_220 : memref<1x128xi32, #tpu.memory_space<vmem>> -> memref<128xi32, #tpu.memory_space<vmem>>
        %dma_start3A_222 = arith.constant 0 : i32
        %dma_start3A_223 = arith.constant 0 : i32
        %dma_start3A_224 = tpu.memref_slice %arg2[%dma_start3A_222, %dma_start3A_223] : memref<20480x128xf32, #tpu.memory_space<hbm>> -> memref<20480x128xf32, #tpu.memory_space<hbm>>
        tpu.enqueue_indirect_dma source(%dma_start3A_224 : memref<20480x128xf32, #tpu.memory_space<hbm>>) target(%arg10 : memref<128x128xf32, #tpu.memory_space<vmem>>) offsets(%dma_start3A_221 : memref<128xi32, #tpu.memory_space<vmem>>) semaphore(%arg13 : memref<!tpu.dma_semaphore, #tpu.memory_space<semaphore_mem>>)
      } else {
      }
      %add3A_107 = arith.constant 2 : i32
      %add3A_108 = arith.addi %mul3A_74, %add3A_107 : i32
      %dma_wait3A_109 = arith.constant 0 : i32
      %dma_wait3A_110 = tpu.memref_slice %arg7[%add3A_108, %dma_wait3A_109] : memref<80x128xi32, #tpu.memory_space<vmem>> -> memref<1x128xi32, #tpu.memory_space<vmem>>
      %dma_wait3A_111 = tpu.memref_squeeze %dma_wait3A_110 : memref<1x128xi32, #tpu.memory_space<vmem>> -> memref<128xi32, #tpu.memory_space<vmem>>
      %dma_wait3A_112 = arith.constant 0 : i32
      %dma_wait3A_113 = arith.constant 0 : i32
      %dma_wait3A_114 = tpu.memref_slice %arg2[%dma_wait3A_112, %dma_wait3A_113] : memref<20480x128xf32, #tpu.memory_space<hbm>> -> memref<20480x128xf32, #tpu.memory_space<hbm>>
      tpu.wait_indirect_dma semaphore(%arg12 : memref<!tpu.dma_semaphore, #tpu.memory_space<semaphore_mem>>) src(%dma_wait3A_114 : memref<20480x128xf32, #tpu.memory_space<hbm>>) dst(%arg9 : memref<128x128xf32, #tpu.memory_space<vmem>>)
      %run_scoped3A_115 = arith.constant 2 : i32
      "tpu.region"() ({
        %run_scoped3A_215 = tpu.sem_alloc : memref<!tpu.dma_semaphore, #tpu.memory_space<semaphore_mem>>
        %dma_start3A_216 = arith.constant 0 : i32
        %dma_start3A_217 = tpu.memref_slice %arg8[%run_scoped3A_115, %dma_start3A_216] : memref<8x128xi32, #tpu.memory_space<vmem>> -> memref<1x128xi32, #tpu.memory_space<vmem>>
        %dma_start3A_218 = tpu.memref_squeeze %dma_start3A_217 : memref<1x128xi32, #tpu.memory_space<vmem>> -> memref<128xi32, #tpu.memory_space<vmem>>
        %dma_start3A_219 = arith.constant 0 : i32
        %dma_start3A_220 = arith.constant 0 : i32
        %dma_start3A_221 = tpu.memref_slice %arg11[%dma_start3A_219, %dma_start3A_220] : memref<10240x128xf32, #tpu.memory_space<vmem_shared>> -> memref<10240x128xf32, #tpu.memory_space<vmem_shared>>
        tpu.enqueue_indirect_dma source(%arg9 : memref<128x128xf32, #tpu.memory_space<vmem>>) target(%dma_start3A_221 : memref<10240x128xf32, #tpu.memory_space<vmem_shared>>) offsets(%dma_start3A_218 : memref<128xi32, #tpu.memory_space<vmem>>) semaphore(%run_scoped3A_215 : memref<!tpu.dma_semaphore, #tpu.memory_space<semaphore_mem>>) {add = true}
        %dma_wait3A_222 = arith.constant 0 : i32
        %dma_wait3A_223 = tpu.memref_slice %arg8[%run_scoped3A_115, %dma_wait3A_222] : memref<8x128xi32, #tpu.memory_space<vmem>> -> memref<1x128xi32, #tpu.memory_space<vmem>>
        %dma_wait3A_224 = tpu.memref_squeeze %dma_wait3A_223 : memref<1x128xi32, #tpu.memory_space<vmem>> -> memref<128xi32, #tpu.memory_space<vmem>>
        %dma_wait3A_225 = arith.constant 0 : i32
        %dma_wait3A_226 = arith.constant 0 : i32
        %dma_wait3A_227 = tpu.memref_slice %arg11[%dma_wait3A_225, %dma_wait3A_226] : memref<10240x128xf32, #tpu.memory_space<vmem_shared>> -> memref<10240x128xf32, #tpu.memory_space<vmem_shared>>
        tpu.wait_indirect_dma semaphore(%run_scoped3A_215 : memref<!tpu.dma_semaphore, #tpu.memory_space<semaphore_mem>>) src(%arg9 : memref<128x128xf32, #tpu.memory_space<vmem>>) dst(%dma_wait3A_227 : memref<10240x128xf32, #tpu.memory_space<vmem_shared>>)
        tpu.yield
      }) : () -> ()
      %add3A_116 = arith.constant 2 : i32
      %add3A_117 = arith.addi %mul3A_74, %add3A_116 : i32
      %add3A_118 = arith.constant 2 : i32
      %add3A_119 = arith.addi %add3A_117, %add3A_118 : i32
      %lt3A_120 = arith.constant 80 : i32
      %lt3A_121 = arith.cmpi slt, %add3A_119, %lt3A_120 : i32
      %convert_element_type3A_122 = arith.extui %lt3A_121 : i1 to i32
      %cond3A_123 = arith.constant 0 : i32
      %cond3A_124 = arith.cmpi ne, %convert_element_type3A_122, %cond3A_123 : i32
      scf.if %cond3A_124 {
        %add3A_215 = arith.constant 2 : i32
        %add3A_216 = arith.addi %mul3A_74, %add3A_215 : i32
        %add3A_217 = arith.constant 2 : i32
        %add3A_218 = arith.addi %add3A_216, %add3A_217 : i32
        %dma_start3A_219 = arith.constant 0 : i32
        %dma_start3A_220 = tpu.memref_slice %arg7[%add3A_218, %dma_start3A_219] : memref<80x128xi32, #tpu.memory_space<vmem>> -> memref<1x128xi32, #tpu.memory_space<vmem>>
        %dma_start3A_221 = tpu.memref_squeeze %dma_start3A_220 : memref<1x128xi32, #tpu.memory_space<vmem>> -> memref<128xi32, #tpu.memory_space<vmem>>
        %dma_start3A_222 = arith.constant 0 : i32
        %dma_start3A_223 = arith.constant 0 : i32
        %dma_start3A_224 = tpu.memref_slice %arg2[%dma_start3A_222, %dma_start3A_223] : memref<20480x128xf32, #tpu.memory_space<hbm>> -> memref<20480x128xf32, #tpu.memory_space<hbm>>
        tpu.enqueue_indirect_dma source(%dma_start3A_224 : memref<20480x128xf32, #tpu.memory_space<hbm>>) target(%arg9 : memref<128x128xf32, #tpu.memory_space<vmem>>) offsets(%dma_start3A_221 : memref<128xi32, #tpu.memory_space<vmem>>) semaphore(%arg12 : memref<!tpu.dma_semaphore, #tpu.memory_space<semaphore_mem>>)
      } else {
      }
      %add3A_125 = arith.constant 3 : i32
      %add3A_126 = arith.addi %mul3A_74, %add3A_125 : i32
      %dma_wait3A_127 = arith.constant 0 : i32
      %dma_wait3A_128 = tpu.memref_slice %arg7[%add3A_126, %dma_wait3A_127] : memref<80x128xi32, #tpu.memory_space<vmem>> -> memref<1x128xi32, #tpu.memory_space<vmem>>
      %dma_wait3A_129 = tpu.memref_squeeze %dma_wait3A_128 : memref<1x128xi32, #tpu.memory_space<vmem>> -> memref<128xi32, #tpu.memory_space<vmem>>
      %dma_wait3A_130 = arith.constant 0 : i32
      %dma_wait3A_131 = arith.constant 0 : i32
      %dma_wait3A_132 = tpu.memref_slice %arg2[%dma_wait3A_130, %dma_wait3A_131] : memref<20480x128xf32, #tpu.memory_space<hbm>> -> memref<20480x128xf32, #tpu.memory_space<hbm>>
      tpu.wait_indirect_dma semaphore(%arg13 : memref<!tpu.dma_semaphore, #tpu.memory_space<semaphore_mem>>) src(%dma_wait3A_132 : memref<20480x128xf32, #tpu.memory_space<hbm>>) dst(%arg10 : memref<128x128xf32, #tpu.memory_space<vmem>>)
      %run_scoped3A_133 = arith.constant 3 : i32
      "tpu.region"() ({
        %run_scoped3A_215 = tpu.sem_alloc : memref<!tpu.dma_semaphore, #tpu.memory_space<semaphore_mem>>
        %dma_start3A_216 = arith.constant 0 : i32
        %dma_start3A_217 = tpu.memref_slice %arg8[%run_scoped3A_133, %dma_start3A_216] : memref<8x128xi32, #tpu.memory_space<vmem>> -> memref<1x128xi32, #tpu.memory_space<vmem>>
        %dma_start3A_218 = tpu.memref_squeeze %dma_start3A_217 : memref<1x128xi32, #tpu.memory_space<vmem>> -> memref<128xi32, #tpu.memory_space<vmem>>
        %dma_start3A_219 = arith.constant 0 : i32
        %dma_start3A_220 = arith.constant 0 : i32
        %dma_start3A_221 = tpu.memref_slice %arg11[%dma_start3A_219, %dma_start3A_220] : memref<10240x128xf32, #tpu.memory_space<vmem_shared>> -> memref<10240x128xf32, #tpu.memory_space<vmem_shared>>
        tpu.enqueue_indirect_dma source(%arg10 : memref<128x128xf32, #tpu.memory_space<vmem>>) target(%dma_start3A_221 : memref<10240x128xf32, #tpu.memory_space<vmem_shared>>) offsets(%dma_start3A_218 : memref<128xi32, #tpu.memory_space<vmem>>) semaphore(%run_scoped3A_215 : memref<!tpu.dma_semaphore, #tpu.memory_space<semaphore_mem>>) {add = true}
        %dma_wait3A_222 = arith.constant 0 : i32
        %dma_wait3A_223 = tpu.memref_slice %arg8[%run_scoped3A_133, %dma_wait3A_222] : memref<8x128xi32, #tpu.memory_space<vmem>> -> memref<1x128xi32, #tpu.memory_space<vmem>>
        %dma_wait3A_224 = tpu.memref_squeeze %dma_wait3A_223 : memref<1x128xi32, #tpu.memory_space<vmem>> -> memref<128xi32, #tpu.memory_space<vmem>>
        %dma_wait3A_225 = arith.constant 0 : i32
        %dma_wait3A_226 = arith.constant 0 : i32
        %dma_wait3A_227 = tpu.memref_slice %arg11[%dma_wait3A_225, %dma_wait3A_226] : memref<10240x128xf32, #tpu.memory_space<vmem_shared>> -> memref<10240x128xf32, #tpu.memory_space<vmem_shared>>
        tpu.wait_indirect_dma semaphore(%run_scoped3A_215 : memref<!tpu.dma_semaphore, #tpu.memory_space<semaphore_mem>>) src(%arg10 : memref<128x128xf32, #tpu.memory_space<vmem>>) dst(%dma_wait3A_227 : memref<10240x128xf32, #tpu.memory_space<vmem_shared>>)
        tpu.yield
      }) : () -> ()
      %add3A_134 = arith.constant 3 : i32
      %add3A_135 = arith.addi %mul3A_74, %add3A_134 : i32
      %add3A_136 = arith.constant 2 : i32
      %add3A_137 = arith.addi %add3A_135, %add3A_136 : i32
      %lt3A_138 = arith.constant 80 : i32
      %lt3A_139 = arith.cmpi slt, %add3A_137, %lt3A_138 : i32
      %convert_element_type3A_140 = arith.extui %lt3A_139 : i1 to i32
      %cond3A_141 = arith.constant 0 : i32
      %cond3A_142 = arith.cmpi ne, %convert_element_type3A_140, %cond3A_141 : i32
      scf.if %cond3A_142 {
        %add3A_215 = arith.constant 3 : i32
        %add3A_216 = arith.addi %mul3A_74, %add3A_215 : i32
        %add3A_217 = arith.constant 2 : i32
        %add3A_218 = arith.addi %add3A_216, %add3A_217 : i32
        %dma_start3A_219 = arith.constant 0 : i32
        %dma_start3A_220 = tpu.memref_slice %arg7[%add3A_218, %dma_start3A_219] : memref<80x128xi32, #tpu.memory_space<vmem>> -> memref<1x128xi32, #tpu.memory_space<vmem>>
        %dma_start3A_221 = tpu.memref_squeeze %dma_start3A_220 : memref<1x128xi32, #tpu.memory_space<vmem>> -> memref<128xi32, #tpu.memory_space<vmem>>
        %dma_start3A_222 = arith.constant 0 : i32
        %dma_start3A_223 = arith.constant 0 : i32
        %dma_start3A_224 = tpu.memref_slice %arg2[%dma_start3A_222, %dma_start3A_223] : memref<20480x128xf32, #tpu.memory_space<hbm>> -> memref<20480x128xf32, #tpu.memory_space<hbm>>
        tpu.enqueue_indirect_dma source(%dma_start3A_224 : memref<20480x128xf32, #tpu.memory_space<hbm>>) target(%arg10 : memref<128x128xf32, #tpu.memory_space<vmem>>) offsets(%dma_start3A_221 : memref<128xi32, #tpu.memory_space<vmem>>) semaphore(%arg13 : memref<!tpu.dma_semaphore, #tpu.memory_space<semaphore_mem>>)
      } else {
      }
      %add3A_143 = arith.constant 4 : i32
      %add3A_144 = arith.addi %mul3A_74, %add3A_143 : i32
      %dma_wait3A_145 = arith.constant 0 : i32
      %dma_wait3A_146 = tpu.memref_slice %arg7[%add3A_144, %dma_wait3A_145] : memref<80x128xi32, #tpu.memory_space<vmem>> -> memref<1x128xi32, #tpu.memory_space<vmem>>
      %dma_wait3A_147 = tpu.memref_squeeze %dma_wait3A_146 : memref<1x128xi32, #tpu.memory_space<vmem>> -> memref<128xi32, #tpu.memory_space<vmem>>
      %dma_wait3A_148 = arith.constant 0 : i32
      %dma_wait3A_149 = arith.constant 0 : i32
      %dma_wait3A_150 = tpu.memref_slice %arg2[%dma_wait3A_148, %dma_wait3A_149] : memref<20480x128xf32, #tpu.memory_space<hbm>> -> memref<20480x128xf32, #tpu.memory_space<hbm>>
      tpu.wait_indirect_dma semaphore(%arg12 : memref<!tpu.dma_semaphore, #tpu.memory_space<semaphore_mem>>) src(%dma_wait3A_150 : memref<20480x128xf32, #tpu.memory_space<hbm>>) dst(%arg9 : memref<128x128xf32, #tpu.memory_space<vmem>>)
      %run_scoped3A_151 = arith.constant 4 : i32
      "tpu.region"() ({
        %run_scoped3A_215 = tpu.sem_alloc : memref<!tpu.dma_semaphore, #tpu.memory_space<semaphore_mem>>
        %dma_start3A_216 = arith.constant 0 : i32
        %dma_start3A_217 = tpu.memref_slice %arg8[%run_scoped3A_151, %dma_start3A_216] : memref<8x128xi32, #tpu.memory_space<vmem>> -> memref<1x128xi32, #tpu.memory_space<vmem>>
        %dma_start3A_218 = tpu.memref_squeeze %dma_start3A_217 : memref<1x128xi32, #tpu.memory_space<vmem>> -> memref<128xi32, #tpu.memory_space<vmem>>
        %dma_start3A_219 = arith.constant 0 : i32
        %dma_start3A_220 = arith.constant 0 : i32
        %dma_start3A_221 = tpu.memref_slice %arg11[%dma_start3A_219, %dma_start3A_220] : memref<10240x128xf32, #tpu.memory_space<vmem_shared>> -> memref<10240x128xf32, #tpu.memory_space<vmem_shared>>
        tpu.enqueue_indirect_dma source(%arg9 : memref<128x128xf32, #tpu.memory_space<vmem>>) target(%dma_start3A_221 : memref<10240x128xf32, #tpu.memory_space<vmem_shared>>) offsets(%dma_start3A_218 : memref<128xi32, #tpu.memory_space<vmem>>) semaphore(%run_scoped3A_215 : memref<!tpu.dma_semaphore, #tpu.memory_space<semaphore_mem>>) {add = true}
        %dma_wait3A_222 = arith.constant 0 : i32
        %dma_wait3A_223 = tpu.memref_slice %arg8[%run_scoped3A_151, %dma_wait3A_222] : memref<8x128xi32, #tpu.memory_space<vmem>> -> memref<1x128xi32, #tpu.memory_space<vmem>>
        %dma_wait3A_224 = tpu.memref_squeeze %dma_wait3A_223 : memref<1x128xi32, #tpu.memory_space<vmem>> -> memref<128xi32, #tpu.memory_space<vmem>>
        %dma_wait3A_225 = arith.constant 0 : i32
        %dma_wait3A_226 = arith.constant 0 : i32
        %dma_wait3A_227 = tpu.memref_slice %arg11[%dma_wait3A_225, %dma_wait3A_226] : memref<10240x128xf32, #tpu.memory_space<vmem_shared>> -> memref<10240x128xf32, #tpu.memory_space<vmem_shared>>
        tpu.wait_indirect_dma semaphore(%run_scoped3A_215 : memref<!tpu.dma_semaphore, #tpu.memory_space<semaphore_mem>>) src(%arg9 : memref<128x128xf32, #tpu.memory_space<vmem>>) dst(%dma_wait3A_227 : memref<10240x128xf32, #tpu.memory_space<vmem_shared>>)
        tpu.yield
      }) : () -> ()
      %add3A_152 = arith.constant 4 : i32
      %add3A_153 = arith.addi %mul3A_74, %add3A_152 : i32
      %add3A_154 = arith.constant 2 : i32
      %add3A_155 = arith.addi %add3A_153, %add3A_154 : i32
      %lt3A_156 = arith.constant 80 : i32
      %lt3A_157 = arith.cmpi slt, %add3A_155, %lt3A_156 : i32
      %convert_element_type3A_158 = arith.extui %lt3A_157 : i1 to i32
      %cond3A_159 = arith.constant 0 : i32
      %cond3A_160 = arith.cmpi ne, %convert_element_type3A_158, %cond3A_159 : i32
      scf.if %cond3A_160 {
        %add3A_215 = arith.constant 4 : i32
        %add3A_216 = arith.addi %mul3A_74, %add3A_215 : i32
        %add3A_217 = arith.constant 2 : i32
        %add3A_218 = arith.addi %add3A_216, %add3A_217 : i32
        %dma_start3A_219 = arith.constant 0 : i32
        %dma_start3A_220 = tpu.memref_slice %arg7[%add3A_218, %dma_start3A_219] : memref<80x128xi32, #tpu.memory_space<vmem>> -> memref<1x128xi32, #tpu.memory_space<vmem>>
        %dma_start3A_221 = tpu.memref_squeeze %dma_start3A_220 : memref<1x128xi32, #tpu.memory_space<vmem>> -> memref<128xi32, #tpu.memory_space<vmem>>
        %dma_start3A_222 = arith.constant 0 : i32
        %dma_start3A_223 = arith.constant 0 : i32
        %dma_start3A_224 = tpu.memref_slice %arg2[%dma_start3A_222, %dma_start3A_223] : memref<20480x128xf32, #tpu.memory_space<hbm>> -> memref<20480x128xf32, #tpu.memory_space<hbm>>
        tpu.enqueue_indirect_dma source(%dma_start3A_224 : memref<20480x128xf32, #tpu.memory_space<hbm>>) target(%arg9 : memref<128x128xf32, #tpu.memory_space<vmem>>) offsets(%dma_start3A_221 : memref<128xi32, #tpu.memory_space<vmem>>) semaphore(%arg12 : memref<!tpu.dma_semaphore, #tpu.memory_space<semaphore_mem>>)
      } else {
      }
      %add3A_161 = arith.constant 5 : i32
      %add3A_162 = arith.addi %mul3A_74, %add3A_161 : i32
      %dma_wait3A_163 = arith.constant 0 : i32
      %dma_wait3A_164 = tpu.memref_slice %arg7[%add3A_162, %dma_wait3A_163] : memref<80x128xi32, #tpu.memory_space<vmem>> -> memref<1x128xi32, #tpu.memory_space<vmem>>
      %dma_wait3A_165 = tpu.memref_squeeze %dma_wait3A_164 : memref<1x128xi32, #tpu.memory_space<vmem>> -> memref<128xi32, #tpu.memory_space<vmem>>
      %dma_wait3A_166 = arith.constant 0 : i32
      %dma_wait3A_167 = arith.constant 0 : i32
      %dma_wait3A_168 = tpu.memref_slice %arg2[%dma_wait3A_166, %dma_wait3A_167] : memref<20480x128xf32, #tpu.memory_space<hbm>> -> memref<20480x128xf32, #tpu.memory_space<hbm>>
      tpu.wait_indirect_dma semaphore(%arg13 : memref<!tpu.dma_semaphore, #tpu.memory_space<semaphore_mem>>) src(%dma_wait3A_168 : memref<20480x128xf32, #tpu.memory_space<hbm>>) dst(%arg10 : memref<128x128xf32, #tpu.memory_space<vmem>>)
      %run_scoped3A_169 = arith.constant 5 : i32
      "tpu.region"() ({
        %run_scoped3A_215 = tpu.sem_alloc : memref<!tpu.dma_semaphore, #tpu.memory_space<semaphore_mem>>
        %dma_start3A_216 = arith.constant 0 : i32
        %dma_start3A_217 = tpu.memref_slice %arg8[%run_scoped3A_169, %dma_start3A_216] : memref<8x128xi32, #tpu.memory_space<vmem>> -> memref<1x128xi32, #tpu.memory_space<vmem>>
        %dma_start3A_218 = tpu.memref_squeeze %dma_start3A_217 : memref<1x128xi32, #tpu.memory_space<vmem>> -> memref<128xi32, #tpu.memory_space<vmem>>
        %dma_start3A_219 = arith.constant 0 : i32
        %dma_start3A_220 = arith.constant 0 : i32
        %dma_start3A_221 = tpu.memref_slice %arg11[%dma_start3A_219, %dma_start3A_220] : memref<10240x128xf32, #tpu.memory_space<vmem_shared>> -> memref<10240x128xf32, #tpu.memory_space<vmem_shared>>
        tpu.enqueue_indirect_dma source(%arg10 : memref<128x128xf32, #tpu.memory_space<vmem>>) target(%dma_start3A_221 : memref<10240x128xf32, #tpu.memory_space<vmem_shared>>) offsets(%dma_start3A_218 : memref<128xi32, #tpu.memory_space<vmem>>) semaphore(%run_scoped3A_215 : memref<!tpu.dma_semaphore, #tpu.memory_space<semaphore_mem>>) {add = true}
        %dma_wait3A_222 = arith.constant 0 : i32
        %dma_wait3A_223 = tpu.memref_slice %arg8[%run_scoped3A_169, %dma_wait3A_222] : memref<8x128xi32, #tpu.memory_space<vmem>> -> memref<1x128xi32, #tpu.memory_space<vmem>>
        %dma_wait3A_224 = tpu.memref_squeeze %dma_wait3A_223 : memref<1x128xi32, #tpu.memory_space<vmem>> -> memref<128xi32, #tpu.memory_space<vmem>>
        %dma_wait3A_225 = arith.constant 0 : i32
        %dma_wait3A_226 = arith.constant 0 : i32
        %dma_wait3A_227 = tpu.memref_slice %arg11[%dma_wait3A_225, %dma_wait3A_226] : memref<10240x128xf32, #tpu.memory_space<vmem_shared>> -> memref<10240x128xf32, #tpu.memory_space<vmem_shared>>
        tpu.wait_indirect_dma semaphore(%run_scoped3A_215 : memref<!tpu.dma_semaphore, #tpu.memory_space<semaphore_mem>>) src(%arg10 : memref<128x128xf32, #tpu.memory_space<vmem>>) dst(%dma_wait3A_227 : memref<10240x128xf32, #tpu.memory_space<vmem_shared>>)
        tpu.yield
      }) : () -> ()
      %add3A_170 = arith.constant 5 : i32
      %add3A_171 = arith.addi %mul3A_74, %add3A_170 : i32
      %add3A_172 = arith.constant 2 : i32
      %add3A_173 = arith.addi %add3A_171, %add3A_172 : i32
      %lt3A_174 = arith.constant 80 : i32
      %lt3A_175 = arith.cmpi slt, %add3A_173, %lt3A_174 : i32
      %convert_element_type3A_176 = arith.extui %lt3A_175 : i1 to i32
      %cond3A_177 = arith.constant 0 : i32
      %cond3A_178 = arith.cmpi ne, %convert_element_type3A_176, %cond3A_177 : i32
      scf.if %cond3A_178 {
        %add3A_215 = arith.constant 5 : i32
        %add3A_216 = arith.addi %mul3A_74, %add3A_215 : i32
        %add3A_217 = arith.constant 2 : i32
        %add3A_218 = arith.addi %add3A_216, %add3A_217 : i32
        %dma_start3A_219 = arith.constant 0 : i32
        %dma_start3A_220 = tpu.memref_slice %arg7[%add3A_218, %dma_start3A_219] : memref<80x128xi32, #tpu.memory_space<vmem>> -> memref<1x128xi32, #tpu.memory_space<vmem>>
        %dma_start3A_221 = tpu.memref_squeeze %dma_start3A_220 : memref<1x128xi32, #tpu.memory_space<vmem>> -> memref<128xi32, #tpu.memory_space<vmem>>
        %dma_start3A_222 = arith.constant 0 : i32
        %dma_start3A_223 = arith.constant 0 : i32
        %dma_start3A_224 = tpu.memref_slice %arg2[%dma_start3A_222, %dma_start3A_223] : memref<20480x128xf32, #tpu.memory_space<hbm>> -> memref<20480x128xf32, #tpu.memory_space<hbm>>
        tpu.enqueue_indirect_dma source(%dma_start3A_224 : memref<20480x128xf32, #tpu.memory_space<hbm>>) target(%arg10 : memref<128x128xf32, #tpu.memory_space<vmem>>) offsets(%dma_start3A_221 : memref<128xi32, #tpu.memory_space<vmem>>) semaphore(%arg13 : memref<!tpu.dma_semaphore, #tpu.memory_space<semaphore_mem>>)
      } else {
      }
      %add3A_179 = arith.constant 6 : i32
      %add3A_180 = arith.addi %mul3A_74, %add3A_179 : i32
      %dma_wait3A_181 = arith.constant 0 : i32
      %dma_wait3A_182 = tpu.memref_slice %arg7[%add3A_180, %dma_wait3A_181] : memref<80x128xi32, #tpu.memory_space<vmem>> -> memref<1x128xi32, #tpu.memory_space<vmem>>
      %dma_wait3A_183 = tpu.memref_squeeze %dma_wait3A_182 : memref<1x128xi32, #tpu.memory_space<vmem>> -> memref<128xi32, #tpu.memory_space<vmem>>
      %dma_wait3A_184 = arith.constant 0 : i32
      %dma_wait3A_185 = arith.constant 0 : i32
      %dma_wait3A_186 = tpu.memref_slice %arg2[%dma_wait3A_184, %dma_wait3A_185] : memref<20480x128xf32, #tpu.memory_space<hbm>> -> memref<20480x128xf32, #tpu.memory_space<hbm>>
      tpu.wait_indirect_dma semaphore(%arg12 : memref<!tpu.dma_semaphore, #tpu.memory_space<semaphore_mem>>) src(%dma_wait3A_186 : memref<20480x128xf32, #tpu.memory_space<hbm>>) dst(%arg9 : memref<128x128xf32, #tpu.memory_space<vmem>>)
      %run_scoped3A_187 = arith.constant 6 : i32
      "tpu.region"() ({
        %run_scoped3A_215 = tpu.sem_alloc : memref<!tpu.dma_semaphore, #tpu.memory_space<semaphore_mem>>
        %dma_start3A_216 = arith.constant 0 : i32
        %dma_start3A_217 = tpu.memref_slice %arg8[%run_scoped3A_187, %dma_start3A_216] : memref<8x128xi32, #tpu.memory_space<vmem>> -> memref<1x128xi32, #tpu.memory_space<vmem>>
        %dma_start3A_218 = tpu.memref_squeeze %dma_start3A_217 : memref<1x128xi32, #tpu.memory_space<vmem>> -> memref<128xi32, #tpu.memory_space<vmem>>
        %dma_start3A_219 = arith.constant 0 : i32
        %dma_start3A_220 = arith.constant 0 : i32
        %dma_start3A_221 = tpu.memref_slice %arg11[%dma_start3A_219, %dma_start3A_220] : memref<10240x128xf32, #tpu.memory_space<vmem_shared>> -> memref<10240x128xf32, #tpu.memory_space<vmem_shared>>
        tpu.enqueue_indirect_dma source(%arg9 : memref<128x128xf32, #tpu.memory_space<vmem>>) target(%dma_start3A_221 : memref<10240x128xf32, #tpu.memory_space<vmem_shared>>) offsets(%dma_start3A_218 : memref<128xi32, #tpu.memory_space<vmem>>) semaphore(%run_scoped3A_215 : memref<!tpu.dma_semaphore, #tpu.memory_space<semaphore_mem>>) {add = true}
        %dma_wait3A_222 = arith.constant 0 : i32
        %dma_wait3A_223 = tpu.memref_slice %arg8[%run_scoped3A_187, %dma_wait3A_222] : memref<8x128xi32, #tpu.memory_space<vmem>> -> memref<1x128xi32, #tpu.memory_space<vmem>>
        %dma_wait3A_224 = tpu.memref_squeeze %dma_wait3A_223 : memref<1x128xi32, #tpu.memory_space<vmem>> -> memref<128xi32, #tpu.memory_space<vmem>>
        %dma_wait3A_225 = arith.constant 0 : i32
        %dma_wait3A_226 = arith.constant 0 : i32
        %dma_wait3A_227 = tpu.memref_slice %arg11[%dma_wait3A_225, %dma_wait3A_226] : memref<10240x128xf32, #tpu.memory_space<vmem_shared>> -> memref<10240x128xf32, #tpu.memory_space<vmem_shared>>
        tpu.wait_indirect_dma semaphore(%run_scoped3A_215 : memref<!tpu.dma_semaphore, #tpu.memory_space<semaphore_mem>>) src(%arg9 : memref<128x128xf32, #tpu.memory_space<vmem>>) dst(%dma_wait3A_227 : memref<10240x128xf32, #tpu.memory_space<vmem_shared>>)
        tpu.yield
      }) : () -> ()
      %add3A_188 = arith.constant 6 : i32
      %add3A_189 = arith.addi %mul3A_74, %add3A_188 : i32
      %add3A_190 = arith.constant 2 : i32
      %add3A_191 = arith.addi %add3A_189, %add3A_190 : i32
      %lt3A_192 = arith.constant 80 : i32
      %lt3A_193 = arith.cmpi slt, %add3A_191, %lt3A_192 : i32
      %convert_element_type3A_194 = arith.extui %lt3A_193 : i1 to i32
      %cond3A_195 = arith.constant 0 : i32
      %cond3A_196 = arith.cmpi ne, %convert_element_type3A_194, %cond3A_195 : i32
      scf.if %cond3A_196 {
        %add3A_215 = arith.constant 6 : i32
        %add3A_216 = arith.addi %mul3A_74, %add3A_215 : i32
        %add3A_217 = arith.constant 2 : i32
        %add3A_218 = arith.addi %add3A_216, %add3A_217 : i32
        %dma_start3A_219 = arith.constant 0 : i32
        %dma_start3A_220 = tpu.memref_slice %arg7[%add3A_218, %dma_start3A_219] : memref<80x128xi32, #tpu.memory_space<vmem>> -> memref<1x128xi32, #tpu.memory_space<vmem>>
        %dma_start3A_221 = tpu.memref_squeeze %dma_start3A_220 : memref<1x128xi32, #tpu.memory_space<vmem>> -> memref<128xi32, #tpu.memory_space<vmem>>
        %dma_start3A_222 = arith.constant 0 : i32
        %dma_start3A_223 = arith.constant 0 : i32
        %dma_start3A_224 = tpu.memref_slice %arg2[%dma_start3A_222, %dma_start3A_223] : memref<20480x128xf32, #tpu.memory_space<hbm>> -> memref<20480x128xf32, #tpu.memory_space<hbm>>
        tpu.enqueue_indirect_dma source(%dma_start3A_224 : memref<20480x128xf32, #tpu.memory_space<hbm>>) target(%arg9 : memref<128x128xf32, #tpu.memory_space<vmem>>) offsets(%dma_start3A_221 : memref<128xi32, #tpu.memory_space<vmem>>) semaphore(%arg12 : memref<!tpu.dma_semaphore, #tpu.memory_space<semaphore_mem>>)
      } else {
      }
      %add3A_197 = arith.constant 7 : i32
      %add3A_198 = arith.addi %mul3A_74, %add3A_197 : i32
      %dma_wait3A_199 = arith.constant 0 : i32
      %dma_wait3A_200 = tpu.memref_slice %arg7[%add3A_198, %dma_wait3A_199] : memref<80x128xi32, #tpu.memory_space<vmem>> -> memref<1x128xi32, #tpu.memory_space<vmem>>
      %dma_wait3A_201 = tpu.memref_squeeze %dma_wait3A_200 : memref<1x128xi32, #tpu.memory_space<vmem>> -> memref<128xi32, #tpu.memory_space<vmem>>
      %dma_wait3A_202 = arith.constant 0 : i32
      %dma_wait3A_203 = arith.constant 0 : i32
      %dma_wait3A_204 = tpu.memref_slice %arg2[%dma_wait3A_202, %dma_wait3A_203] : memref<20480x128xf32, #tpu.memory_space<hbm>> -> memref<20480x128xf32, #tpu.memory_space<hbm>>
      tpu.wait_indirect_dma semaphore(%arg13 : memref<!tpu.dma_semaphore, #tpu.memory_space<semaphore_mem>>) src(%dma_wait3A_204 : memref<20480x128xf32, #tpu.memory_space<hbm>>) dst(%arg10 : memref<128x128xf32, #tpu.memory_space<vmem>>)
      %run_scoped3A_205 = arith.constant 7 : i32
      "tpu.region"() ({
        %run_scoped3A_215 = tpu.sem_alloc : memref<!tpu.dma_semaphore, #tpu.memory_space<semaphore_mem>>
        %dma_start3A_216 = arith.constant 0 : i32
        %dma_start3A_217 = tpu.memref_slice %arg8[%run_scoped3A_205, %dma_start3A_216] : memref<8x128xi32, #tpu.memory_space<vmem>> -> memref<1x128xi32, #tpu.memory_space<vmem>>
        %dma_start3A_218 = tpu.memref_squeeze %dma_start3A_217 : memref<1x128xi32, #tpu.memory_space<vmem>> -> memref<128xi32, #tpu.memory_space<vmem>>
        %dma_start3A_219 = arith.constant 0 : i32
        %dma_start3A_220 = arith.constant 0 : i32
        %dma_start3A_221 = tpu.memref_slice %arg11[%dma_start3A_219, %dma_start3A_220] : memref<10240x128xf32, #tpu.memory_space<vmem_shared>> -> memref<10240x128xf32, #tpu.memory_space<vmem_shared>>
        tpu.enqueue_indirect_dma source(%arg10 : memref<128x128xf32, #tpu.memory_space<vmem>>) target(%dma_start3A_221 : memref<10240x128xf32, #tpu.memory_space<vmem_shared>>) offsets(%dma_start3A_218 : memref<128xi32, #tpu.memory_space<vmem>>) semaphore(%run_scoped3A_215 : memref<!tpu.dma_semaphore, #tpu.memory_space<semaphore_mem>>) {add = true}
        %dma_wait3A_222 = arith.constant 0 : i32
        %dma_wait3A_223 = tpu.memref_slice %arg8[%run_scoped3A_205, %dma_wait3A_222] : memref<8x128xi32, #tpu.memory_space<vmem>> -> memref<1x128xi32, #tpu.memory_space<vmem>>
        %dma_wait3A_224 = tpu.memref_squeeze %dma_wait3A_223 : memref<1x128xi32, #tpu.memory_space<vmem>> -> memref<128xi32, #tpu.memory_space<vmem>>
        %dma_wait3A_225 = arith.constant 0 : i32
        %dma_wait3A_226 = arith.constant 0 : i32
        %dma_wait3A_227 = tpu.memref_slice %arg11[%dma_wait3A_225, %dma_wait3A_226] : memref<10240x128xf32, #tpu.memory_space<vmem_shared>> -> memref<10240x128xf32, #tpu.memory_space<vmem_shared>>
        tpu.wait_indirect_dma semaphore(%run_scoped3A_215 : memref<!tpu.dma_semaphore, #tpu.memory_space<semaphore_mem>>) src(%arg10 : memref<128x128xf32, #tpu.memory_space<vmem>>) dst(%dma_wait3A_227 : memref<10240x128xf32, #tpu.memory_space<vmem_shared>>)
        tpu.yield
      }) : () -> ()
      %add3A_206 = arith.constant 7 : i32
      %add3A_207 = arith.addi %mul3A_74, %add3A_206 : i32
      %add3A_208 = arith.constant 2 : i32
      %add3A_209 = arith.addi %add3A_207, %add3A_208 : i32
      %lt3A_210 = arith.constant 80 : i32
      %lt3A_211 = arith.cmpi slt, %add3A_209, %lt3A_210 : i32
      %convert_element_type3A_212 = arith.extui %lt3A_211 : i1 to i32
      %cond3A_213 = arith.constant 0 : i32
      %cond3A_214 = arith.cmpi ne, %convert_element_type3A_212, %cond3A_213 : i32
      scf.if %cond3A_214 {
        %add3A_215 = arith.constant 7 : i32
        %add3A_216 = arith.addi %mul3A_74, %add3A_215 : i32
        %add3A_217 = arith.constant 2 : i32
        %add3A_218 = arith.addi %add3A_216, %add3A_217 : i32
        %dma_start3A_219 = arith.constant 0 : i32
        %dma_start3A_220 = tpu.memref_slice %arg7[%add3A_218, %dma_start3A_219] : memref<80x128xi32, #tpu.memory_space<vmem>> -> memref<1x128xi32, #tpu.memory_space<vmem>>
        %dma_start3A_221 = tpu.memref_squeeze %dma_start3A_220 : memref<1x128xi32, #tpu.memory_space<vmem>> -> memref<128xi32, #tpu.memory_space<vmem>>
        %dma_start3A_222 = arith.constant 0 : i32
        %dma_start3A_223 = arith.constant 0 : i32
        %dma_start3A_224 = tpu.memref_slice %arg2[%dma_start3A_222, %dma_start3A_223] : memref<20480x128xf32, #tpu.memory_space<hbm>> -> memref<20480x128xf32, #tpu.memory_space<hbm>>
        tpu.enqueue_indirect_dma source(%dma_start3A_224 : memref<20480x128xf32, #tpu.memory_space<hbm>>) target(%arg10 : memref<128x128xf32, #tpu.memory_space<vmem>>) offsets(%dma_start3A_221 : memref<128xi32, #tpu.memory_space<vmem>>) semaphore(%arg13 : memref<!tpu.dma_semaphore, #tpu.memory_space<semaphore_mem>>)
      } else {
      }
    }
    %scan3A_31 = arith.constant 10 : i32
    %barrier3A_32 = arith.constant 0 : index
    tpu.barrier barrier_id(%barrier3A_32)
    %add3A_33 = arith.constant 0 : i32
    %add3A_34 = arith.addi %mul3A_0, %add3A_33 : i32
    "tpu.region"() ({
      %run_scoped3A = tpu.sem_alloc : memref<!tpu.dma_semaphore, #tpu.memory_space<semaphore_mem>>
      %dma_start3A_68 = arith.constant 0 : i32
      %dma_start3A_69 = tpu.memref_slice %arg11[%add3A_34, %dma_start3A_68] : memref<10240x128xf32, #tpu.memory_space<vmem_shared>> -> memref<128x128xf32, #tpu.memory_space<vmem_shared>>
      %dma_start3A_70 = arith.constant 0 : i32
      %dma_start3A_71 = tpu.memref_slice %arg11[%add3A_34, %dma_start3A_70] : memref<10240x128xf32, #tpu.memory_space<vmem_shared>> -> memref<128x128xf32, #tpu.memory_space<vmem_shared>>
      tpu.enqueue_dma source(%dma_start3A_71 : memref<128x128xf32, #tpu.memory_space<vmem_shared>>) target(%arg9 : memref<128x128xf32, #tpu.memory_space<vmem>>) target_semaphore(%run_scoped3A : memref<!tpu.dma_semaphore, #tpu.memory_space<semaphore_mem>>)
      %dma_wait3A = arith.constant 0 : i32
      %dma_wait3A_72 = tpu.memref_slice %arg11[%add3A_34, %dma_wait3A] : memref<10240x128xf32, #tpu.memory_space<vmem_shared>> -> memref<128x128xf32, #tpu.memory_space<vmem_shared>>
      %dma_wait3A_73 = arith.constant 0 : i32
      %dma_wait3A_74 = tpu.memref_slice %arg11[%add3A_34, %dma_wait3A_73] : memref<10240x128xf32, #tpu.memory_space<vmem_shared>> -> memref<128x128xf32, #tpu.memory_space<vmem_shared>>
      tpu.wait_dma2 semaphore(%run_scoped3A : memref<!tpu.dma_semaphore, #tpu.memory_space<semaphore_mem>>) src(%dma_wait3A_74 : memref<128x128xf32, #tpu.memory_space<vmem_shared>>) dst(%arg9 : memref<128x128xf32, #tpu.memory_space<vmem>>)
      tpu.yield
    }) : () -> ()
    %mul3A_35 = arith.constant 10240 : i32
    %mul3A_36 = arith.muli %arg0, %mul3A_35 : i32
    %add3A_37 = arith.addi %mul3A_36, %mul3A_0 : i32
    %add3A_38 = arith.constant 0 : i32
    %add3A_39 = arith.addi %add3A_37, %add3A_38 : i32
    "tpu.region"() ({
      %run_scoped3A = tpu.sem_alloc : memref<!tpu.dma_semaphore, #tpu.memory_space<semaphore_mem>>
      %dma_start3A_68 = arith.constant 0 : i32
      %dma_start3A_69 = tpu.memref_slice %arg6[%add3A_39, %dma_start3A_68] : memref<20480x128xf32, #tpu.memory_space<hbm>> -> memref<128x128xf32, #tpu.memory_space<hbm>>
      %dma_start3A_70 = arith.constant 0 : i32
      %dma_start3A_71 = tpu.memref_slice %arg6[%add3A_39, %dma_start3A_70] : memref<20480x128xf32, #tpu.memory_space<hbm>> -> memref<128x128xf32, #tpu.memory_space<hbm>>
      tpu.enqueue_dma source(%arg9 : memref<128x128xf32, #tpu.memory_space<vmem>>) target(%dma_start3A_71 : memref<128x128xf32, #tpu.memory_space<hbm>>) target_semaphore(%run_scoped3A : memref<!tpu.dma_semaphore, #tpu.memory_space<semaphore_mem>>)
      %dma_wait3A = arith.constant 0 : i32
      %dma_wait3A_72 = tpu.memref_slice %arg6[%add3A_39, %dma_wait3A] : memref<20480x128xf32, #tpu.memory_space<hbm>> -> memref<128x128xf32, #tpu.memory_space<hbm>>
      %dma_wait3A_73 = arith.constant 0 : i32
      %dma_wait3A_74 = tpu.memref_slice %arg6[%add3A_39, %dma_wait3A_73] : memref<20480x128xf32, #tpu.memory_space<hbm>> -> memref<128x128xf32, #tpu.memory_space<hbm>>
      tpu.wait_dma2 semaphore(%run_scoped3A : memref<!tpu.dma_semaphore, #tpu.memory_space<semaphore_mem>>) src(%arg9 : memref<128x128xf32, #tpu.memory_space<vmem>>) dst(%dma_wait3A_74 : memref<128x128xf32, #tpu.memory_space<hbm>>)
      tpu.yield
    }) : () -> ()
    %add3A_40 = arith.constant 128 : i32
    %add3A_41 = arith.addi %mul3A_0, %add3A_40 : i32
    "tpu.region"() ({
      %run_scoped3A = tpu.sem_alloc : memref<!tpu.dma_semaphore, #tpu.memory_space<semaphore_mem>>
      %dma_start3A_68 = arith.constant 0 : i32
      %dma_start3A_69 = tpu.memref_slice %arg11[%add3A_41, %dma_start3A_68] : memref<10240x128xf32, #tpu.memory_space<vmem_shared>> -> memref<128x128xf32, #tpu.memory_space<vmem_shared>>
      %dma_start3A_70 = arith.constant 0 : i32
      %dma_start3A_71 = tpu.memref_slice %arg11[%add3A_41, %dma_start3A_70] : memref<10240x128xf32, #tpu.memory_space<vmem_shared>> -> memref<128x128xf32, #tpu.memory_space<vmem_shared>>
      tpu.enqueue_dma source(%dma_start3A_71 : memref<128x128xf32, #tpu.memory_space<vmem_shared>>) target(%arg9 : memref<128x128xf32, #tpu.memory_space<vmem>>) target_semaphore(%run_scoped3A : memref<!tpu.dma_semaphore, #tpu.memory_space<semaphore_mem>>)
      %dma_wait3A = arith.constant 0 : i32
      %dma_wait3A_72 = tpu.memref_slice %arg11[%add3A_41, %dma_wait3A] : memref<10240x128xf32, #tpu.memory_space<vmem_shared>> -> memref<128x128xf32, #tpu.memory_space<vmem_shared>>
      %dma_wait3A_73 = arith.constant 0 : i32
      %dma_wait3A_74 = tpu.memref_slice %arg11[%add3A_41, %dma_wait3A_73] : memref<10240x128xf32, #tpu.memory_space<vmem_shared>> -> memref<128x128xf32, #tpu.memory_space<vmem_shared>>
      tpu.wait_dma2 semaphore(%run_scoped3A : memref<!tpu.dma_semaphore, #tpu.memory_space<semaphore_mem>>) src(%dma_wait3A_74 : memref<128x128xf32, #tpu.memory_space<vmem_shared>>) dst(%arg9 : memref<128x128xf32, #tpu.memory_space<vmem>>)
      tpu.yield
    }) : () -> ()
    %mul3A_42 = arith.constant 10240 : i32
    %mul3A_43 = arith.muli %arg0, %mul3A_42 : i32
    %add3A_44 = arith.addi %mul3A_43, %mul3A_0 : i32
    %add3A_45 = arith.constant 128 : i32
    %add3A_46 = arith.addi %add3A_44, %add3A_45 : i32
    "tpu.region"() ({
      %run_scoped3A = tpu.sem_alloc : memref<!tpu.dma_semaphore, #tpu.memory_space<semaphore_mem>>
      %dma_start3A_68 = arith.constant 0 : i32
      %dma_start3A_69 = tpu.memref_slice %arg6[%add3A_46, %dma_start3A_68] : memref<20480x128xf32, #tpu.memory_space<hbm>> -> memref<128x128xf32, #tpu.memory_space<hbm>>
      %dma_start3A_70 = arith.constant 0 : i32
      %dma_start3A_71 = tpu.memref_slice %arg6[%add3A_46, %dma_start3A_70] : memref<20480x128xf32, #tpu.memory_space<hbm>> -> memref<128x128xf32, #tpu.memory_space<hbm>>
      tpu.enqueue_dma source(%arg9 : memref<128x128xf32, #tpu.memory_space<vmem>>) target(%dma_start3A_71 : memref<128x128xf32, #tpu.memory_space<hbm>>) target_semaphore(%run_scoped3A : memref<!tpu.dma_semaphore, #tpu.memory_space<semaphore_mem>>)
      %dma_wait3A = arith.constant 0 : i32
      %dma_wait3A_72 = tpu.memref_slice %arg6[%add3A_46, %dma_wait3A] : memref<20480x128xf32, #tpu.memory_space<hbm>> -> memref<128x128xf32, #tpu.memory_space<hbm>>
      %dma_wait3A_73 = arith.constant 0 : i32
      %dma_wait3A_74 = tpu.memref_slice %arg6[%add3A_46, %dma_wait3A_73] : memref<20480x128xf32, #tpu.memory_space<hbm>> -> memref<128x128xf32, #tpu.memory_space<hbm>>
      tpu.wait_dma2 semaphore(%run_scoped3A : memref<!tpu.dma_semaphore, #tpu.memory_space<semaphore_mem>>) src(%arg9 : memref<128x128xf32, #tpu.memory_space<vmem>>) dst(%dma_wait3A_74 : memref<128x128xf32, #tpu.memory_space<hbm>>)
      tpu.yield
    }) : () -> ()
    %add3A_47 = arith.constant 256 : i32
    %add3A_48 = arith.addi %mul3A_0, %add3A_47 : i32
    "tpu.region"() ({
      %run_scoped3A = tpu.sem_alloc : memref<!tpu.dma_semaphore, #tpu.memory_space<semaphore_mem>>
      %dma_start3A_68 = arith.constant 0 : i32
      %dma_start3A_69 = tpu.memref_slice %arg11[%add3A_48, %dma_start3A_68] : memref<10240x128xf32, #tpu.memory_space<vmem_shared>> -> memref<128x128xf32, #tpu.memory_space<vmem_shared>>
      %dma_start3A_70 = arith.constant 0 : i32
      %dma_start3A_71 = tpu.memref_slice %arg11[%add3A_48, %dma_start3A_70] : memref<10240x128xf32, #tpu.memory_space<vmem_shared>> -> memref<128x128xf32, #tpu.memory_space<vmem_shared>>
      tpu.enqueue_dma source(%dma_start3A_71 : memref<128x128xf32, #tpu.memory_space<vmem_shared>>) target(%arg9 : memref<128x128xf32, #tpu.memory_space<vmem>>) target_semaphore(%run_scoped3A : memref<!tpu.dma_semaphore, #tpu.memory_space<semaphore_mem>>)
      %dma_wait3A = arith.constant 0 : i32
      %dma_wait3A_72 = tpu.memref_slice %arg11[%add3A_48, %dma_wait3A] : memref<10240x128xf32, #tpu.memory_space<vmem_shared>> -> memref<128x128xf32, #tpu.memory_space<vmem_shared>>
      %dma_wait3A_73 = arith.constant 0 : i32
      %dma_wait3A_74 = tpu.memref_slice %arg11[%add3A_48, %dma_wait3A_73] : memref<10240x128xf32, #tpu.memory_space<vmem_shared>> -> memref<128x128xf32, #tpu.memory_space<vmem_shared>>
      tpu.wait_dma2 semaphore(%run_scoped3A : memref<!tpu.dma_semaphore, #tpu.memory_space<semaphore_mem>>) src(%dma_wait3A_74 : memref<128x128xf32, #tpu.memory_space<vmem_shared>>) dst(%arg9 : memref<128x128xf32, #tpu.memory_space<vmem>>)
      tpu.yield
    }) : () -> ()
    %mul3A_49 = arith.constant 10240 : i32
    %mul3A_50 = arith.muli %arg0, %mul3A_49 : i32
    %add3A_51 = arith.addi %mul3A_50, %mul3A_0 : i32
    %add3A_52 = arith.constant 256 : i32
    %add3A_53 = arith.addi %add3A_51, %add3A_52 : i32
    "tpu.region"() ({
      %run_scoped3A = tpu.sem_alloc : memref<!tpu.dma_semaphore, #tpu.memory_space<semaphore_mem>>
      %dma_start3A_68 = arith.constant 0 : i32
      %dma_start3A_69 = tpu.memref_slice %arg6[%add3A_53, %dma_start3A_68] : memref<20480x128xf32, #tpu.memory_space<hbm>> -> memref<128x128xf32, #tpu.memory_space<hbm>>
      %dma_start3A_70 = arith.constant 0 : i32
      %dma_start3A_71 = tpu.memref_slice %arg6[%add3A_53, %dma_start3A_70] : memref<20480x128xf32, #tpu.memory_space<hbm>> -> memref<128x128xf32, #tpu.memory_space<hbm>>
      tpu.enqueue_dma source(%arg9 : memref<128x128xf32, #tpu.memory_space<vmem>>) target(%dma_start3A_71 : memref<128x128xf32, #tpu.memory_space<hbm>>) target_semaphore(%run_scoped3A : memref<!tpu.dma_semaphore, #tpu.memory_space<semaphore_mem>>)
      %dma_wait3A = arith.constant 0 : i32
      %dma_wait3A_72 = tpu.memref_slice %arg6[%add3A_53, %dma_wait3A] : memref<20480x128xf32, #tpu.memory_space<hbm>> -> memref<128x128xf32, #tpu.memory_space<hbm>>
      %dma_wait3A_73 = arith.constant 0 : i32
      %dma_wait3A_74 = tpu.memref_slice %arg6[%add3A_53, %dma_wait3A_73] : memref<20480x128xf32, #tpu.memory_space<hbm>> -> memref<128x128xf32, #tpu.memory_space<hbm>>
      tpu.wait_dma2 semaphore(%run_scoped3A : memref<!tpu.dma_semaphore, #tpu.memory_space<semaphore_mem>>) src(%arg9 : memref<128x128xf32, #tpu.memory_space<vmem>>) dst(%dma_wait3A_74 : memref<128x128xf32, #tpu.memory_space<hbm>>)
      tpu.yield
    }) : () -> ()
    %add3A_54 = arith.constant 384 : i32
    %add3A_55 = arith.addi %mul3A_0, %add3A_54 : i32
    "tpu.region"() ({
      %run_scoped3A = tpu.sem_alloc : memref<!tpu.dma_semaphore, #tpu.memory_space<semaphore_mem>>
      %dma_start3A_68 = arith.constant 0 : i32
      %dma_start3A_69 = tpu.memref_slice %arg11[%add3A_55, %dma_start3A_68] : memref<10240x128xf32, #tpu.memory_space<vmem_shared>> -> memref<128x128xf32, #tpu.memory_space<vmem_shared>>
      %dma_start3A_70 = arith.constant 0 : i32
      %dma_start3A_71 = tpu.memref_slice %arg11[%add3A_55, %dma_start3A_70] : memref<10240x128xf32, #tpu.memory_space<vmem_shared>> -> memref<128x128xf32, #tpu.memory_space<vmem_shared>>
      tpu.enqueue_dma source(%dma_start3A_71 : memref<128x128xf32, #tpu.memory_space<vmem_shared>>) target(%arg9 : memref<128x128xf32, #tpu.memory_space<vmem>>) target_semaphore(%run_scoped3A : memref<!tpu.dma_semaphore, #tpu.memory_space<semaphore_mem>>)
      %dma_wait3A = arith.constant 0 : i32
      %dma_wait3A_72 = tpu.memref_slice %arg11[%add3A_55, %dma_wait3A] : memref<10240x128xf32, #tpu.memory_space<vmem_shared>> -> memref<128x128xf32, #tpu.memory_space<vmem_shared>>
      %dma_wait3A_73 = arith.constant 0 : i32
      %dma_wait3A_74 = tpu.memref_slice %arg11[%add3A_55, %dma_wait3A_73] : memref<10240x128xf32, #tpu.memory_space<vmem_shared>> -> memref<128x128xf32, #tpu.memory_space<vmem_shared>>
      tpu.wait_dma2 semaphore(%run_scoped3A : memref<!tpu.dma_semaphore, #tpu.memory_space<semaphore_mem>>) src(%dma_wait3A_74 : memref<128x128xf32, #tpu.memory_space<vmem_shared>>) dst(%arg9 : memref<128x128xf32, #tpu.memory_space<vmem>>)
      tpu.yield
    }) : () -> ()
    %mul3A_56 = arith.constant 10240 : i32
    %mul3A_57 = arith.muli %arg0, %mul3A_56 : i32
    %add3A_58 = arith.addi %mul3A_57, %mul3A_0 : i32
    %add3A_59 = arith.constant 384 : i32
    %add3A_60 = arith.addi %add3A_58, %add3A_59 : i32
    "tpu.region"() ({
      %run_scoped3A = tpu.sem_alloc : memref<!tpu.dma_semaphore, #tpu.memory_space<semaphore_mem>>
      %dma_start3A_68 = arith.constant 0 : i32
      %dma_start3A_69 = tpu.memref_slice %arg6[%add3A_60, %dma_start3A_68] : memref<20480x128xf32, #tpu.memory_space<hbm>> -> memref<128x128xf32, #tpu.memory_space<hbm>>
      %dma_start3A_70 = arith.constant 0 : i32
      %dma_start3A_71 = tpu.memref_slice %arg6[%add3A_60, %dma_start3A_70] : memref<20480x128xf32, #tpu.memory_space<hbm>> -> memref<128x128xf32, #tpu.memory_space<hbm>>
      tpu.enqueue_dma source(%arg9 : memref<128x128xf32, #tpu.memory_space<vmem>>) target(%dma_start3A_71 : memref<128x128xf32, #tpu.memory_space<hbm>>) target_semaphore(%run_scoped3A : memref<!tpu.dma_semaphore, #tpu.memory_space<semaphore_mem>>)
      %dma_wait3A = arith.constant 0 : i32
      %dma_wait3A_72 = tpu.memref_slice %arg6[%add3A_60, %dma_wait3A] : memref<20480x128xf32, #tpu.memory_space<hbm>> -> memref<128x128xf32, #tpu.memory_space<hbm>>
      %dma_wait3A_73 = arith.constant 0 : i32
      %dma_wait3A_74 = tpu.memref_slice %arg6[%add3A_60, %dma_wait3A_73] : memref<20480x128xf32, #tpu.memory_space<hbm>> -> memref<128x128xf32, #tpu.memory_space<hbm>>
      tpu.wait_dma2 semaphore(%run_scoped3A : memref<!tpu.dma_semaphore, #tpu.memory_space<semaphore_mem>>) src(%arg9 : memref<128x128xf32, #tpu.memory_space<vmem>>) dst(%dma_wait3A_74 : memref<128x128xf32, #tpu.memory_space<hbm>>)
      tpu.yield
    }) : () -> ()
    %add3A_61 = arith.constant 512 : i32
    %add3A_62 = arith.addi %mul3A_0, %add3A_61 : i32
    "tpu.region"() ({
      %run_scoped3A = tpu.sem_alloc : memref<!tpu.dma_semaphore, #tpu.memory_space<semaphore_mem>>
      %dma_start3A_68 = arith.constant 0 : i32
      %dma_start3A_69 = tpu.memref_slice %arg11[%add3A_62, %dma_start3A_68] : memref<10240x128xf32, #tpu.memory_space<vmem_shared>> -> memref<128x128xf32, #tpu.memory_space<vmem_shared>>
      %dma_start3A_70 = arith.constant 0 : i32
      %dma_start3A_71 = tpu.memref_slice %arg11[%add3A_62, %dma_start3A_70] : memref<10240x128xf32, #tpu.memory_space<vmem_shared>> -> memref<128x128xf32, #tpu.memory_space<vmem_shared>>
      tpu.enqueue_dma source(%dma_start3A_71 : memref<128x128xf32, #tpu.memory_space<vmem_shared>>) target(%arg9 : memref<128x128xf32, #tpu.memory_space<vmem>>) target_semaphore(%run_scoped3A : memref<!tpu.dma_semaphore, #tpu.memory_space<semaphore_mem>>)
      %dma_wait3A = arith.constant 0 : i32
      %dma_wait3A_72 = tpu.memref_slice %arg11[%add3A_62, %dma_wait3A] : memref<10240x128xf32, #tpu.memory_space<vmem_shared>> -> memref<128x128xf32, #tpu.memory_space<vmem_shared>>
      %dma_wait3A_73 = arith.constant 0 : i32
      %dma_wait3A_74 = tpu.memref_slice %arg11[%add3A_62, %dma_wait3A_73] : memref<10240x128xf32, #tpu.memory_space<vmem_shared>> -> memref<128x128xf32, #tpu.memory_space<vmem_shared>>
      tpu.wait_dma2 semaphore(%run_scoped3A : memref<!tpu.dma_semaphore, #tpu.memory_space<semaphore_mem>>) src(%dma_wait3A_74 : memref<128x128xf32, #tpu.memory_space<vmem_shared>>) dst(%arg9 : memref<128x128xf32, #tpu.memory_space<vmem>>)
      tpu.yield
    }) : () -> ()
    %mul3A_63 = arith.constant 10240 : i32
    %mul3A_64 = arith.muli %arg0, %mul3A_63 : i32
    %add3A_65 = arith.addi %mul3A_64, %mul3A_0 : i32
    %add3A_66 = arith.constant 512 : i32
    %add3A_67 = arith.addi %add3A_65, %add3A_66 : i32
    "tpu.region"() ({
      %run_scoped3A = tpu.sem_alloc : memref<!tpu.dma_semaphore, #tpu.memory_space<semaphore_mem>>
      %dma_start3A_68 = arith.constant 0 : i32
      %dma_start3A_69 = tpu.memref_slice %arg6[%add3A_67, %dma_start3A_68] : memref<20480x128xf32, #tpu.memory_space<hbm>> -> memref<128x128xf32, #tpu.memory_space<hbm>>
      %dma_start3A_70 = arith.constant 0 : i32
      %dma_start3A_71 = tpu.memref_slice %arg6[%add3A_67, %dma_start3A_70] : memref<20480x128xf32, #tpu.memory_space<hbm>> -> memref<128x128xf32, #tpu.memory_space<hbm>>
      tpu.enqueue_dma source(%arg9 : memref<128x128xf32, #tpu.memory_space<vmem>>) target(%dma_start3A_71 : memref<128x128xf32, #tpu.memory_space<hbm>>) target_semaphore(%run_scoped3A : memref<!tpu.dma_semaphore, #tpu.memory_space<semaphore_mem>>)
      %dma_wait3A = arith.constant 0 : i32
      %dma_wait3A_72 = tpu.memref_slice %arg6[%add3A_67, %dma_wait3A] : memref<20480x128xf32, #tpu.memory_space<hbm>> -> memref<128x128xf32, #tpu.memory_space<hbm>>
      %dma_wait3A_73 = arith.constant 0 : i32
      %dma_wait3A_74 = tpu.memref_slice %arg6[%add3A_67, %dma_wait3A_73] : memref<20480x128xf32, #tpu.memory_space<hbm>> -> memref<128x128xf32, #tpu.memory_space<hbm>>
      tpu.wait_dma2 semaphore(%run_scoped3A : memref<!tpu.dma_semaphore, #tpu.memory_space<semaphore_mem>>) src(%arg9 : memref<128x128xf32, #tpu.memory_space<vmem>>) dst(%dma_wait3A_74 : memref<128x128xf32, #tpu.memory_space<hbm>>)
      tpu.yield
    }) : () -> ()
    return
  }
}

module attributes {stable_mosaic.version = 14 : i64} {
  func.func @_t1_body(%arg0: i32, %arg1: memref<2x512x128xf32, #tpu.memory_space<vmem>>, %arg2: memref<2x512x128xf32, #tpu.memory_space<vmem>>, %arg3: memref<512x256xf32, #tpu.memory_space<vmem>>, %arg4: memref<128x256xf32, #tpu.memory_space<vmem>>, %arg5: memref<128x256xf32, #tpu.memory_space<vmem>>, %arg6: memref<256x256xf32, #tpu.memory_space<vmem>>, %arg7: memref<8x256xf32, #tpu.memory_space<vmem>>, %arg8: memref<2x512x128xf32, #tpu.memory_space<vmem>>) attributes {dimension_semantics = [#tpu.dimension_semantics<arbitrary>], iteration_bounds = array<i64: 20>, scalar_prefetch = 0 : i64, scratch_operands = 0 : i64, tpu.core_type = #tpu.core_type<tc>, window_params = [{transform_indices = @transform_0, window_bounds = array<i64: 2, 512, 128>}, {transform_indices = @transform_1, window_bounds = array<i64: 2, 512, 128>}, {transform_indices = @transform_2, window_bounds = array<i64: 512, 256>}, {pipeline_mode = #tpu.pipeline_mode<synchronous>, transform_indices = @transform_3, window_bounds = array<i64: 128, 256>}, {pipeline_mode = #tpu.pipeline_mode<synchronous>, transform_indices = @transform_4, window_bounds = array<i64: 128, 256>}, {pipeline_mode = #tpu.pipeline_mode<synchronous>, transform_indices = @transform_5, window_bounds = array<i64: 256, 256>}, {pipeline_mode = #tpu.pipeline_mode<synchronous>, transform_indices = @transform_6, window_bounds = array<i64: 8, 256>}, {transform_indices = @transform_7, window_bounds = array<i64: 2, 512, 128>}]} {
    %get3A = arith.constant 0 : index
    %get3A_0 = arith.constant 0 : index
    %get3A_1 = arith.constant 0 : index
    %get3A_2 = vector.load %arg2[%get3A, %get3A_0, %get3A_1] : memref<2x512x128xf32, #tpu.memory_space<vmem>>, vector<1x512x128xf32>
    %get3A_3 = vector.shape_cast %get3A_2 : vector<1x512x128xf32> to vector<512x128xf32>
    %get3A_4 = arith.constant 1 : index
    %get3A_5 = arith.constant 0 : index
    %get3A_6 = arith.constant 0 : index
    %get3A_7 = vector.load %arg2[%get3A_4, %get3A_5, %get3A_6] : memref<2x512x128xf32, #tpu.memory_space<vmem>>, vector<1x512x128xf32>
    %get3A_8 = vector.shape_cast %get3A_7 : vector<1x512x128xf32> to vector<512x128xf32>
    %add3A = arith.addf %get3A_3, %get3A_8 : vector<512x128xf32>
    %max3A = arith.constant 1.000000e+00 : f32
    %max3A_9 = vector.broadcast %max3A : f32 to vector<512x128xf32>
    %max3A_10 = arith.maximumf %add3A, %max3A_9 : vector<512x128xf32>
    %div3A = arith.constant 1.000000e+00 : f32
    %div3A_11 = vector.broadcast %div3A : f32 to vector<512x128xf32>
    %div3A_12 = arith.divf %div3A_11, %max3A_10 : vector<512x128xf32>
    %get3A_13 = arith.constant 0 : index
    %get3A_14 = arith.constant 0 : index
    %get3A_15 = arith.constant 0 : index
    %get3A_16 = vector.load %arg1[%get3A_13, %get3A_14, %get3A_15] : memref<2x512x128xf32, #tpu.memory_space<vmem>>, vector<1x512x128xf32>
    %get3A_17 = vector.shape_cast %get3A_16 : vector<1x512x128xf32> to vector<512x128xf32>
    %mul3A = arith.mulf %get3A_17, %div3A_12 : vector<512x128xf32>
    %get3A_18 = arith.constant 1 : index
    %get3A_19 = arith.constant 0 : index
    %get3A_20 = arith.constant 0 : index
    %get3A_21 = vector.load %arg1[%get3A_18, %get3A_19, %get3A_20] : memref<2x512x128xf32, #tpu.memory_space<vmem>>, vector<1x512x128xf32>
    %get3A_22 = vector.shape_cast %get3A_21 : vector<1x512x128xf32> to vector<512x128xf32>
    %mul3A_23 = arith.mulf %get3A_22, %div3A_12 : vector<512x128xf32>
    %get3A_24 = arith.constant 0 : index
    %get3A_25 = arith.constant 0 : index
    %get3A_26 = vector.load %arg4[%get3A_24, %get3A_25] : memref<128x256xf32, #tpu.memory_space<vmem>>, vector<128x256xf32>
    %dot_general3A = arith.constant dense<0.000000e+00> : vector<512x256xf32>
    %dot_general3A_27 = tpu.matmul %mul3A, %get3A_26, %dot_general3A {dimension_numbers = #tpu.dot_dimension_numbers<[1], [0], [0], [1], [0, 0, 1, 1], [], []>, transpose_lhs_hint = false} : vector<512x128xf32>, vector<128x256xf32>, vector<512x256xf32> -> vector<512x256xf32>
    %get3A_28 = arith.constant 0 : index
    %get3A_29 = arith.constant 0 : index
    %get3A_30 = vector.load %arg5[%get3A_28, %get3A_29] : memref<128x256xf32, #tpu.memory_space<vmem>>, vector<128x256xf32>
    %dot_general3A_31 = arith.constant dense<0.000000e+00> : vector<512x256xf32>
    %dot_general3A_32 = tpu.matmul %mul3A_23, %get3A_30, %dot_general3A_31 {dimension_numbers = #tpu.dot_dimension_numbers<[1], [0], [0], [1], [0, 0, 1, 1], [], []>, transpose_lhs_hint = false} : vector<512x128xf32>, vector<128x256xf32>, vector<512x256xf32> -> vector<512x256xf32>
    %add3A_33 = arith.addf %dot_general3A_27, %dot_general3A_32 : vector<512x256xf32>
    %get3A_34 = arith.constant 0 : index
    %get3A_35 = arith.constant 0 : index
    %get3A_36 = vector.load %arg3[%get3A_34, %get3A_35] : memref<512x256xf32, #tpu.memory_space<vmem>>, vector<512x256xf32>
    %get3A_37 = arith.constant 0 : index
    %get3A_38 = arith.constant 0 : index
    %get3A_39 = vector.load %arg6[%get3A_37, %get3A_38] : memref<256x256xf32, #tpu.memory_space<vmem>>, vector<256x256xf32>
    %dot_general3A_40 = arith.constant dense<0.000000e+00> : vector<512x256xf32>
    %dot_general3A_41 = tpu.matmul %get3A_36, %get3A_39, %dot_general3A_40 {dimension_numbers = #tpu.dot_dimension_numbers<[1], [0], [0], [1], [0, 0, 1, 1], [], []>, transpose_lhs_hint = false} : vector<512x256xf32>, vector<256x256xf32>, vector<512x256xf32> -> vector<512x256xf32>
    %add3A_42 = arith.addf %add3A_33, %dot_general3A_41 : vector<512x256xf32>
    %get3A_43 = arith.constant 0 : index
    %get3A_44 = arith.constant 0 : index
    %get3A_45 = vector.load %arg7[%get3A_43, %get3A_44] : memref<8x256xf32, #tpu.memory_space<vmem>>, vector<1x256xf32>
    %add3A_46 = vector.broadcast %get3A_45 : vector<1x256xf32> to vector<512x256xf32>
    %add3A_47 = arith.addf %add3A_42, %add3A_46 : vector<512x256xf32>
    %max3A_48 = arith.constant 0.000000e+00 : f32
    %max3A_49 = vector.broadcast %max3A_48 : f32 to vector<512x256xf32>
    %max3A_50 = arith.maximumf %add3A_47, %max3A_49 : vector<512x256xf32>
    %slice3A = vector.extract_strided_slice %max3A_50 {offsets = [0, 0], sizes = [512, 128], strides = [1, 1]} : vector<512x256xf32> to vector<512x128xf32>
    %swap3A = arith.constant 0 : index
    %swap3A_51 = arith.constant 0 : index
    %swap3A_52 = arith.constant 0 : index
    %swap3A_53 = vector.load %arg8[%swap3A, %swap3A_51, %swap3A_52] : memref<2x512x128xf32, #tpu.memory_space<vmem>>, vector<1x512x128xf32>
    %swap3A_54 = vector.shape_cast %swap3A_53 : vector<1x512x128xf32> to vector<512x128xf32>
    %swap3A_55 = vector.shape_cast %slice3A : vector<512x128xf32> to vector<1x512x128xf32>
    tpu.vector_store %arg8[%swap3A, %swap3A_51, %swap3A_52], %swap3A_55 {strides = array<i32>} : memref<2x512x128xf32, #tpu.memory_space<vmem>>, vector<1x512x128xf32>,
    %slice3A_56 = vector.extract_strided_slice %max3A_50 {offsets = [0, 128], sizes = [512, 128], strides = [1, 1]} : vector<512x256xf32> to vector<512x128xf32>
    %swap3A_57 = arith.constant 1 : index
    %swap3A_58 = arith.constant 0 : index
    %swap3A_59 = arith.constant 0 : index
    %swap3A_60 = vector.load %arg8[%swap3A_57, %swap3A_58, %swap3A_59] : memref<2x512x128xf32, #tpu.memory_space<vmem>>, vector<1x512x128xf32>
    %swap3A_61 = vector.shape_cast %swap3A_60 : vector<1x512x128xf32> to vector<512x128xf32>
    %swap3A_62 = vector.shape_cast %slice3A_56 : vector<512x128xf32> to vector<1x512x128xf32>
    tpu.vector_store %arg8[%swap3A_57, %swap3A_58, %swap3A_59], %swap3A_62 {strides = array<i32>} : memref<2x512x128xf32, #tpu.memory_space<vmem>>, vector<1x512x128xf32>,
    return
  }
  func.func @transform_0(%arg0: i32) -> (i32, i32, i32) {
    %c0_i32 = arith.constant 0 : i32
    %c0_i32_0 = arith.constant 0 : i32
    %c0_i32_1 = arith.constant 0 : i32
    return %c0_i32, %arg0, %c0_i32_0 : i32, i32, i32
  }
  func.func @transform_1(%arg0: i32) -> (i32, i32, i32) {
    %c0_i32 = arith.constant 0 : i32
    %c0_i32_0 = arith.constant 0 : i32
    %c0_i32_1 = arith.constant 0 : i32
    return %c0_i32, %arg0, %c0_i32_0 : i32, i32, i32
  }
  func.func @transform_2(%arg0: i32) -> (i32, i32) {
    %c0_i32 = arith.constant 0 : i32
    %c0_i32_0 = arith.constant 0 : i32
    return %arg0, %c0_i32 : i32, i32
  }
  func.func @transform_3(%arg0: i32) -> (i32, i32) {
    %c0_i32 = arith.constant 0 : i32
    %c0_i32_0 = arith.constant 0 : i32
    %c0_i32_1 = arith.constant 0 : i32
    return %c0_i32, %c0_i32_0 : i32, i32
  }
  func.func @transform_4(%arg0: i32) -> (i32, i32) {
    %c0_i32 = arith.constant 0 : i32
    %c0_i32_0 = arith.constant 0 : i32
    %c0_i32_1 = arith.constant 0 : i32
    return %c0_i32, %c0_i32_0 : i32, i32
  }
  func.func @transform_5(%arg0: i32) -> (i32, i32) {
    %c0_i32 = arith.constant 0 : i32
    %c0_i32_0 = arith.constant 0 : i32
    %c0_i32_1 = arith.constant 0 : i32
    return %c0_i32, %c0_i32_0 : i32, i32
  }
  func.func @transform_6(%arg0: i32) -> (i32, i32) {
    %c0_i32 = arith.constant 0 : i32
    %c0_i32_0 = arith.constant 0 : i32
    %c0_i32_1 = arith.constant 0 : i32
    return %c0_i32, %c0_i32_0 : i32, i32
  }
  func.func @transform_7(%arg0: i32) -> (i32, i32, i32) {
    %c0_i32 = arith.constant 0 : i32
    %c0_i32_0 = arith.constant 0 : i32
    %c0_i32_1 = arith.constant 0 : i32
    return %c0_i32, %arg0, %c0_i32_0 : i32, i32, i32
  }
}

module attributes {stable_mosaic.version = 14 : i64} {
  func.func @_t2_body(%arg0: i32, %arg1: memref<2x512x128xf32, #tpu.memory_space<vmem>>, %arg2: memref<2x512x128xf32, #tpu.memory_space<vmem>>, %arg3: memref<2x512x128xf32, #tpu.memory_space<vmem>>, %arg4: memref<128x256xf32, #tpu.memory_space<vmem>>, %arg5: memref<128x256xf32, #tpu.memory_space<vmem>>, %arg6: memref<128x256xf32, #tpu.memory_space<vmem>>, %arg7: memref<128x256xf32, #tpu.memory_space<vmem>>, %arg8: memref<8x256xf32, #tpu.memory_space<vmem>>, %arg9: memref<1x1x512xi32, #tpu.memory_space<vmem>>, %arg10: memref<256x128xf32, #tpu.memory_space<vmem>>, %arg11: memref<8x128xf32, #tpu.memory_space<vmem>>, %arg12: memref<128x128xf32, #tpu.memory_space<vmem>>, %arg13: memref<8x128xf32, #tpu.memory_space<vmem>>, %arg14: memref<128x128xf32, #tpu.memory_space<vmem>>, %arg15: memref<8x128xf32, #tpu.memory_space<vmem>>, %arg16: memref<64x128xf32, #tpu.memory_space<vmem>>, %arg17: memref<64x256xf32, #tpu.memory_space<vmem>>, %arg18: memref<64x128xf32, #tpu.memory_space<vmem>>) attributes {dimension_semantics = [#tpu.dimension_semantics<arbitrary>], iteration_bounds = array<i64: 20>, scalar_prefetch = 0 : i64, scratch_operands = 2 : i64, tpu.core_type = #tpu.core_type<tc>, window_params = [{transform_indices = @transform_0, window_bounds = array<i64: 2, 512, 128>}, {transform_indices = @transform_1, window_bounds = array<i64: 2, 512, 128>}, {transform_indices = @transform_2, window_bounds = array<i64: 2, 512, 128>}, {pipeline_mode = #tpu.pipeline_mode<synchronous>, transform_indices = @transform_3, window_bounds = array<i64: 128, 256>}, {pipeline_mode = #tpu.pipeline_mode<synchronous>, transform_indices = @transform_4, window_bounds = array<i64: 128, 256>}, {pipeline_mode = #tpu.pipeline_mode<synchronous>, transform_indices = @transform_5, window_bounds = array<i64: 128, 256>}, {pipeline_mode = #tpu.pipeline_mode<synchronous>, transform_indices = @transform_6, window_bounds = array<i64: 128, 256>}, {pipeline_mode = #tpu.pipeline_mode<synchronous>, transform_indices = @transform_7, window_bounds = array<i64: 8, 256>}, {transform_indices = @transform_8, window_bounds = array<i64: 1, 1, 512>}, {pipeline_mode = #tpu.pipeline_mode<synchronous>, transform_indices = @transform_9, window_bounds = array<i64: 256, 128>}, {pipeline_mode = #tpu.pipeline_mode<synchronous>, transform_indices = @transform_10, window_bounds = array<i64: 8, 128>}, {pipeline_mode = #tpu.pipeline_mode<synchronous>, transform_indices = @transform_11, window_bounds = array<i64: 128, 128>}, {pipeline_mode = #tpu.pipeline_mode<synchronous>, transform_indices = @transform_12, window_bounds = array<i64: 8, 128>}, {pipeline_mode = #tpu.pipeline_mode<synchronous>, transform_indices = @transform_13, window_bounds = array<i64: 128, 128>}, {pipeline_mode = #tpu.pipeline_mode<synchronous>, transform_indices = @transform_14, window_bounds = array<i64: 8, 128>}, {pipeline_mode = #tpu.pipeline_mode<synchronous>, transform_indices = @transform_15, window_bounds = array<i64: 64, 128>}]} {
    %eq3A = arith.constant 0 : i32
    %eq3A_0 = arith.cmpi eq, %arg0, %eq3A : i32
    %convert_element_type3A = arith.extui %eq3A_0 : i1 to i32
    %cond3A = arith.constant 0 : i32
    %cond3A_1 = arith.cmpi ne, %convert_element_type3A, %cond3A : i32
    scf.if %cond3A_1 {
      %broadcast_in_dim3A_105 = arith.constant 0.000000e+00 : f32
      %broadcast_in_dim3A_106 = vector.broadcast %broadcast_in_dim3A_105 : f32 to vector<64x256xf32>
      %swap3A_107 = arith.constant 0 : index
      %swap3A_108 = arith.constant 0 : index
      %swap3A_109 = vector.load %arg17[%swap3A_107, %swap3A_108] : memref<64x256xf32, #tpu.memory_space<vmem>>, vector<64x256xf32>
      tpu.vector_store %arg17[%swap3A_107, %swap3A_108], %broadcast_in_dim3A_106 {strides = array<i32>} : memref<64x256xf32, #tpu.memory_space<vmem>>, vector<64x256xf32>,
      %broadcast_in_dim3A_110 = arith.constant 0.000000e+00 : f32
      %broadcast_in_dim3A_111 = vector.broadcast %broadcast_in_dim3A_110 : f32 to vector<64x128xf32>
      %swap3A_112 = arith.constant 0 : index
      %swap3A_113 = arith.constant 0 : index
      %swap3A_114 = vector.load %arg18[%swap3A_112, %swap3A_113] : memref<64x128xf32, #tpu.memory_space<vmem>>, vector<64x128xf32>
      tpu.vector_store %arg18[%swap3A_112, %swap3A_113], %broadcast_in_dim3A_111 {strides = array<i32>} : memref<64x128xf32, #tpu.memory_space<vmem>>, vector<64x128xf32>,
    } else {
    }
    %get3A = arith.constant 0 : index
    %get3A_2 = arith.constant 0 : index
    %get3A_3 = arith.constant 0 : index
    %get3A_4 = vector.load %arg2[%get3A, %get3A_2, %get3A_3] : memref<2x512x128xf32, #tpu.memory_space<vmem>>, vector<1x512x128xf32>
    %get3A_5 = vector.shape_cast %get3A_4 : vector<1x512x128xf32> to vector<512x128xf32>
    %get3A_6 = arith.constant 1 : index
    %get3A_7 = arith.constant 0 : index
    %get3A_8 = arith.constant 0 : index
    %get3A_9 = vector.load %arg2[%get3A_6, %get3A_7, %get3A_8] : memref<2x512x128xf32, #tpu.memory_space<vmem>>, vector<1x512x128xf32>
    %get3A_10 = vector.shape_cast %get3A_9 : vector<1x512x128xf32> to vector<512x128xf32>
    %add3A = arith.addf %get3A_5, %get3A_10 : vector<512x128xf32>
    %max3A = arith.constant 1.000000e+00 : f32
    %max3A_11 = vector.broadcast %max3A : f32 to vector<512x128xf32>
    %max3A_12 = arith.maximumf %add3A, %max3A_11 : vector<512x128xf32>
    %div3A = arith.constant 1.000000e+00 : f32
    %div3A_13 = vector.broadcast %div3A : f32 to vector<512x128xf32>
    %div3A_14 = arith.divf %div3A_13, %max3A_12 : vector<512x128xf32>
    %get3A_15 = arith.constant 0 : index
    %get3A_16 = arith.constant 0 : index
    %get3A_17 = arith.constant 0 : index
    %get3A_18 = vector.load %arg1[%get3A_15, %get3A_16, %get3A_17] : memref<2x512x128xf32, #tpu.memory_space<vmem>>, vector<1x512x128xf32>
    %get3A_19 = vector.shape_cast %get3A_18 : vector<1x512x128xf32> to vector<512x128xf32>
    %mul3A = arith.mulf %get3A_19, %div3A_14 : vector<512x128xf32>
    %get3A_20 = arith.constant 1 : index
    %get3A_21 = arith.constant 0 : index
    %get3A_22 = arith.constant 0 : index
    %get3A_23 = vector.load %arg1[%get3A_20, %get3A_21, %get3A_22] : memref<2x512x128xf32, #tpu.memory_space<vmem>>, vector<1x512x128xf32>
    %get3A_24 = vector.shape_cast %get3A_23 : vector<1x512x128xf32> to vector<512x128xf32>
    %mul3A_25 = arith.mulf %get3A_24, %div3A_14 : vector<512x128xf32>
    %get3A_26 = arith.constant 0 : index
    %get3A_27 = arith.constant 0 : index
    %get3A_28 = vector.load %arg4[%get3A_26, %get3A_27] : memref<128x256xf32, #tpu.memory_space<vmem>>, vector<128x256xf32>
    %dot_general3A = arith.constant dense<0.000000e+00> : vector<512x256xf32>
    %dot_general3A_29 = tpu.matmul %mul3A, %get3A_28, %dot_general3A {dimension_numbers = #tpu.dot_dimension_numbers<[1], [0], [0], [1], [0, 0, 1, 1], [], []>, transpose_lhs_hint = false} : vector<512x128xf32>, vector<128x256xf32>, vector<512x256xf32> -> vector<512x256xf32>
    %get3A_30 = arith.constant 0 : index
    %get3A_31 = arith.constant 0 : index
    %get3A_32 = vector.load %arg5[%get3A_30, %get3A_31] : memref<128x256xf32, #tpu.memory_space<vmem>>, vector<128x256xf32>
    %dot_general3A_33 = arith.constant dense<0.000000e+00> : vector<512x256xf32>
    %dot_general3A_34 = tpu.matmul %mul3A_25, %get3A_32, %dot_general3A_33 {dimension_numbers = #tpu.dot_dimension_numbers<[1], [0], [0], [1], [0, 0, 1, 1], [], []>, transpose_lhs_hint = false} : vector<512x128xf32>, vector<128x256xf32>, vector<512x256xf32> -> vector<512x256xf32>
    %add3A_35 = arith.addf %dot_general3A_29, %dot_general3A_34 : vector<512x256xf32>
    %get3A_36 = arith.constant 0 : index
    %get3A_37 = arith.constant 0 : index
    %get3A_38 = arith.constant 0 : index
    %get3A_39 = vector.load %arg3[%get3A_36, %get3A_37, %get3A_38] : memref<2x512x128xf32, #tpu.memory_space<vmem>>, vector<1x512x128xf32>
    %get3A_40 = vector.shape_cast %get3A_39 : vector<1x512x128xf32> to vector<512x128xf32>
    %get3A_41 = arith.constant 0 : index
    %get3A_42 = arith.constant 0 : index
    %get3A_43 = vector.load %arg6[%get3A_41, %get3A_42] : memref<128x256xf32, #tpu.memory_space<vmem>>, vector<128x256xf32>
    %dot_general3A_44 = arith.constant dense<0.000000e+00> : vector<512x256xf32>
    %dot_general3A_45 = tpu.matmul %get3A_40, %get3A_43, %dot_general3A_44 {dimension_numbers = #tpu.dot_dimension_numbers<[1], [0], [0], [1], [0, 0, 1, 1], [], []>, transpose_lhs_hint = false} : vector<512x128xf32>, vector<128x256xf32>, vector<512x256xf32> -> vector<512x256xf32>
    %add3A_46 = arith.addf %add3A_35, %dot_general3A_45 : vector<512x256xf32>
    %get3A_47 = arith.constant 1 : index
    %get3A_48 = arith.constant 0 : index
    %get3A_49 = arith.constant 0 : index
    %get3A_50 = vector.load %arg3[%get3A_47, %get3A_48, %get3A_49] : memref<2x512x128xf32, #tpu.memory_space<vmem>>, vector<1x512x128xf32>
    %get3A_51 = vector.shape_cast %get3A_50 : vector<1x512x128xf32> to vector<512x128xf32>
    %get3A_52 = arith.constant 0 : index
    %get3A_53 = arith.constant 0 : index
    %get3A_54 = vector.load %arg7[%get3A_52, %get3A_53] : memref<128x256xf32, #tpu.memory_space<vmem>>, vector<128x256xf32>
    %dot_general3A_55 = arith.constant dense<0.000000e+00> : vector<512x256xf32>
    %dot_general3A_56 = tpu.matmul %get3A_51, %get3A_54, %dot_general3A_55 {dimension_numbers = #tpu.dot_dimension_numbers<[1], [0], [0], [1], [0, 0, 1, 1], [], []>, transpose_lhs_hint = false} : vector<512x128xf32>, vector<128x256xf32>, vector<512x256xf32> -> vector<512x256xf32>
    %add3A_57 = arith.addf %add3A_46, %dot_general3A_56 : vector<512x256xf32>
    %get3A_58 = arith.constant 0 : index
    %get3A_59 = arith.constant 0 : index
    %get3A_60 = vector.load %arg8[%get3A_58, %get3A_59] : memref<8x256xf32, #tpu.memory_space<vmem>>, vector<1x256xf32>
    %add3A_61 = vector.broadcast %get3A_60 : vector<1x256xf32> to vector<512x256xf32>
    %add3A_62 = arith.addf %add3A_57, %add3A_61 : vector<512x256xf32>
    %max3A_63 = arith.constant 0.000000e+00 : f32
    %max3A_64 = vector.broadcast %max3A_63 : f32 to vector<512x256xf32>
    %max3A_65 = arith.maximumf %add3A_62, %max3A_64 : vector<512x256xf32>
    %get3A_66 = arith.constant 0 : index
    %get3A_67 = arith.constant 0 : index
    %get3A_68 = arith.constant 0 : index
    %get3A_69 = vector.load %arg9[%get3A_66, %get3A_67, %get3A_68] : memref<1x1x512xi32, #tpu.memory_space<vmem>>, vector<1x1x512xi32>
    %get3A_70 = vector.shape_cast %get3A_69 : vector<1x1x512xi32> to vector<1x512xi32>
    %iota3A = tpu.iota {dimensions = array<i32: 0>} : vector<64x512xi32>
    %iota3A_71 = tpu.iota {dimensions = array<i32: 1>} : vector<64x512xi32>
    %mul3A_72 = arith.constant 512 : i32
    %mul3A_73 = arith.muli %arg0, %mul3A_72 : i32
    %add3A_74 = vector.broadcast %mul3A_73 : i32 to vector<64x512xi32>
    %add3A_75 = arith.addi %iota3A_71, %add3A_74 : vector<64x512xi32>
    %eq3A_76 = vector.broadcast %get3A_70 : vector<1x512xi32> to vector<64x512xi32>
    %eq3A_77 = arith.cmpi eq, %eq3A_76, %iota3A : vector<64x512xi32>
    %lt3A = arith.constant 10000 : i32
    %lt3A_78 = vector.broadcast %lt3A : i32 to vector<64x512xi32>
    %lt3A_79 = arith.cmpi slt, %add3A_75, %lt3A_78 : vector<64x512xi32>
    %and3A = arith.andi %eq3A_77, %lt3A_79 : vector<64x512xi1>
    %jit3A = arith.constant 1.000000e+00 : f32
    %jit3A_80 = arith.constant 0.000000e+00 : f32
    %broadcast_in_dim3A = vector.broadcast %jit3A : f32 to vector<64x512xf32>
    %broadcast_in_dim3A_81 = vector.broadcast %jit3A_80 : f32 to vector<64x512xf32>
    %select_n3A = arith.select %and3A, %broadcast_in_dim3A, %broadcast_in_dim3A_81 : vector<64x512xi1>, vector<64x512xf32>
    %get3A_82 = arith.constant 0 : index
    %get3A_83 = arith.constant 0 : index
    %get3A_84 = vector.load %arg17[%get3A_82, %get3A_83] : memref<64x256xf32, #tpu.memory_space<vmem>>, vector<64x256xf32>
    %dot_general3A_85 = arith.constant dense<0.000000e+00> : vector<64x256xf32>
    %dot_general3A_86 = tpu.matmul %select_n3A, %max3A_65, %dot_general3A_85 {dimension_numbers = #tpu.dot_dimension_numbers<[1], [0], [0], [1], [0, 0, 1, 1], [], []>, transpose_lhs_hint = false} : vector<64x512xf32>, vector<512x256xf32>, vector<64x256xf32> -> vector<64x256xf32>
    %add3A_87 = arith.addf %get3A_84, %dot_general3A_86 : vector<64x256xf32>
    %swap3A = arith.constant 0 : index
    %swap3A_88 = arith.constant 0 : index
    %swap3A_89 = vector.load %arg17[%swap3A, %swap3A_88] : memref<64x256xf32, #tpu.memory_space<vmem>>, vector<64x256xf32>
    tpu.vector_store %arg17[%swap3A, %swap3A_88], %add3A_87 {strides = array<i32>} : memref<64x256xf32, #tpu.memory_space<vmem>>, vector<64x256xf32>,
    %get3A_90 = arith.constant 0 : index
    %get3A_91 = arith.constant 0 : index
    %get3A_92 = vector.load %arg18[%get3A_90, %get3A_91] : memref<64x128xf32, #tpu.memory_space<vmem>>, vector<64x128xf32>
    %reduce_sum3A = arith.constant dense<0.000000e+00> : vector<64xf32>
    %reduce_sum3A_93 = vector.multi_reduction <add>, %select_n3A, %reduce_sum3A [1] : vector<64x512xf32> to vector<64xf32>
    %broadcast_in_dim3A_94 = vector.shape_cast %reduce_sum3A_93 : vector<64xf32> to vector<64x1xf32>
    %add3A_95 = vector.broadcast %broadcast_in_dim3A_94 : vector<64x1xf32> to vector<64x128xf32>
    %add3A_96 = arith.addf %get3A_92, %add3A_95 : vector<64x128xf32>
    %swap3A_97 = arith.constant 0 : index
    %swap3A_98 = arith.constant 0 : index
    %swap3A_99 = vector.load %arg18[%swap3A_97, %swap3A_98] : memref<64x128xf32, #tpu.memory_space<vmem>>, vector<64x128xf32>
    tpu.vector_store %arg18[%swap3A_97, %swap3A_98], %add3A_96 {strides = array<i32>} : memref<64x128xf32, #tpu.memory_space<vmem>>, vector<64x128xf32>,
    %eq3A_100 = arith.constant 19 : i32
    %eq3A_101 = arith.cmpi eq, %arg0, %eq3A_100 : i32
    %convert_element_type3A_102 = arith.extui %eq3A_101 : i1 to i32
    %cond3A_103 = arith.constant 0 : i32
    %cond3A_104 = arith.cmpi ne, %convert_element_type3A_102, %cond3A_103 : i32
    scf.if %cond3A_104 {
      %get3A_105 = arith.constant 0 : index
      %get3A_106 = arith.constant 0 : index
      %get3A_107 = vector.load %arg18[%get3A_105, %get3A_106] : memref<64x128xf32, #tpu.memory_space<vmem>>, vector<64x1xf32>
      %get3A_108 = arith.constant 0 : index
      %get3A_109 = arith.constant 0 : index
      %get3A_110 = vector.load %arg17[%get3A_108, %get3A_109] : memref<64x256xf32, #tpu.memory_space<vmem>>, vector<64x256xf32>
      %max3A_111 = arith.constant 1.000000e+00 : f32
      %max3A_112 = vector.broadcast %max3A_111 : f32 to vector<64x1xf32>
      %max3A_113 = arith.maximumf %get3A_107, %max3A_112 : vector<64x1xf32>
      %div3A_114 = vector.broadcast %max3A_113 : vector<64x1xf32> to vector<64x256xf32>
      %div3A_115 = arith.divf %get3A_110, %div3A_114 : vector<64x256xf32>
      %get3A_116 = arith.constant 0 : index
      %get3A_117 = arith.constant 0 : index
      %get3A_118 = vector.load %arg10[%get3A_116, %get3A_117] : memref<256x128xf32, #tpu.memory_space<vmem>>, vector<256x128xf32>
      %dot_general3A_119 = arith.constant dense<0.000000e+00> : vector<64x128xf32>
      %dot_general3A_120 = tpu.matmul %div3A_115, %get3A_118, %dot_general3A_119 {dimension_numbers = #tpu.dot_dimension_numbers<[1], [0], [0], [1], [0, 0, 1, 1], [], []>, transpose_lhs_hint = false} : vector<64x256xf32>, vector<256x128xf32>, vector<64x128xf32> -> vector<64x128xf32>
      %get3A_121 = arith.constant 0 : index
      %get3A_122 = arith.constant 0 : index
      %get3A_123 = vector.load %arg11[%get3A_121, %get3A_122] : memref<8x128xf32, #tpu.memory_space<vmem>>, vector<1x128xf32>
      %add3A_124 = vector.broadcast %get3A_123 : vector<1x128xf32> to vector<64x128xf32>
      %add3A_125 = arith.addf %dot_general3A_120, %add3A_124 : vector<64x128xf32>
      %max3A_126 = arith.constant 0.000000e+00 : f32
      %max3A_127 = vector.broadcast %max3A_126 : f32 to vector<64x128xf32>
      %max3A_128 = arith.maximumf %add3A_125, %max3A_127 : vector<64x128xf32>
      %get3A_129 = arith.constant 0 : index
      %get3A_130 = arith.constant 0 : index
      %get3A_131 = vector.load %arg12[%get3A_129, %get3A_130] : memref<128x128xf32, #tpu.memory_space<vmem>>, vector<128x128xf32>
      %dot_general3A_132 = arith.constant dense<0.000000e+00> : vector<64x128xf32>
      %dot_general3A_133 = tpu.matmul %max3A_128, %get3A_131, %dot_general3A_132 {dimension_numbers = #tpu.dot_dimension_numbers<[1], [0], [0], [1], [0, 0, 1, 1], [], []>, transpose_lhs_hint = false} : vector<64x128xf32>, vector<128x128xf32>, vector<64x128xf32> -> vector<64x128xf32>
      %get3A_134 = arith.constant 0 : index
      %get3A_135 = arith.constant 0 : index
      %get3A_136 = vector.load %arg13[%get3A_134, %get3A_135] : memref<8x128xf32, #tpu.memory_space<vmem>>, vector<1x128xf32>
      %add3A_137 = vector.broadcast %get3A_136 : vector<1x128xf32> to vector<64x128xf32>
      %add3A_138 = arith.addf %dot_general3A_133, %add3A_137 : vector<64x128xf32>
      %max3A_139 = arith.constant 0.000000e+00 : f32
      %max3A_140 = vector.broadcast %max3A_139 : f32 to vector<64x128xf32>
      %max3A_141 = arith.maximumf %add3A_138, %max3A_140 : vector<64x128xf32>
      %get3A_142 = arith.constant 0 : index
      %get3A_143 = arith.constant 0 : index
      %get3A_144 = vector.load %arg14[%get3A_142, %get3A_143] : memref<128x128xf32, #tpu.memory_space<vmem>>, vector<128x128xf32>
      %dot_general3A_145 = arith.constant dense<0.000000e+00> : vector<64x128xf32>
      %dot_general3A_146 = tpu.matmul %max3A_141, %get3A_144, %dot_general3A_145 {dimension_numbers = #tpu.dot_dimension_numbers<[1], [0], [0], [1], [0, 0, 1, 1], [], []>, transpose_lhs_hint = false} : vector<64x128xf32>, vector<128x128xf32>, vector<64x128xf32> -> vector<64x128xf32>
      %get3A_147 = arith.constant 0 : index
      %get3A_148 = arith.constant 0 : index
      %get3A_149 = vector.load %arg15[%get3A_147, %get3A_148] : memref<8x128xf32, #tpu.memory_space<vmem>>, vector<1x128xf32>
      %add3A_150 = vector.broadcast %get3A_149 : vector<1x128xf32> to vector<64x128xf32>
      %add3A_151 = arith.addf %dot_general3A_146, %add3A_150 : vector<64x128xf32>
      %swap3A_152 = arith.constant 0 : index
      %swap3A_153 = arith.constant 0 : index
      %swap3A_154 = vector.load %arg16[%swap3A_152, %swap3A_153] : memref<64x128xf32, #tpu.memory_space<vmem>>, vector<64x128xf32>
      tpu.vector_store %arg16[%swap3A_152, %swap3A_153], %add3A_151 {strides = array<i32>} : memref<64x128xf32, #tpu.memory_space<vmem>>, vector<64x128xf32>,
    } else {
    }
    return
  }
  func.func @transform_0(%arg0: i32) -> (i32, i32, i32) {
    %c0_i32 = arith.constant 0 : i32
    %c0_i32_0 = arith.constant 0 : i32
    %c0_i32_1 = arith.constant 0 : i32
    return %c0_i32, %arg0, %c0_i32_0 : i32, i32, i32
  }
  func.func @transform_1(%arg0: i32) -> (i32, i32, i32) {
    %c0_i32 = arith.constant 0 : i32
    %c0_i32_0 = arith.constant 0 : i32
    %c0_i32_1 = arith.constant 0 : i32
    return %c0_i32, %arg0, %c0_i32_0 : i32, i32, i32
  }
  func.func @transform_2(%arg0: i32) -> (i32, i32, i32) {
    %c0_i32 = arith.constant 0 : i32
    %c0_i32_0 = arith.constant 0 : i32
    %c0_i32_1 = arith.constant 0 : i32
    return %c0_i32, %arg0, %c0_i32_0 : i32, i32, i32
  }
  func.func @transform_3(%arg0: i32) -> (i32, i32) {
    %c0_i32 = arith.constant 0 : i32
    %c0_i32_0 = arith.constant 0 : i32
    %c0_i32_1 = arith.constant 0 : i32
    return %c0_i32, %c0_i32_0 : i32, i32
  }
  func.func @transform_4(%arg0: i32) -> (i32, i32) {
    %c0_i32 = arith.constant 0 : i32
    %c0_i32_0 = arith.constant 0 : i32
    %c0_i32_1 = arith.constant 0 : i32
    return %c0_i32, %c0_i32_0 : i32, i32
  }
  func.func @transform_5(%arg0: i32) -> (i32, i32) {
    %c0_i32 = arith.constant 0 : i32
    %c0_i32_0 = arith.constant 0 : i32
    %c0_i32_1 = arith.constant 0 : i32
    return %c0_i32, %c0_i32_0 : i32, i32
  }
  func.func @transform_6(%arg0: i32) -> (i32, i32) {
    %c0_i32 = arith.constant 0 : i32
    %c0_i32_0 = arith.constant 0 : i32
    %c0_i32_1 = arith.constant 0 : i32
    return %c0_i32, %c0_i32_0 : i32, i32
  }
  func.func @transform_7(%arg0: i32) -> (i32, i32) {
    %c0_i32 = arith.constant 0 : i32
    %c0_i32_0 = arith.constant 0 : i32
    %c0_i32_1 = arith.constant 0 : i32
    return %c0_i32, %c0_i32_0 : i32, i32
  }
  func.func @transform_8(%arg0: i32) -> (i32, i32, i32) {
    %c0_i32 = arith.constant 0 : i32
    %c0_i32_0 = arith.constant 0 : i32
    %c0_i32_1 = arith.constant 0 : i32
    return %arg0, %c0_i32, %c0_i32_0 : i32, i32, i32
  }
  func.func @transform_9(%arg0: i32) -> (i32, i32) {
    %c0_i32 = arith.constant 0 : i32
    %c0_i32_0 = arith.constant 0 : i32
    %c0_i32_1 = arith.constant 0 : i32
    return %c0_i32, %c0_i32_0 : i32, i32
  }
  func.func @transform_10(%arg0: i32) -> (i32, i32) {
    %c0_i32 = arith.constant 0 : i32
    %c0_i32_0 = arith.constant 0 : i32
    %c0_i32_1 = arith.constant 0 : i32
    return %c0_i32, %c0_i32_0 : i32, i32
  }
  func.func @transform_11(%arg0: i32) -> (i32, i32) {
    %c0_i32 = arith.constant 0 : i32
    %c0_i32_0 = arith.constant 0 : i32
    %c0_i32_1 = arith.constant 0 : i32
    return %c0_i32, %c0_i32_0 : i32, i32
  }
  func.func @transform_12(%arg0: i32) -> (i32, i32) {
    %c0_i32 = arith.constant 0 : i32
    %c0_i32_0 = arith.constant 0 : i32
    %c0_i32_1 = arith.constant 0 : i32
    return %c0_i32, %c0_i32_0 : i32, i32
  }
  func.func @transform_13(%arg0: i32) -> (i32, i32) {
    %c0_i32 = arith.constant 0 : i32
    %c0_i32_0 = arith.constant 0 : i32
    %c0_i32_1 = arith.constant 0 : i32
    return %c0_i32, %c0_i32_0 : i32, i32
  }
  func.func @transform_14(%arg0: i32) -> (i32, i32) {
    %c0_i32 = arith.constant 0 : i32
    %c0_i32_0 = arith.constant 0 : i32
    %c0_i32_1 = arith.constant 0 : i32
    return %c0_i32, %c0_i32_0 : i32, i32
  }
  func.func @transform_15(%arg0: i32) -> (i32, i32) {
    %c0_i32 = arith.constant 0 : i32
    %c0_i32_0 = arith.constant 0 : i32
    %c0_i32_1 = arith.constant 0 : i32
    return %c0_i32, %c0_i32_0 : i32, i32
  }
}

</mosaic_0001>

<sc_bundles>
// kernel: kernel.10.cloned.1.call-start
scs
__scs_entry_jumppad:
0x0: {  	(pc) =	sbr.rel $0x88, $3  }
0x1: {  	(tag) =	ssettag $0x0;
	lr =	simm.s32 $0x1  }
0x2: {  	[smem:$0x3F92] =	sst lr;
	_ =	strace $0xD0000000  }
0x3: {  	_ = 	snop  }
0x4: {  	_ = 	snop  }
0x5: {  	_ = 	snop  }
0x6: {  	_ = 	snop  }
0x7: {  	_ = 	snop  }
__scs_overlays_trampoline_lowered:
0x8: {  	[smem:$0x3FA1] =	sst s0  }
0x9: {  	[smem:$0x3FA2] =	sst s1  }
0xa: {  	[smem:$0x3FA3] =	sst s2  }
0xb: {  	[smem:$0x3FA4] =	sst s3  }
0xc: {  	[smem:$0x3FA5] =	sst s4  }
0xd: {  	[smem:$0x3FA6] =	sst s5  }
0xe: {  	[smem:$0x3FA7] =	sst s6  }
0xf: {  	[smem:$0x3FA8] =	sst s7  }
0x10: {  	[smem:$0x3FA9] =	sst s8  }
0x11: {  	[smem:$0x3FAA] =	sst s9;
	s0 =	simm.s32 @!p0 $0x0  }
0x12: {  	s1 =	sld [smem:$0x3F90];
	s0 =	simm.s32 @p0 $0x1  }
0x13: {  	[smem:$0x3FAB] =	sst s0;
	s0 =	simm.s32 @!p1 $0x0  }
0x14: {  	s2 =	sld [smem:$0x3F8F];
	s0 =	simm.s32 @p1 $0x1  }
0x15: {  	[smem:$0x3FAC] =	sst s0;
	s0 =	simm.s32 @!p2 $0x0  }
0x16: {  	s3 =	sld [smem:$0x3FDB];
	s0 =	simm.s32 @p2 $0x1  }
0x17: {  	s4 =	simm.s32 $0x1BF5;
	[smem:$0x3FAE] =	sst s0  }
0x18: {  	s0 =	sld [smem:$0x3F91];
	_ =	swait.ge [sflag:s4], $0x0  }
0x19: {  	s7 =	sld [smem:$0x3F92]  }
0x1a: {  	s8 =	sadd.s32 $0xFFFFE003, lr  }
0x1b: {  	s9 =	sadd.s32 $0xFFFFFEF7, lr;
	s5 =	simm.s32 $0xFFFFFFFF;
	p2 =	slt.u32 s8, $0xFFFFF086  }
0x1c: {  	p1 =	slt.u32 s9, $0xF7A;
	s5 =	simm.s32 @!p2 $0x0  }
0x1d: {  	s5 =	simm.s32 @p1 $0x1;
	p0 =	seq.s32 s7, s2  }
0x1e: {  	s7 =	smul.u32 @!p0 $0xF7A, s2;
	p2 =	seq.s32 @!p0 s5, $0x0  }
0x1f: {  	s9 =	smul.u32 $0xF7A, s1;
	s8 =	simm.s32 @!p0 $0x1BF5;
	p2 =	por !p2, p0  }
0x20: {  	[sflag:s8] =	ssyncset.s32 @!p0 $0xFFFFF086;
	s6 =	sadd.s32 @!p0 s3, s7;
	s7 =	simm.s32 @!p0 $0x108  }
0x21: {  	s3 =	sadd.s32 s3, s9;
	s6 =	sadd.s32 @!p0 $0x88, s6;
	s7 =	simm.s32 @p2 $0x1082  }
0x22: {  	[simem:s7], [sflag:s8] =	dma.local @!p0 [hbm:s6], $0xF7A  }
0x23: {  	s9 =	sor.u32 $0xD0000000, s2;
	s6 =	simm.s32 $0x108;
	_ =	swait.ge @!p0 [sflag:s8], $0x0  }
0x24: {  	s3 =	sadd.s32 $0x88, s3;
	s6 =	simm.s32 @!p1 $0x1082;
	[sflag:s4] =	ssyncset.s32 $0xFFFFF086  }
0x25: {  	[simem:s6], [sflag:s4] =	dma.local [hbm:s3], $0xF7A  }
0x26: {  	[smem:$0x3F92] =	sst s1;
	(tag) =	ssettag s2;
	_ =	strace s9  }
0x27: {  	s1 =	sld [smem:$0x3FA2]  }
0x28: {  	s2 =	sld [smem:$0x3FA3]  }
0x29: {  	s4 =	sld [smem:$0x3FA5]  }
0x2a: {  	p0 =	seq.s32 s5, $0x0;
	s5 =	sld [smem:$0x3FA6]  }
0x2b: {  	s6 =	sld [smem:$0x3FA7]  }
0x2c: {  	s7 =	sld [smem:$0x3FA8]  }
0x2d: {  	s3 =	simm.s32 $0x108;
	s8 =	sld [smem:$0x3FA9]  }
0x2e: {  	s3 =	simm.s32 @!p0 $0x1082;
	s9 =	sld [smem:$0x3FAA]  }
0x2f: {  	lr =	sadd.s32 s0, s3;
	s0 =	sld [smem:$0x3FA1]  }
0x30: {  	s3 =	sld [smem:$0x3FA4]  }
0x31: {  	[smem:$0x3FAD] =	sst s10  }
0x32: {  	s10 =	sld [smem:$0x3FAB];
	_ =	sdelay $0x3  }
0x33: {  	p0 =	seq.s32 s10, $0x1;
	s10 =	sld [smem:$0x3FAD];
	_ =	sdelay $0x3  }
0x34: {  	[smem:$0x3FAD] =	sst s10  }
0x35: {  	s10 =	sld [smem:$0x3FAC];
	_ =	sdelay $0x3  }
0x36: {  	p1 =	seq.s32 s10, $0x1;
	s10 =	sld [smem:$0x3FAD];
	_ =	sdelay $0x3  }
0x37: {  	[smem:$0x3FAD] =	sst s10  }
0x38: {  	s10 =	sld [smem:$0x3FAE]  }
0x39: {  	_ = 	snop;
	(pc) =	sbr.ind lr, $3  }
0x3a: {  	_ = 	snop  }
0x3b: {  	_ = 	snop  }
0x3c: {  	p2 =	seq.s32 s10, $0x1;
	s10 =	sld [smem:$0x3FAD]  }
0x3d: {  	_ =	shalt  }
0x3e: {  	_ =	shalt  }
0x3f: {  	_ =	shalt  }
0x40: {  	_ =	shalt  }
0x41: {  	_ =	shalt  }
0x42: {  	_ =	shalt  }
0x43: {  	_ =	shalt  }
0x44: {  	_ =	shalt  }
0x45: {  	_ =	shalt  }
0x46: {  	_ =	shalt  }
0x47: {  	_ =	shalt  }
0x48: {  	_ =	shalt  }
0x49: {  	_ =	shalt  }
0x4a: {  	_ =	shalt  }
0x4b: {  	_ =	shalt  }
0x4c: {  	_ =	shalt  }
0x4d: {  	_ =	shalt  }
0x4e: {  	_ =	shalt  }
0x4f: {  	_ =	shalt  }
0x50: {  	_ =	shalt  }
0x51: {  	_ =	shalt  }
0x52: {  	_ =	shalt  }
0x53: {  	_ =	shalt  }
0x54: {  	_ =	shalt  }
0x55: {  	_ =	shalt  }
0x56: {  	_ =	shalt  }
0x57: {  	_ =	shalt  }
0x58: {  	_ =	shalt  }
0x59: {  	_ =	shalt  }
0x5a: {  	_ =	shalt  }
0x5b: {  	_ =	shalt  }
0x5c: {  	_ =	shalt  }
0x5d: {  	_ =	shalt  }
0x5e: {  	_ =	shalt  }
0x5f: {  	_ =	shalt  }
0x60: {  	_ =	shalt  }
0x61: {  	_ =	shalt  }
0x62: {  	_ =	shalt  }
0x63: {  	_ =	shalt  }
0x64: {  	_ =	shalt  }
0x65: {  	_ =	shalt  }
0x66: {  	_ =	shalt  }
0x67: {  	_ =	shalt  }
0x68: {  	_ =	shalt  }
0x69: {  	_ =	shalt  }
0x6a: {  	_ =	shalt  }
0x6b: {  	_ =	shalt  }
0x6c: {  	_ =	shalt  }
0x6d: {  	_ =	shalt  }
0x6e: {  	_ =	shalt  }
0x6f: {  	_ =	shalt  }
0x70: {  	_ =	shalt  }
0x71: {  	_ =	shalt  }
0x72: {  	_ =	shalt  }
0x73: {  	_ =	shalt  }
0x74: {  	_ =	shalt  }
0x75: {  	_ =	shalt  }
0x76: {  	_ =	shalt  }
0x77: {  	_ =	shalt  }
0x78: {  	_ =	shalt  }
0x79: {  	_ =	shalt  }
0x7a: {  	_ =	shalt  }
0x7b: {  	_ =	shalt  }
0x7c: {  	_ =	shalt  }
0x7d: {  	_ =	shalt  }
0x7e: {  	_ =	shalt  }
0x7f: {  	_ =	shalt  }
0x80: {  	_ =	shalt  }
0x81: {  	_ =	shalt  }
0x82: {  	_ =	shalt  }
0x83: {  	_ =	shalt  }
0x84: {  	_ =	shalt  }
0x85: {  	_ =	shalt  }
0x86: {  	_ =	shalt  }
0x87: {  	_ =	shalt  }
.Lfunc_end0:
.L_simem_size_0:
called_computation.1_lowered:
.L_overlay_start_0:
0x88: {  	s2 =	sld [smem:$0x3FD9]  }
0x89: {  	s3 =	sld [smem:$0x3FFE];
	_ =	sdelay $0x1  }
0x8a: {  	s1 =	srdreg.scid  }
0x8b: {  	s0 =	sand.u32 $0x1, s1  }
0x8c: {  	s16 =	sshll.u32 s0, $0xA;
	s2 =	sadd.s32 s3, s2  }
0x8d: {  	s2 =	sadd.s32 s2, s16  }
0x8e: {  	[smem:$0x3FB9] =	sst s2  }
0x8f: {  	_ = 	snop  }
0x90: {  	(tm) =	ssettm $0x1  }
0x91: {  	s17 =	sld [smem:$0x3FFB];
	_ =	sdelay $0x3  }
0x92: {  	_ =	strace s17  }
0x93: {  	s2 =	sld [smem:$0x3FFC];
	_ =	sdelay $0x3  }
0x94: {  	_ =	strace s2  }
0x95: {  	s2 =	sld [smem:$0x3FFD];
	_ =	sdelay $0x3  }
0x96: {  	_ =	strace s2  }
0x97: {  	_ =	strace $0x8FFFFFFF  }
0x98: {  	s18 =	sld [smem:$0x3FDB];
	_ =	sdelay $0x1  }
0x99: {  	s19 =	simm.s32 $_scs_section_size  }
0x9a: {  	s4 =	simm.s32 $_size__tile_overlayer_lowered;
	s5 =	simm.s32 $_tile_overlayer_lowered  }
0x9b: {  	s22 =	simm.s32 $0x1BFF;
	s21 =	sshll.u32 s5, $0x1;
	s2 =	sadd.s32 s19, s18  }
0x9c: {  	s6 =	simm.s32 $0x0;
	s20 =	sshll.u32 s4, $0x1;
	s4 =	sadd.s32 s21, s2  }
0x9d: {  	[timem:s6], [sflag:s22] =	dma.local [hbm:s4], s20  }
0x9e: {  	_ =	swait.ge [sflag:s22], s20  }
0x9f: {  	s3 =	ssub.s32 $0x0, s20;
	[sflag:s22] =	ssyncset.done $0x0  }
0xa0: {  	[sflag:s22] =	ssyncadd.s32 s3;
	_ =	sdelay $0x1  }
0xa1: {  	s23 =	simm.s32 $0x1B8B  }
0xa2: {  	_ =	swait.ge [sflag:s23], $0x1  }
0xa3: {  	[sflag:s23] =	ssyncset.done $0x0  }
0xa4: {  	s25 =	simm.s32 $0x1B8E;
	s24 =	sld [smem:$0x3FFE];
	[sflag:s23] =	ssyncadd.s32 $0xFFFFFFFF  }
0xa5: {  	s26 =	simm.s32 $execute0_lowered;
	[smem:$0x3FD2] =	sst s25  }
0xa6: {  	s4 =	sshll.u32 s26, $0x1;
	_ =	strace $0x80000046;
	[dreg:$0x1] =	wrdreg $0xFFFFFFFF  }
0xa7: {  	s28 =	simm.s32 $_size_execute0_lowered;
	s2 =	sadd.s32 s2, s4;
	[dreg:$0x0] =	wrdreg $0x0  }
0xa8: {  	s4 =	sshll.u32 s28, $0x1;
	[dreg:$0x2] =	wrdreg s2  }
0xa9: {  	[dreg:$0x3] =	wrdreg s4  }
0xaa: {  	[dreg:$0x4] =	wrdreg $0xC0  }
0xab: {  	_ =	task [dreg:s6], $0x5FFFF  }
0xac: {  	[dreg:$0x1] =	wrdreg $0xFFFFFFFF  }
0xad: {  	[dreg:$0x0] =	wrdreg $0x60  }
0xae: {  	[dreg:$0x2] =	wrdreg s24  }
0xaf: {  	[dreg:$0x3] =	wrdreg $0xAC000  }
0xb0: {  	[dreg:$0x4] =	wrdreg $0xA  }
0xb1: {  	_ =	task.clear_ibuf [dreg:s6], $0x5FFFF;
	_ =	strace $0x90000046  }
0xb2: {  	s29 =	simm.s32 $0xA;
	_ =	strace $0x80000048  }
0xb3: {  	_ =	swait.ge [sflag:s29], $0x1  }
0xb4: {  	[sflag:s29] =	ssyncadd.s32 $0xFFFFFFFF  }
0xb5: {  	_ =	strace $0x90000048  }
0xb6: {  	_ =	sfence  }
0xb7: {  	s30 =	sld [smem:$0x0];
	_ =	sdelay $0x2  }
0xb8: {  	s31 =	sshll.u32 s1, $0xD;
	s1 =	sshrl.u32 s1, $0x2  }
0xb9: {  	s3 =	sand.u32 $0x4000, s31;
	s1 =	sadd.s32 s1, s30  }
0xba: {  	s0 =	sor.u32 s3, s0;
	s1 =	sshll.u32 s1, $0x11  }
0xbb: {  	s0 =	sor.u32 s1, s0  }
0xbc: {  	s0 =	sadd.s32 $0x8F2B, s0  }
0xbd: {  	[sflag:s0] =	ssyncadd.remote.s32 $0x1  }
0xbe: {  	_ =	sfence.sel $0xFFFF  }
0xbf: {  	[dreg:$0x0] =	wrdreg $0xFFFFFFFF;
	(pc) =	sbr.abs _section_cstart, $3  }
0xc0: {  	[dreg:$0x1] =	wrdreg $0xFFFFFFFF  }
0xc1: {  	_ =	task.clear_ibuf [dreg:s6], $0x2FFFF;
	_ =	strace $0x9FFFFFFF  }
0xc2: {  	(tm) =	ssettm $0x7FFFFFFF  }
0xc3: {  	_ =	shalt  }
tec
execute0_lowered:
.L_overlay_start_1:
0x0: {  	(tag) =	ssettag $0x1  }
0x1: {  	s0 =	rddreg [dreg:$0x0]  }
0x2: {  	s2 =	rddreg [dreg:$0x1]  }
0x3: {  	s1 =	srdreg.scid;
	s9 =	stileid.u32;
	s3 =	simm.s32 $0x0  }
0x4: {  	s19 =	simm.s32 $0x2C00;
	s20 =	simm.s32 $0x3;
	s28 =	simm.s32 $0x2900  }
0x5: {  	s29 =	simm.s32 $0x2980;
	s30 =	simm.s32 $0x2A00;
	s5 =	smul.u32 $0x500, s9  }
0x6: {  	s31 =	simm.s32 $0x2A80;
	s1 =	sand.u32 $0x1, s1;
	s7 =	smul.u32 $0x280, s9  }
0x7: {  	[smem:$0x7FF] =	sst s3;
	s4 =	sadd.s32 $0x12A00, s0;
	s21 =	smul.u32 $0x50000, s9  }
0x8: {  	s22 =	sadd.s32 $0x62A00, s0;
	s6 =	smul.u32 $0x5000, s1;
	_ =	strace $0x80000047  }
0x9: {  	s8 =	smul.u32 $0x2800, s1;
	[dreg:$0x3] =	wrdreg s22;
	s1 =	ssub.s32 $0x2, s1  }
0xa: {  	s22 =	simm.s32 $0x6C00;
	s23 =	sshrl.u32 s1, $0x1;
	s6 =	sadd.s32 s5, s6  }
0xb: {  	s5 =	sadd.s32 s5, s0;
	s7 =	sadd.s32 s7, s8;
	s1 =	ssub.s32 s1, s23  }
0xc: {  	s23 =	simm.s32 $0x2800;
	s11 =	sadd.s32 s6, s0;
	s7 =	sshll.u32 s7, $0x4  }
0xd: {  	s6 =	sshrl.u32 s21, $0x2;
	s17 =	smax.u32 s1, $0x1;
	s12 =	sadd.s32 $0x3A00, s5  }
0xe: {  	s21 =	simm.s32 $0x80;
	s1 =	simm.s32 $0x2B80;
	s5 =	simm.s32 $0x0  }
0xf: {  	s0 =	sadd.s32 s7, s0;
	s6 =	sadd.s32 s6, s2;
	s11 =	sadd.s32 $0x8A00, s11  }
0x10: {  	s7 =	sadd.s32 $0x4000, s6;
	s8 =	sadd.s32 $0x8000, s6;
	s9 =	sadd.s32 $0xC000, s6  }
.Ltmp0:
0x11: {  	[dreg:$0x4] =	wrdreg s11;
	s24 =	sadd.s32 $0x63200, s0;
	(pc) =	sbr.rel .LBB2_1-.Ltmp0, $4  }
0x12: {  	s10 =	sadd.s32 $0x10000, s6;
	s25 =	sadd.s32 $0x63A00, s0;
	[dreg:$0x5] =	wrdreg s24  }
0x13: {  	s26 =	sadd.s32 $0x64200, s0;
	s15 =	sadd.s32 $0x64A00, s0;
	[dreg:$0x6] =	wrdreg s25  }
0x14: {  	s16 =	sadd.s32 $0x65200, s0;
	s0 =	simm.s32 $0x2B00;
	[dreg:$0x7] =	wrdreg s26  }
0x15: {  	s24 =	simm.s32 $0x1;
	s25 =	simm.s32 $0x2;
	s26 =	simm.s32 $0x2880  }
.LBB2_4:
0x16: {  	_ =	swait.ge [sflag:s25], $0x4000  }
0x17: {  	[sflag:s25] =	ssyncset.done $0x0  }
0x18: {  	[sflag:s25] =	ssyncadd.s32 $0xFFFFC000  }
0x19: {  	[spmem:s2] =	stream.indirect.scatter.add.f32 [tilespmem:s22], [sflag:$0x3], $0x80, s1, s21, $0xb8;
	[tilespmem:$0x1EC00] =	vst v63  }
0x1a: {  	_ =	swait.ge [sflag:s20], $0x4000  }
0x1b: {  	[sflag:s20] =	ssyncset.done $0x0  }
0x1c: {  	[sflag:s20] =	ssyncadd.s32 $0xFFFFC000  }
0x1d: {  	[bflag:$0x0] =	sbarrier.arrive $0xFFFF  }
0x1e: {  	[tilespmem:s19], [sflag:$0x3] =	stream.linear.gather [spmem:s6], $0x4000, $0x38;
	[tilespmem:$0x1EC00] =	vst v63  }
0x1f: {  	_ =	swait.ge [sflag:s20], $0x4000  }
0x20: {  	[sflag:s20] =	ssyncset.done $0x0  }
0x21: {  	s11 =	rddreg [dreg:$0x5];
	[sflag:s20] =	ssyncadd.s32 $0xFFFFC000  }
0x22: {  	[hbm4b:s11+s3] =	stream.linear.scatter [tilespmem:s19], [sflag:$0x3], $0x4000, $0x38;
	[tilespmem:$0x1EC00] =	vst v63  }
0x23: {  	_ =	swait.ge [sflag:s20], $0x4000  }
0x24: {  	[sflag:s20] =	ssyncset.done $0x0  }
0x25: {  	[sflag:s20] =	ssyncadd.s32 $0xFFFFC000  }
0x26: {  	[tilespmem:s19], [sflag:$0x3] =	stream.linear.gather [spmem:s7], $0x4000, $0x38;
	[tilespmem:$0x1EC00] =	vst v63  }
0x27: {  	_ =	swait.ge [sflag:s20], $0x4000  }
0x28: {  	[sflag:s20] =	ssyncset.done $0x0  }
0x29: {  	s14 =	rddreg [dreg:$0x6];
	[sflag:s20] =	ssyncadd.s32 $0xFFFFC000  }
0x2a: {  	[hbm4b:s14+s3] =	stream.linear.scatter [tilespmem:s19], [sflag:$0x3], $0x4000, $0x38;
	[tilespmem:$0x1EC00] =	vst v63  }
0x2b: {  	_ =	swait.ge [sflag:s20], $0x4000  }
0x2c: {  	[sflag:s20] =	ssyncset.done $0x0  }
0x2d: {  	[sflag:s20] =	ssyncadd.s32 $0xFFFFC000  }
0x2e: {  	[tilespmem:s19], [sflag:$0x3] =	stream.linear.gather [spmem:s8], $0x4000, $0x38;
	[tilespmem:$0x1EC00] =	vst v63  }
0x2f: {  	_ =	swait.ge [sflag:s20], $0x4000  }
0x30: {  	[sflag:s20] =	ssyncset.done $0x0  }
0x31: {  	s18 =	rddreg [dreg:$0x7];
	[sflag:s20] =	ssyncadd.s32 $0xFFFFC000  }
0x32: {  	[hbm4b:s18+s3] =	stream.linear.scatter [tilespmem:s19], [sflag:$0x3], $0x4000, $0x38;
	[tilespmem:$0x1EC00] =	vst v63  }
0x33: {  	_ =	swait.ge [sflag:s20], $0x4000  }
0x34: {  	[sflag:s20] =	ssyncset.done $0x0  }
0x35: {  	[sflag:s20] =	ssyncadd.s32 $0xFFFFC000  }
0x36: {  	[tilespmem:s19], [sflag:$0x3] =	stream.linear.gather [spmem:s9], $0x4000, $0x38;
	[tilespmem:$0x1EC00] =	vst v63  }
0x37: {  	_ =	swait.ge [sflag:s20], $0x4000  }
0x38: {  	[sflag:s20] =	ssyncset.done $0x0  }
0x39: {  	[sflag:s20] =	ssyncadd.s32 $0xFFFFC000  }
0x3a: {  	[hbm4b:s15+s3] =	stream.linear.scatter [tilespmem:s19], [sflag:$0x3], $0x4000, $0x38;
	[tilespmem:$0x1EC00] =	vst v63  }
0x3b: {  	_ =	swait.ge [sflag:s20], $0x4000  }
0x3c: {  	[sflag:s20] =	ssyncset.done $0x0  }
0x3d: {  	[sflag:s20] =	ssyncadd.s32 $0xFFFFC000  }
0x3e: {  	[tilespmem:s19], [sflag:$0x3] =	stream.linear.gather [spmem:s10], $0x4000, $0x38;
	[tilespmem:$0x1EC00] =	vst v63  }
0x3f: {  	s5 =	sadd.s32 $0x1, s5;
	_ =	swait.ge [sflag:s20], $0x4000  }
0x40: {  	p0 =	sne.s32 s5, s17;
	[sflag:s20] =	ssyncset.done $0x0  }
.Ltmp1:
0x41: {  	[sflag:s20] =	ssyncadd.s32 $0xFFFFC000;
	(pc) =	sbr.rel @!p0 .LBB2_5-.Ltmp1, $4  }
0x42: {  	[hbm4b:s16+s3] =	stream.linear.scatter [tilespmem:s19], [sflag:$0x3], $0x4000, $0x38;
	[tilespmem:$0x1EC00] =	vst v63  }
0x43: {  	_ =	swait.ge [sflag:s20], $0x4000  }
0x44: {  	[sflag:s20] =	ssyncset.done $0x0  }
0x45: {  	[sflag:s20] =	ssyncadd.s32 $0xFFFFC000  }
.LBB2_1:
0x46: {  	s11 =	rddreg [dreg:$0x3]  }
0x47: {  	[tilespmem:s19], [sflag:$0x3] =	stream.linear.gather [hbm4b:s11+s3], $0x4000, $0x38;
	[tilespmem:$0x1EC00] =	vst v63  }
0x48: {  	_ =	swait.ge [sflag:s20], $0x4000  }
0x49: {  	[sflag:s20] =	ssyncset.done $0x0  }
0x4a: {  	[sflag:s20] =	ssyncadd.s32 $0xFFFFC000  }
0x4b: {  	[spmem:s6] =	stream.linear.scatter [tilespmem:s19], [sflag:$0x3], $0x4000, $0x38;
	[tilespmem:$0x1EC00] =	vst v63  }
0x4c: {  	_ =	swait.ge [sflag:s20], $0x4000  }
0x4d: {  	[sflag:s20] =	ssyncset.done $0x0  }
0x4e: {  	[sflag:s20] =	ssyncadd.s32 $0xFFFFC000  }
0x4f: {  	[spmem:s7] =	stream.linear.scatter [tilespmem:s19], [sflag:$0x3], $0x4000, $0x38;
	[tilespmem:$0x1EC00] =	vst v63  }
0x50: {  	_ =	swait.ge [sflag:s20], $0x4000  }
0x51: {  	[sflag:s20] =	ssyncset.done $0x0  }
0x52: {  	[sflag:s20] =	ssyncadd.s32 $0xFFFFC000  }
0x53: {  	[spmem:s8] =	stream.linear.scatter [tilespmem:s19], [sflag:$0x3], $0x4000, $0x38;
	[tilespmem:$0x1EC00] =	vst v63  }
0x54: {  	_ =	swait.ge [sflag:s20], $0x4000  }
0x55: {  	[sflag:s20] =	ssyncset.done $0x0  }
0x56: {  	[sflag:s20] =	ssyncadd.s32 $0xFFFFC000  }
0x57: {  	[spmem:s9] =	stream.linear.scatter [tilespmem:s19], [sflag:$0x3], $0x4000, $0x38;
	[tilespmem:$0x1EC00] =	vst v63  }
0x58: {  	_ =	swait.ge [sflag:s20], $0x4000  }
0x59: {  	[sflag:s20] =	ssyncset.done $0x0  }
0x5a: {  	[sflag:s20] =	ssyncadd.s32 $0xFFFFC000  }
0x5b: {  	[spmem:s10] =	stream.linear.scatter [tilespmem:s19], [sflag:$0x3], $0x4000, $0x38;
	[tilespmem:$0x1EC00] =	vst v63  }
0x5c: {  	_ =	swait.ge [sflag:s20], $0x4000  }
0x5d: {  	[sflag:s20] =	ssyncset.done $0x0  }
0x5e: {  	[sflag:s20] =	ssyncadd.s32 $0xFFFFC000  }
0x5f: {  	[bflag:$0x0] =	sbarrier.arrive $0xFFFF  }
0x60: {  	s18 =	rddreg [dreg:$0x4]  }
0x61: {  	[tilespmem:s3], [sflag:$0x3] =	stream.linear.gather [hbm4b:s18+s3], $0x2800, $0x38;
	[tilespmem:$0x1EC00] =	vst v63  }
0x62: {  	_ =	swait.ge [sflag:s20], $0x2800  }
0x63: {  	[sflag:s20] =	ssyncset.done $0x0  }
0x64: {  	[sflag:s20] =	ssyncadd.s32 $0xFFFFD800  }
0x65: {  	[tilespmem:s19], [sflag:$0x1] =	stream.indirect.gather [hbm4b:s4+s21], $0x80, s3, s21, $0xb8;
	[tilespmem:$0x1EC00] =	vst v63  }
0x66: {  	s11 =	simm.s32 $0x0;
	s18 =	smov.u32 s12  }
0x67: {  	[tilespmem:s22], [sflag:$0x2] =	stream.indirect.gather [hbm4b:s4+s21], $0x80, s21, s21, $0xb8;
	[tilespmem:$0x1EC00] =	vst v63  }
.LBB2_2:
0x68: {  	[tilespmem:s23], [sflag:$0x3] =	stream.linear.gather [hbm4b:s18+s3], $0x400, $0x38;
	[tilespmem:$0x1EC00] =	vst v63  }
0x69: {  	_ =	swait.ge [sflag:s20], $0x400  }
0x6a: {  	[sflag:s20] =	ssyncset.done $0x0  }
0x6b: {  	[sflag:s20] =	ssyncadd.s32 $0xFFFFFC00  }
0x6c: {  	_ =	swait.ge [sflag:s24], $0x4000  }
0x6d: {  	[sflag:s24] =	ssyncset.done $0x0  }
0x6e: {  	[sflag:s24] =	ssyncadd.s32 $0xFFFFC000  }
0x6f: {  	[spmem:s2] =	stream.indirect.scatter.add.f32 [tilespmem:s19], [sflag:$0x3], $0x80, s23, s21, $0xb8;
	[tilespmem:$0x1EC00] =	vst v63  }
0x70: {  	_ =	swait.ge [sflag:s20], $0x4000  }
0x71: {  	s13 =	sshra.s32 s11, $0x2;
	[sflag:s20] =	ssyncset.done $0x0  }
0x72: {  	s14 =	sadd.s32 $0x100, s13;
	[sflag:s20] =	ssyncadd.s32 $0xFFFFC000  }
0x73: {  	[tilespmem:s19], [sflag:$0x1] =	stream.indirect.gather [hbm4b:s4+s21], $0x80, s14, s21, $0xb8;
	[tilespmem:$0x1EC00] =	vst v63  }
0x74: {  	_ =	swait.ge [sflag:s25], $0x4000  }
0x75: {  	[sflag:s25] =	ssyncset.done $0x0  }
0x76: {  	[sflag:s25] =	ssyncadd.s32 $0xFFFFC000  }
0x77: {  	[spmem:s2] =	stream.indirect.scatter.add.f32 [tilespmem:s22], [sflag:$0x3], $0x80, s26, s21, $0xb8;
	[tilespmem:$0x1EC00] =	vst v63  }
0x78: {  	_ =	swait.ge [sflag:s20], $0x4000  }
0x79: {  	[sflag:s20] =	ssyncset.done $0x0  }
0x7a: {  	s14 =	sadd.s32 $0x180, s13;
	[sflag:s20] =	ssyncadd.s32 $0xFFFFC000  }
0x7b: {  	[tilespmem:s22], [sflag:$0x2] =	stream.indirect.gather [hbm4b:s4+s21], $0x80, s14, s21, $0xb8;
	[tilespmem:$0x1EC00] =	vst v63  }
0x7c: {  	_ =	swait.ge [sflag:s24], $0x4000  }
0x7d: {  	[sflag:s24] =	ssyncset.done $0x0  }
0x7e: {  	[sflag:s24] =	ssyncadd.s32 $0xFFFFC000  }
0x7f: {  	[spmem:s2] =	stream.indirect.scatter.add.f32 [tilespmem:s19], [sflag:$0x3], $0x80, s28, s21, $0xb8;
	[tilespmem:$0x1EC00] =	vst v63  }
0x80: {  	_ =	swait.ge [sflag:s20], $0x4000  }
0x81: {  	[sflag:s20] =	ssyncset.done $0x0  }
0x82: {  	s14 =	sadd.s32 $0x200, s13;
	[sflag:s20] =	ssyncadd.s32 $0xFFFFC000  }
0x83: {  	[tilespmem:s19], [sflag:$0x1] =	stream.indirect.gather [hbm4b:s4+s21], $0x80, s14, s21, $0xb8;
	[tilespmem:$0x1EC00] =	vst v63  }
0x84: {  	_ =	swait.ge [sflag:s25], $0x4000  }
0x85: {  	[sflag:s25] =	ssyncset.done $0x0  }
0x86: {  	[sflag:s25] =	ssyncadd.s32 $0xFFFFC000  }
0x87: {  	[spmem:s2] =	stream.indirect.scatter.add.f32 [tilespmem:s22], [sflag:$0x3], $0x80, s29, s21, $0xb8;
	[tilespmem:$0x1EC00] =	vst v63  }
0x88: {  	_ =	swait.ge [sflag:s20], $0x4000  }
0x89: {  	[sflag:s20] =	ssyncset.done $0x0  }
0x8a: {  	s14 =	sadd.s32 $0x280, s13;
	[sflag:s20] =	ssyncadd.s32 $0xFFFFC000  }
0x8b: {  	[tilespmem:s22], [sflag:$0x2] =	stream.indirect.gather [hbm4b:s4+s21], $0x80, s14, s21, $0xb8;
	[tilespmem:$0x1EC00] =	vst v63  }
0x8c: {  	_ =	swait.ge [sflag:s24], $0x4000  }
0x8d: {  	[sflag:s24] =	ssyncset.done $0x0  }
0x8e: {  	[sflag:s24] =	ssyncadd.s32 $0xFFFFC000  }
0x8f: {  	[spmem:s2] =	stream.indirect.scatter.add.f32 [tilespmem:s19], [sflag:$0x3], $0x80, s30, s21, $0xb8;
	[tilespmem:$0x1EC00] =	vst v63  }
0x90: {  	_ =	swait.ge [sflag:s20], $0x4000  }
0x91: {  	[sflag:s20] =	ssyncset.done $0x0  }
0x92: {  	s14 =	sadd.s32 $0x300, s13;
	[sflag:s20] =	ssyncadd.s32 $0xFFFFC000  }
0x93: {  	[tilespmem:s19], [sflag:$0x1] =	stream.indirect.gather [hbm4b:s4+s21], $0x80, s14, s21, $0xb8;
	[tilespmem:$0x1EC00] =	vst v63  }
0x94: {  	_ =	swait.ge [sflag:s25], $0x4000  }
0x95: {  	[sflag:s25] =	ssyncset.done $0x0  }
0x96: {  	[sflag:s25] =	ssyncadd.s32 $0xFFFFC000  }
0x97: {  	[spmem:s2] =	stream.indirect.scatter.add.f32 [tilespmem:s22], [sflag:$0x3], $0x80, s31, s21, $0xb8;
	[tilespmem:$0x1EC00] =	vst v63  }
0x98: {  	_ =	swait.ge [sflag:s20], $0x4000  }
0x99: {  	[sflag:s20] =	ssyncset.done $0x0  }
0x9a: {  	s14 =	sadd.s32 $0x380, s13;
	[sflag:s20] =	ssyncadd.s32 $0xFFFFC000  }
0x9b: {  	[tilespmem:s22], [sflag:$0x2] =	stream.indirect.gather [hbm4b:s4+s21], $0x80, s14, s21, $0xb8;
	[tilespmem:$0x1EC00] =	vst v63  }
0x9c: {  	_ =	swait.ge [sflag:s24], $0x4000  }
0x9d: {  	p0 =	seq.s32 s11, $0x9000;
	[sflag:s24] =	ssyncset.done $0x0  }
.Ltmp2:
0x9e: {  	[sflag:s24] =	ssyncadd.s32 $0xFFFFC000;
	(pc) =	sbr.rel @p0 .LBB2_4-.Ltmp2, $4  }
0x9f: {  	[spmem:s2] =	stream.indirect.scatter.add.f32 [tilespmem:s19], [sflag:$0x3], $0x80, s0, s21, $0xb8;
	[tilespmem:$0x1EC00] =	vst v63  }
0xa0: {  	_ =	swait.ge [sflag:s20], $0x4000  }
0xa1: {  	[sflag:s20] =	ssyncset.done $0x0  }
0xa2: {  	[sflag:s20] =	ssyncadd.s32 $0xFFFFC000  }
0xa3: {  	s14 =	sadd.s32 $0x400, s13  }
0xa4: {  	[tilespmem:s19], [sflag:$0x1] =	stream.indirect.gather [hbm4b:s4+s21], $0x80, s14, s21, $0xb8;
	[tilespmem:$0x1EC00] =	vst v63  }
0xa5: {  	_ =	swait.ge [sflag:s25], $0x4000  }
0xa6: {  	[sflag:s25] =	ssyncset.done $0x0  }
0xa7: {  	[sflag:s25] =	ssyncadd.s32 $0xFFFFC000  }
0xa8: {  	[spmem:s2] =	stream.indirect.scatter.add.f32 [tilespmem:s22], [sflag:$0x3], $0x80, s1, s21, $0xb8;
	[tilespmem:$0x1EC00] =	vst v63  }
.Ltmp3:
0xa9: {  	_ = 	snop;
	(pc) =	sbr.rel .LBB2_2-.Ltmp3, $4  }
0xaa: {  	_ =	swait.ge [sflag:s20], $0x4000  }
0xab: {  	s18 =	sadd.s32 $0x80, s18;
	[sflag:s20] =	ssyncset.done $0x0  }
0xac: {  	s11 =	sadd.s32 $0x1000, s11;
	s14 =	sadd.s32 $0x480, s13;
	[sflag:s20] =	ssyncadd.s32 $0xFFFFC000  }
0xad: {  	[tilespmem:s22], [sflag:$0x2] =	stream.indirect.gather [hbm4b:s4+s21], $0x80, s14, s21, $0xb8;
	[tilespmem:$0x1EC00] =	vst v63  }
.LBB2_5:
0xae: {  	_ =	sfence.sel $0x180000  }
0xaf: {  	[bflag:$0x0] =	sbarrier.arrive $0xFFFF  }
0xb0: {  	_ =	strace $0x90000047  }
0xb1: {  	s0 =	stileid.u32;
	[bflag:$0x2] =	sbarrier.arrive $0xFFFF  }
0xb2: {  	p0 =	sne.s32 s0, $0x0;
	s0 =	rddreg [dreg:$0x2]  }
0xb3: {  	s0 =	sadd.s32 @!p0 $0x100000, s0  }
0xb4: {  	[sflag:s0] =	ssyncadd.tile.s32 @!p0 $0x1;
	_ =	shalt  }
.Lfunc_end2:
_tile_overlayer_lowered:
.L_overlay_start_2:
0xb5: {  	(tag) =	ssettag $0x2  }
0xb6: {  	s0 =	rddreg [dreg:$0x0];
	s2 =	stileid.u32  }
0xb7: {  	s1 =	rddreg [dreg:$0x1];
	p0 =	sne.s32 s2, $0x0  }
0xb8: {  	s3 =	rddreg [dreg:$0x2];
	[bflag:$0x3] =	sbarrier.arrive $0xFFFF;
	s2 =	simm.s32 @!p0 $0x1C03  }
0xb9: {  	[timem:s3], [sflag:s2] =	dma.local @!p0 [hbm:s0], s1  }
0xba: {  	s0 =	simm.s32 @!p0 $0x3  }
0xbb: {  	_ =	swait.ge @!p0 [sflag:s0], s1  }
0xbc: {  	s1 =	ssub.s32 @!p0 $0x0, s1;
	[sflag:s0] =	ssyncset.done @!p0 $0x0  }
0xbd: {  	[sflag:s0] =	ssyncadd.s32 @!p0 s1  }
0xbe: {  	[bflag:$0x3] =	sbarrier.arrive $0xFFFF  }
0xbf: {  	_ =	shalt  }

// kernel: kernel.13.cloned.1.call-start
scs
__scs_entry_jumppad:
0x0: {  	(pc) =	sbr.rel $0x88, $3  }
0x1: {  	(tag) =	ssettag $0x0;
	lr =	simm.s32 $0x1  }
0x2: {  	[smem:$0x3F92] =	sst lr;
	_ =	strace $0xD0000000  }
0x3: {  	_ = 	snop  }
0x4: {  	_ = 	snop  }
0x5: {  	_ = 	snop  }
0x6: {  	_ = 	snop  }
0x7: {  	_ = 	snop  }
__scs_overlays_trampoline_lowered:
0x8: {  	[smem:$0x3FA1] =	sst s0  }
0x9: {  	[smem:$0x3FA2] =	sst s1  }
0xa: {  	[smem:$0x3FA3] =	sst s2  }
0xb: {  	[smem:$0x3FA4] =	sst s3  }
0xc: {  	[smem:$0x3FA5] =	sst s4  }
0xd: {  	[smem:$0x3FA6] =	sst s5  }
0xe: {  	[smem:$0x3FA7] =	sst s6  }
0xf: {  	[smem:$0x3FA8] =	sst s7  }
0x10: {  	[smem:$0x3FA9] =	sst s8  }
0x11: {  	[smem:$0x3FAA] =	sst s9;
	s0 =	simm.s32 @!p0 $0x0  }
0x12: {  	s1 =	sld [smem:$0x3F90];
	s0 =	simm.s32 @p0 $0x1  }
0x13: {  	[smem:$0x3FAB] =	sst s0;
	s0 =	simm.s32 @!p1 $0x0  }
0x14: {  	s2 =	sld [smem:$0x3F8F];
	s0 =	simm.s32 @p1 $0x1  }
0x15: {  	[smem:$0x3FAC] =	sst s0;
	s0 =	simm.s32 @!p2 $0x0  }
0x16: {  	s3 =	sld [smem:$0x3FDB];
	s0 =	simm.s32 @p2 $0x1  }
0x17: {  	s4 =	simm.s32 $0x1BF5;
	[smem:$0x3FAE] =	sst s0  }
0x18: {  	s0 =	sld [smem:$0x3F91];
	_ =	swait.ge [sflag:s4], $0x0  }
0x19: {  	s7 =	sld [smem:$0x3F92]  }
0x1a: {  	s8 =	sadd.s32 $0xFFFFE003, lr  }
0x1b: {  	s9 =	sadd.s32 $0xFFFFFEF7, lr;
	s5 =	simm.s32 $0xFFFFFFFF;
	p2 =	slt.u32 s8, $0xFFFFF086  }
0x1c: {  	p1 =	slt.u32 s9, $0xF7A;
	s5 =	simm.s32 @!p2 $0x0  }
0x1d: {  	s5 =	simm.s32 @p1 $0x1;
	p0 =	seq.s32 s7, s2  }
0x1e: {  	s7 =	smul.u32 @!p0 $0xF7A, s2;
	p2 =	seq.s32 @!p0 s5, $0x0  }
0x1f: {  	s9 =	smul.u32 $0xF7A, s1;
	s8 =	simm.s32 @!p0 $0x1BF5;
	p2 =	por !p2, p0  }
0x20: {  	[sflag:s8] =	ssyncset.s32 @!p0 $0xFFFFF086;
	s6 =	sadd.s32 @!p0 s3, s7;
	s7 =	simm.s32 @!p0 $0x108  }
0x21: {  	s3 =	sadd.s32 s3, s9;
	s6 =	sadd.s32 @!p0 $0x88, s6;
	s7 =	simm.s32 @p2 $0x1082  }
0x22: {  	[simem:s7], [sflag:s8] =	dma.local @!p0 [hbm:s6], $0xF7A  }
0x23: {  	s9 =	sor.u32 $0xD0000000, s2;
	s6 =	simm.s32 $0x108;
	_ =	swait.ge @!p0 [sflag:s8], $0x0  }
0x24: {  	s3 =	sadd.s32 $0x88, s3;
	s6 =	simm.s32 @!p1 $0x1082;
	[sflag:s4] =	ssyncset.s32 $0xFFFFF086  }
0x25: {  	[simem:s6], [sflag:s4] =	dma.local [hbm:s3], $0xF7A  }
0x26: {  	[smem:$0x3F92] =	sst s1;
	(tag) =	ssettag s2;
	_ =	strace s9  }
0x27: {  	s1 =	sld [smem:$0x3FA2]  }
0x28: {  	s2 =	sld [smem:$0x3FA3]  }
0x29: {  	s4 =	sld [smem:$0x3FA5]  }
0x2a: {  	p0 =	seq.s32 s5, $0x0;
	s5 =	sld [smem:$0x3FA6]  }
0x2b: {  	s6 =	sld [smem:$0x3FA7]  }
0x2c: {  	s7 =	sld [smem:$0x3FA8]  }
0x2d: {  	s3 =	simm.s32 $0x108;
	s8 =	sld [smem:$0x3FA9]  }
0x2e: {  	s3 =	simm.s32 @!p0 $0x1082;
	s9 =	sld [smem:$0x3FAA]  }
0x2f: {  	lr =	sadd.s32 s0, s3;
	s0 =	sld [smem:$0x3FA1]  }
0x30: {  	s3 =	sld [smem:$0x3FA4]  }
0x31: {  	[smem:$0x3FAD] =	sst s10  }
0x32: {  	s10 =	sld [smem:$0x3FAB];
	_ =	sdelay $0x3  }
0x33: {  	p0 =	seq.s32 s10, $0x1;
	s10 =	sld [smem:$0x3FAD];
	_ =	sdelay $0x3  }
0x34: {  	[smem:$0x3FAD] =	sst s10  }
0x35: {  	s10 =	sld [smem:$0x3FAC];
	_ =	sdelay $0x3  }
0x36: {  	p1 =	seq.s32 s10, $0x1;
	s10 =	sld [smem:$0x3FAD];
	_ =	sdelay $0x3  }
0x37: {  	[smem:$0x3FAD] =	sst s10  }
0x38: {  	s10 =	sld [smem:$0x3FAE]  }
0x39: {  	_ = 	snop;
	(pc) =	sbr.ind lr, $3  }
0x3a: {  	_ = 	snop  }
0x3b: {  	_ = 	snop  }
0x3c: {  	p2 =	seq.s32 s10, $0x1;
	s10 =	sld [smem:$0x3FAD]  }
0x3d: {  	_ =	shalt  }
0x3e: {  	_ =	shalt  }
0x3f: {  	_ =	shalt  }
0x40: {  	_ =	shalt  }
0x41: {  	_ =	shalt  }
0x42: {  	_ =	shalt  }
0x43: {  	_ =	shalt  }
0x44: {  	_ =	shalt  }
0x45: {  	_ =	shalt  }
0x46: {  	_ =	shalt  }
0x47: {  	_ =	shalt  }
0x48: {  	_ =	shalt  }
0x49: {  	_ =	shalt  }
0x4a: {  	_ =	shalt  }
0x4b: {  	_ =	shalt  }
0x4c: {  	_ =	shalt  }
0x4d: {  	_ =	shalt  }
0x4e: {  	_ =	shalt  }
0x4f: {  	_ =	shalt  }
0x50: {  	_ =	shalt  }
0x51: {  	_ =	shalt  }
0x52: {  	_ =	shalt  }
0x53: {  	_ =	shalt  }
0x54: {  	_ =	shalt  }
0x55: {  	_ =	shalt  }
0x56: {  	_ =	shalt  }
0x57: {  	_ =	shalt  }
0x58: {  	_ =	shalt  }
0x59: {  	_ =	shalt  }
0x5a: {  	_ =	shalt  }
0x5b: {  	_ =	shalt  }
0x5c: {  	_ =	shalt  }
0x5d: {  	_ =	shalt  }
0x5e: {  	_ =	shalt  }
0x5f: {  	_ =	shalt  }
0x60: {  	_ =	shalt  }
0x61: {  	_ =	shalt  }
0x62: {  	_ =	shalt  }
0x63: {  	_ =	shalt  }
0x64: {  	_ =	shalt  }
0x65: {  	_ =	shalt  }
0x66: {  	_ =	shalt  }
0x67: {  	_ =	shalt  }
0x68: {  	_ =	shalt  }
0x69: {  	_ =	shalt  }
0x6a: {  	_ =	shalt  }
0x6b: {  	_ =	shalt  }
0x6c: {  	_ =	shalt  }
0x6d: {  	_ =	shalt  }
0x6e: {  	_ =	shalt  }
0x6f: {  	_ =	shalt  }
0x70: {  	_ =	shalt  }
0x71: {  	_ =	shalt  }
0x72: {  	_ =	shalt  }
0x73: {  	_ =	shalt  }
0x74: {  	_ =	shalt  }
0x75: {  	_ =	shalt  }
0x76: {  	_ =	shalt  }
0x77: {  	_ =	shalt  }
0x78: {  	_ =	shalt  }
0x79: {  	_ =	shalt  }
0x7a: {  	_ =	shalt  }
0x7b: {  	_ =	shalt  }
0x7c: {  	_ =	shalt  }
0x7d: {  	_ =	shalt  }
0x7e: {  	_ =	shalt  }
0x7f: {  	_ =	shalt  }
0x80: {  	_ =	shalt  }
0x81: {  	_ =	shalt  }
0x82: {  	_ =	shalt  }
0x83: {  	_ =	shalt  }
0x84: {  	_ =	shalt  }
0x85: {  	_ =	shalt  }
0x86: {  	_ =	shalt  }
0x87: {  	_ =	shalt  }
.Lfunc_end0:
.L_simem_size_0:
called_computation.2_lowered:
.L_overlay_start_0:
0x88: {  	s2 =	sld [smem:$0x3FD9]  }
0x89: {  	s3 =	sld [smem:$0x3FFE];
	_ =	sdelay $0x1  }
0x8a: {  	s1 =	srdreg.scid  }
0x8b: {  	s0 =	sand.u32 $0x1, s1  }
0x8c: {  	s16 =	sshll.u32 s0, $0xA;
	s2 =	sadd.s32 s3, s2  }
0x8d: {  	s2 =	sadd.s32 s2, s16  }
0x8e: {  	[smem:$0x3FB9] =	sst s2  }
0x8f: {  	_ = 	snop  }
0x90: {  	(tm) =	ssettm $0x1  }
0x91: {  	s17 =	sld [smem:$0x3FFB];
	_ =	sdelay $0x3  }
0x92: {  	_ =	strace s17  }
0x93: {  	s2 =	sld [smem:$0x3FFC];
	_ =	sdelay $0x3  }
0x94: {  	_ =	strace s2  }
0x95: {  	s2 =	sld [smem:$0x3FFD];
	_ =	sdelay $0x3  }
0x96: {  	_ =	strace s2  }
0x97: {  	_ =	strace $0x8FFFFFFF  }
0x98: {  	s18 =	sld [smem:$0x3FDB];
	_ =	sdelay $0x1  }
0x99: {  	s19 =	simm.s32 $_scs_section_size  }
0x9a: {  	s4 =	simm.s32 $_size__tile_overlayer_lowered;
	s5 =	simm.s32 $_tile_overlayer_lowered  }
0x9b: {  	s22 =	simm.s32 $0x1BFF;
	s21 =	sshll.u32 s5, $0x1;
	s2 =	sadd.s32 s19, s18  }
0x9c: {  	s6 =	simm.s32 $0x0;
	s20 =	sshll.u32 s4, $0x1;
	s4 =	sadd.s32 s21, s2  }
0x9d: {  	[timem:s6], [sflag:s22] =	dma.local [hbm:s4], s20  }
0x9e: {  	_ =	swait.ge [sflag:s22], s20  }
0x9f: {  	s3 =	ssub.s32 $0x0, s20;
	[sflag:s22] =	ssyncset.done $0x0  }
0xa0: {  	[sflag:s22] =	ssyncadd.s32 s3;
	_ =	sdelay $0x1  }
0xa1: {  	s23 =	simm.s32 $0x1B8B  }
0xa2: {  	_ =	swait.ge [sflag:s23], $0x1  }
0xa3: {  	[sflag:s23] =	ssyncset.done $0x0  }
0xa4: {  	s25 =	simm.s32 $0x1B8E;
	s24 =	sld [smem:$0x3FFE];
	[sflag:s23] =	ssyncadd.s32 $0xFFFFFFFF  }
0xa5: {  	s26 =	simm.s32 $execute0_lowered;
	[smem:$0x3FD2] =	sst s25  }
0xa6: {  	s4 =	sshll.u32 s26, $0x1;
	_ =	strace $0x8000004C;
	[dreg:$0x1] =	wrdreg $0xFFFFFFFF  }
0xa7: {  	s28 =	simm.s32 $_size_execute0_lowered;
	s2 =	sadd.s32 s2, s4;
	[dreg:$0x0] =	wrdreg $0x0  }
0xa8: {  	s4 =	sshll.u32 s28, $0x1;
	[dreg:$0x2] =	wrdreg s2  }
0xa9: {  	[dreg:$0x3] =	wrdreg s4  }
0xaa: {  	[dreg:$0x4] =	wrdreg $0xC0  }
0xab: {  	_ =	task [dreg:s6], $0x5FFFF  }
0xac: {  	[dreg:$0x1] =	wrdreg $0xFFFFFFFF  }
0xad: {  	[dreg:$0x0] =	wrdreg $0x60  }
0xae: {  	[dreg:$0x2] =	wrdreg s24  }
0xaf: {  	[dreg:$0x3] =	wrdreg $0xAC000  }
0xb0: {  	[dreg:$0x4] =	wrdreg $0x9  }
0xb1: {  	_ =	task.clear_ibuf [dreg:s6], $0x5FFFF;
	_ =	strace $0x9000004C  }
0xb2: {  	s29 =	simm.s32 $0x9;
	_ =	strace $0x8000004E  }
0xb3: {  	_ =	swait.ge [sflag:s29], $0x1  }
0xb4: {  	[sflag:s29] =	ssyncadd.s32 $0xFFFFFFFF  }
0xb5: {  	_ =	strace $0x9000004E  }
0xb6: {  	_ =	sfence  }
0xb7: {  	s30 =	sld [smem:$0x0];
	_ =	sdelay $0x2  }
0xb8: {  	s31 =	sshll.u32 s1, $0xD;
	s1 =	sshrl.u32 s1, $0x2  }
0xb9: {  	s3 =	sand.u32 $0x4000, s31;
	s1 =	sadd.s32 s1, s30  }
0xba: {  	s0 =	sor.u32 s3, s0;
	s1 =	sshll.u32 s1, $0x11  }
0xbb: {  	s0 =	sor.u32 s1, s0  }
0xbc: {  	s0 =	sadd.s32 $0x8F2B, s0  }
0xbd: {  	[sflag:s0] =	ssyncadd.remote.s32 $0x1  }
0xbe: {  	_ =	sfence.sel $0xFFFF  }
0xbf: {  	[dreg:$0x0] =	wrdreg $0xFFFFFFFF;
	(pc) =	sbr.abs _section_cstart, $3  }
0xc0: {  	[dreg:$0x1] =	wrdreg $0xFFFFFFFF  }
0xc1: {  	_ =	task.clear_ibuf [dreg:s6], $0x2FFFF;
	_ =	strace $0x9FFFFFFF  }
0xc2: {  	(tm) =	ssettm $0x7FFFFFFF  }
0xc3: {  	_ =	shalt  }
tec
execute0_lowered:
.L_overlay_start_1:
0x0: {  	(tag) =	ssettag $0x1  }
0x1: {  	s0 =	rddreg [dreg:$0x0]  }
0x2: {  	s2 =	rddreg [dreg:$0x1]  }
0x3: {  	s1 =	srdreg.scid;
	s9 =	stileid.u32;
	s3 =	simm.s32 $0x0  }
0x4: {  	s19 =	simm.s32 $0x2C00;
	s20 =	simm.s32 $0x3;
	s28 =	simm.s32 $0x2900  }
0x5: {  	s29 =	simm.s32 $0x2980;
	s30 =	simm.s32 $0x2A00;
	s5 =	smul.u32 $0x500, s9  }
0x6: {  	s31 =	simm.s32 $0x2A80;
	s1 =	sand.u32 $0x1, s1;
	s7 =	smul.u32 $0x280, s9  }
0x7: {  	[smem:$0x7FF] =	sst s3;
	s4 =	sadd.s32 $0x12A00, s0;
	s21 =	smul.u32 $0x50000, s9  }
0x8: {  	s22 =	sadd.s32 $0x62A00, s0;
	s6 =	smul.u32 $0x5000, s1;
	_ =	strace $0x8000004D  }
0x9: {  	s8 =	smul.u32 $0x2800, s1;
	[dreg:$0x3] =	wrdreg s22;
	s1 =	ssub.s32 $0x2, s1  }
0xa: {  	s22 =	simm.s32 $0x6C00;
	s23 =	sshrl.u32 s1, $0x1;
	s6 =	sadd.s32 s5, s6  }
0xb: {  	s5 =	sadd.s32 s5, s0;
	s7 =	sadd.s32 s7, s8;
	s1 =	ssub.s32 s1, s23  }
0xc: {  	s23 =	simm.s32 $0x2800;
	s11 =	sadd.s32 s6, s0;
	s7 =	sshll.u32 s7, $0x4  }
0xd: {  	s6 =	sshrl.u32 s21, $0x2;
	s17 =	smax.u32 s1, $0x1;
	s12 =	sadd.s32 $0x3A00, s5  }
0xe: {  	s21 =	simm.s32 $0x80;
	s1 =	simm.s32 $0x2B80;
	s5 =	simm.s32 $0x0  }
0xf: {  	s0 =	sadd.s32 s7, s0;
	s6 =	sadd.s32 s6, s2;
	s11 =	sadd.s32 $0x8A00, s11  }
0x10: {  	s7 =	sadd.s32 $0x4000, s6;
	s8 =	sadd.s32 $0x8000, s6;
	s9 =	sadd.s32 $0xC000, s6  }
.Ltmp0:
0x11: {  	[dreg:$0x4] =	wrdreg s11;
	s24 =	sadd.s32 $0x63200, s0;
	(pc) =	sbr.rel .LBB2_1-.Ltmp0, $4  }
0x12: {  	s10 =	sadd.s32 $0x10000, s6;
	s25 =	sadd.s32 $0x63A00, s0;
	[dreg:$0x5] =	wrdreg s24  }
0x13: {  	s26 =	sadd.s32 $0x64200, s0;
	s15 =	sadd.s32 $0x64A00, s0;
	[dreg:$0x6] =	wrdreg s25  }
0x14: {  	s16 =	sadd.s32 $0x65200, s0;
	s0 =	simm.s32 $0x2B00;
	[dreg:$0x7] =	wrdreg s26  }
0x15: {  	s24 =	simm.s32 $0x1;
	s25 =	simm.s32 $0x2;
	s26 =	simm.s32 $0x2880  }
.LBB2_4:
0x16: {  	_ =	swait.ge [sflag:s25], $0x4000  }
0x17: {  	[sflag:s25] =	ssyncset.done $0x0  }
0x18: {  	[sflag:s25] =	ssyncadd.s32 $0xFFFFC000  }
0x19: {  	[spmem:s2] =	stream.indirect.scatter.add.f32 [tilespmem:s22], [sflag:$0x3], $0x80, s1, s21, $0xb8;
	[tilespmem:$0x1EC00] =	vst v63  }
0x1a: {  	_ =	swait.ge [sflag:s20], $0x4000  }
0x1b: {  	[sflag:s20] =	ssyncset.done $0x0  }
0x1c: {  	[sflag:s20] =	ssyncadd.s32 $0xFFFFC000  }
0x1d: {  	[bflag:$0x0] =	sbarrier.arrive $0xFFFF  }
0x1e: {  	[tilespmem:s19], [sflag:$0x3] =	stream.linear.gather [spmem:s6], $0x4000, $0x38;
	[tilespmem:$0x1EC00] =	vst v63  }
0x1f: {  	_ =	swait.ge [sflag:s20], $0x4000  }
0x20: {  	[sflag:s20] =	ssyncset.done $0x0  }
0x21: {  	s11 =	rddreg [dreg:$0x5];
	[sflag:s20] =	ssyncadd.s32 $0xFFFFC000  }
0x22: {  	[hbm4b:s11+s3] =	stream.linear.scatter [tilespmem:s19], [sflag:$0x3], $0x4000, $0x38;
	[tilespmem:$0x1EC00] =	vst v63  }
0x23: {  	_ =	swait.ge [sflag:s20], $0x4000  }
0x24: {  	[sflag:s20] =	ssyncset.done $0x0  }
0x25: {  	[sflag:s20] =	ssyncadd.s32 $0xFFFFC000  }
0x26: {  	[tilespmem:s19], [sflag:$0x3] =	stream.linear.gather [spmem:s7], $0x4000, $0x38;
	[tilespmem:$0x1EC00] =	vst v63  }
0x27: {  	_ =	swait.ge [sflag:s20], $0x4000  }
0x28: {  	[sflag:s20] =	ssyncset.done $0x0  }
0x29: {  	s14 =	rddreg [dreg:$0x6];
	[sflag:s20] =	ssyncadd.s32 $0xFFFFC000  }
0x2a: {  	[hbm4b:s14+s3] =	stream.linear.scatter [tilespmem:s19], [sflag:$0x3], $0x4000, $0x38;
	[tilespmem:$0x1EC00] =	vst v63  }
0x2b: {  	_ =	swait.ge [sflag:s20], $0x4000  }
0x2c: {  	[sflag:s20] =	ssyncset.done $0x0  }
0x2d: {  	[sflag:s20] =	ssyncadd.s32 $0xFFFFC000  }
0x2e: {  	[tilespmem:s19], [sflag:$0x3] =	stream.linear.gather [spmem:s8], $0x4000, $0x38;
	[tilespmem:$0x1EC00] =	vst v63  }
0x2f: {  	_ =	swait.ge [sflag:s20], $0x4000  }
0x30: {  	[sflag:s20] =	ssyncset.done $0x0  }
0x31: {  	s18 =	rddreg [dreg:$0x7];
	[sflag:s20] =	ssyncadd.s32 $0xFFFFC000  }
0x32: {  	[hbm4b:s18+s3] =	stream.linear.scatter [tilespmem:s19], [sflag:$0x3], $0x4000, $0x38;
	[tilespmem:$0x1EC00] =	vst v63  }
0x33: {  	_ =	swait.ge [sflag:s20], $0x4000  }
0x34: {  	[sflag:s20] =	ssyncset.done $0x0  }
0x35: {  	[sflag:s20] =	ssyncadd.s32 $0xFFFFC000  }
0x36: {  	[tilespmem:s19], [sflag:$0x3] =	stream.linear.gather [spmem:s9], $0x4000, $0x38;
	[tilespmem:$0x1EC00] =	vst v63  }
0x37: {  	_ =	swait.ge [sflag:s20], $0x4000  }
0x38: {  	[sflag:s20] =	ssyncset.done $0x0  }
0x39: {  	[sflag:s20] =	ssyncadd.s32 $0xFFFFC000  }
0x3a: {  	[hbm4b:s15+s3] =	stream.linear.scatter [tilespmem:s19], [sflag:$0x3], $0x4000, $0x38;
	[tilespmem:$0x1EC00] =	vst v63  }
0x3b: {  	_ =	swait.ge [sflag:s20], $0x4000  }
0x3c: {  	[sflag:s20] =	ssyncset.done $0x0  }
0x3d: {  	[sflag:s20] =	ssyncadd.s32 $0xFFFFC000  }
0x3e: {  	[tilespmem:s19], [sflag:$0x3] =	stream.linear.gather [spmem:s10], $0x4000, $0x38;
	[tilespmem:$0x1EC00] =	vst v63  }
0x3f: {  	s5 =	sadd.s32 $0x1, s5;
	_ =	swait.ge [sflag:s20], $0x4000  }
0x40: {  	p0 =	sne.s32 s5, s17;
	[sflag:s20] =	ssyncset.done $0x0  }
.Ltmp1:
0x41: {  	[sflag:s20] =	ssyncadd.s32 $0xFFFFC000;
	(pc) =	sbr.rel @!p0 .LBB2_5-.Ltmp1, $4  }
0x42: {  	[hbm4b:s16+s3] =	stream.linear.scatter [tilespmem:s19], [sflag:$0x3], $0x4000, $0x38;
	[tilespmem:$0x1EC00] =	vst v63  }
0x43: {  	_ =	swait.ge [sflag:s20], $0x4000  }
0x44: {  	[sflag:s20] =	ssyncset.done $0x0  }
0x45: {  	[sflag:s20] =	ssyncadd.s32 $0xFFFFC000  }
.LBB2_1:
0x46: {  	s11 =	rddreg [dreg:$0x3]  }
0x47: {  	[tilespmem:s19], [sflag:$0x3] =	stream.linear.gather [hbm4b:s11+s3], $0x4000, $0x38;
	[tilespmem:$0x1EC00] =	vst v63  }
0x48: {  	_ =	swait.ge [sflag:s20], $0x4000  }
0x49: {  	[sflag:s20] =	ssyncset.done $0x0  }
0x4a: {  	[sflag:s20] =	ssyncadd.s32 $0xFFFFC000  }
0x4b: {  	[spmem:s6] =	stream.linear.scatter [tilespmem:s19], [sflag:$0x3], $0x4000, $0x38;
	[tilespmem:$0x1EC00] =	vst v63  }
0x4c: {  	_ =	swait.ge [sflag:s20], $0x4000  }
0x4d: {  	[sflag:s20] =	ssyncset.done $0x0  }
0x4e: {  	[sflag:s20] =	ssyncadd.s32 $0xFFFFC000  }
0x4f: {  	[spmem:s7] =	stream.linear.scatter [tilespmem:s19], [sflag:$0x3], $0x4000, $0x38;
	[tilespmem:$0x1EC00] =	vst v63  }
0x50: {  	_ =	swait.ge [sflag:s20], $0x4000  }
0x51: {  	[sflag:s20] =	ssyncset.done $0x0  }
0x52: {  	[sflag:s20] =	ssyncadd.s32 $0xFFFFC000  }
0x53: {  	[spmem:s8] =	stream.linear.scatter [tilespmem:s19], [sflag:$0x3], $0x4000, $0x38;
	[tilespmem:$0x1EC00] =	vst v63  }
0x54: {  	_ =	swait.ge [sflag:s20], $0x4000  }
0x55: {  	[sflag:s20] =	ssyncset.done $0x0  }
0x56: {  	[sflag:s20] =	ssyncadd.s32 $0xFFFFC000  }
0x57: {  	[spmem:s9] =	stream.linear.scatter [tilespmem:s19], [sflag:$0x3], $0x4000, $0x38;
	[tilespmem:$0x1EC00] =	vst v63  }
0x58: {  	_ =	swait.ge [sflag:s20], $0x4000  }
0x59: {  	[sflag:s20] =	ssyncset.done $0x0  }
0x5a: {  	[sflag:s20] =	ssyncadd.s32 $0xFFFFC000  }
0x5b: {  	[spmem:s10] =	stream.linear.scatter [tilespmem:s19], [sflag:$0x3], $0x4000, $0x38;
	[tilespmem:$0x1EC00] =	vst v63  }
0x5c: {  	_ =	swait.ge [sflag:s20], $0x4000  }
0x5d: {  	[sflag:s20] =	ssyncset.done $0x0  }
0x5e: {  	[sflag:s20] =	ssyncadd.s32 $0xFFFFC000  }
0x5f: {  	[bflag:$0x0] =	sbarrier.arrive $0xFFFF  }
0x60: {  	s18 =	rddreg [dreg:$0x4]  }
0x61: {  	[tilespmem:s3], [sflag:$0x3] =	stream.linear.gather [hbm4b:s18+s3], $0x2800, $0x38;
	[tilespmem:$0x1EC00] =	vst v63  }
0x62: {  	_ =	swait.ge [sflag:s20], $0x2800  }
0x63: {  	[sflag:s20] =	ssyncset.done $0x0  }
0x64: {  	[sflag:s20] =	ssyncadd.s32 $0xFFFFD800  }
0x65: {  	[tilespmem:s19], [sflag:$0x1] =	stream.indirect.gather [hbm4b:s4+s21], $0x80, s3, s21, $0xb8;
	[tilespmem:$0x1EC00] =	vst v63  }
0x66: {  	s11 =	simm.s32 $0x0;
	s18 =	smov.u32 s12  }
0x67: {  	[tilespmem:s22], [sflag:$0x2] =	stream.indirect.gather [hbm4b:s4+s21], $0x80, s21, s21, $0xb8;
	[tilespmem:$0x1EC00] =	vst v63  }
.LBB2_2:
0x68: {  	[tilespmem:s23], [sflag:$0x3] =	stream.linear.gather [hbm4b:s18+s3], $0x400, $0x38;
	[tilespmem:$0x1EC00] =	vst v63  }
0x69: {  	_ =	swait.ge [sflag:s20], $0x400  }
0x6a: {  	[sflag:s20] =	ssyncset.done $0x0  }
0x6b: {  	[sflag:s20] =	ssyncadd.s32 $0xFFFFFC00  }
0x6c: {  	_ =	swait.ge [sflag:s24], $0x4000  }
0x6d: {  	[sflag:s24] =	ssyncset.done $0x0  }
0x6e: {  	[sflag:s24] =	ssyncadd.s32 $0xFFFFC000  }
0x6f: {  	[spmem:s2] =	stream.indirect.scatter.add.f32 [tilespmem:s19], [sflag:$0x3], $0x80, s23, s21, $0xb8;
	[tilespmem:$0x1EC00] =	vst v63  }
0x70: {  	_ =	swait.ge [sflag:s20], $0x4000  }
0x71: {  	s13 =	sshra.s32 s11, $0x2;
	[sflag:s20] =	ssyncset.done $0x0  }
0x72: {  	s14 =	sadd.s32 $0x100, s13;
	[sflag:s20] =	ssyncadd.s32 $0xFFFFC000  }
0x73: {  	[tilespmem:s19], [sflag:$0x1] =	stream.indirect.gather [hbm4b:s4+s21], $0x80, s14, s21, $0xb8;
	[tilespmem:$0x1EC00] =	vst v63  }
0x74: {  	_ =	swait.ge [sflag:s25], $0x4000  }
0x75: {  	[sflag:s25] =	ssyncset.done $0x0  }
0x76: {  	[sflag:s25] =	ssyncadd.s32 $0xFFFFC000  }
0x77: {  	[spmem:s2] =	stream.indirect.scatter.add.f32 [tilespmem:s22], [sflag:$0x3], $0x80, s26, s21, $0xb8;
	[tilespmem:$0x1EC00] =	vst v63  }
0x78: {  	_ =	swait.ge [sflag:s20], $0x4000  }
0x79: {  	[sflag:s20] =	ssyncset.done $0x0  }
0x7a: {  	s14 =	sadd.s32 $0x180, s13;
	[sflag:s20] =	ssyncadd.s32 $0xFFFFC000  }
0x7b: {  	[tilespmem:s22], [sflag:$0x2] =	stream.indirect.gather [hbm4b:s4+s21], $0x80, s14, s21, $0xb8;
	[tilespmem:$0x1EC00] =	vst v63  }
0x7c: {  	_ =	swait.ge [sflag:s24], $0x4000  }
0x7d: {  	[sflag:s24] =	ssyncset.done $0x0  }
0x7e: {  	[sflag:s24] =	ssyncadd.s32 $0xFFFFC000  }
0x7f: {  	[spmem:s2] =	stream.indirect.scatter.add.f32 [tilespmem:s19], [sflag:$0x3], $0x80, s28, s21, $0xb8;
	[tilespmem:$0x1EC00] =	vst v63  }
0x80: {  	_ =	swait.ge [sflag:s20], $0x4000  }
0x81: {  	[sflag:s20] =	ssyncset.done $0x0  }
0x82: {  	s14 =	sadd.s32 $0x200, s13;
	[sflag:s20] =	ssyncadd.s32 $0xFFFFC000  }
0x83: {  	[tilespmem:s19], [sflag:$0x1] =	stream.indirect.gather [hbm4b:s4+s21], $0x80, s14, s21, $0xb8;
	[tilespmem:$0x1EC00] =	vst v63  }
0x84: {  	_ =	swait.ge [sflag:s25], $0x4000  }
0x85: {  	[sflag:s25] =	ssyncset.done $0x0  }
0x86: {  	[sflag:s25] =	ssyncadd.s32 $0xFFFFC000  }
0x87: {  	[spmem:s2] =	stream.indirect.scatter.add.f32 [tilespmem:s22], [sflag:$0x3], $0x80, s29, s21, $0xb8;
	[tilespmem:$0x1EC00] =	vst v63  }
0x88: {  	_ =	swait.ge [sflag:s20], $0x4000  }
0x89: {  	[sflag:s20] =	ssyncset.done $0x0  }
0x8a: {  	s14 =	sadd.s32 $0x280, s13;
	[sflag:s20] =	ssyncadd.s32 $0xFFFFC000  }
0x8b: {  	[tilespmem:s22], [sflag:$0x2] =	stream.indirect.gather [hbm4b:s4+s21], $0x80, s14, s21, $0xb8;
	[tilespmem:$0x1EC00] =	vst v63  }
0x8c: {  	_ =	swait.ge [sflag:s24], $0x4000  }
0x8d: {  	[sflag:s24] =	ssyncset.done $0x0  }
0x8e: {  	[sflag:s24] =	ssyncadd.s32 $0xFFFFC000  }
0x8f: {  	[spmem:s2] =	stream.indirect.scatter.add.f32 [tilespmem:s19], [sflag:$0x3], $0x80, s30, s21, $0xb8;
	[tilespmem:$0x1EC00] =	vst v63  }
0x90: {  	_ =	swait.ge [sflag:s20], $0x4000  }
0x91: {  	[sflag:s20] =	ssyncset.done $0x0  }
0x92: {  	s14 =	sadd.s32 $0x300, s13;
	[sflag:s20] =	ssyncadd.s32 $0xFFFFC000  }
0x93: {  	[tilespmem:s19], [sflag:$0x1] =	stream.indirect.gather [hbm4b:s4+s21], $0x80, s14, s21, $0xb8;
	[tilespmem:$0x1EC00] =	vst v63  }
0x94: {  	_ =	swait.ge [sflag:s25], $0x4000  }
0x95: {  	[sflag:s25] =	ssyncset.done $0x0  }
0x96: {  	[sflag:s25] =	ssyncadd.s32 $0xFFFFC000  }
0x97: {  	[spmem:s2] =	stream.indirect.scatter.add.f32 [tilespmem:s22], [sflag:$0x3], $0x80, s31, s21, $0xb8;
	[tilespmem:$0x1EC00] =	vst v63  }
0x98: {  	_ =	swait.ge [sflag:s20], $0x4000  }
0x99: {  	[sflag:s20] =	ssyncset.done $0x0  }
0x9a: {  	s14 =	sadd.s32 $0x380, s13;
	[sflag:s20] =	ssyncadd.s32 $0xFFFFC000  }
0x9b: {  	[tilespmem:s22], [sflag:$0x2] =	stream.indirect.gather [hbm4b:s4+s21], $0x80, s14, s21, $0xb8;
	[tilespmem:$0x1EC00] =	vst v63  }
0x9c: {  	_ =	swait.ge [sflag:s24], $0x4000  }
0x9d: {  	p0 =	seq.s32 s11, $0x9000;
	[sflag:s24] =	ssyncset.done $0x0  }
.Ltmp2:
0x9e: {  	[sflag:s24] =	ssyncadd.s32 $0xFFFFC000;
	(pc) =	sbr.rel @p0 .LBB2_4-.Ltmp2, $4  }
0x9f: {  	[spmem:s2] =	stream.indirect.scatter.add.f32 [tilespmem:s19], [sflag:$0x3], $0x80, s0, s21, $0xb8;
	[tilespmem:$0x1EC00] =	vst v63  }
0xa0: {  	_ =	swait.ge [sflag:s20], $0x4000  }
0xa1: {  	[sflag:s20] =	ssyncset.done $0x0  }
0xa2: {  	[sflag:s20] =	ssyncadd.s32 $0xFFFFC000  }
0xa3: {  	s14 =	sadd.s32 $0x400, s13  }
0xa4: {  	[tilespmem:s19], [sflag:$0x1] =	stream.indirect.gather [hbm4b:s4+s21], $0x80, s14, s21, $0xb8;
	[tilespmem:$0x1EC00] =	vst v63  }
0xa5: {  	_ =	swait.ge [sflag:s25], $0x4000  }
0xa6: {  	[sflag:s25] =	ssyncset.done $0x0  }
0xa7: {  	[sflag:s25] =	ssyncadd.s32 $0xFFFFC000  }
0xa8: {  	[spmem:s2] =	stream.indirect.scatter.add.f32 [tilespmem:s22], [sflag:$0x3], $0x80, s1, s21, $0xb8;
	[tilespmem:$0x1EC00] =	vst v63  }
.Ltmp3:
0xa9: {  	_ = 	snop;
	(pc) =	sbr.rel .LBB2_2-.Ltmp3, $4  }
0xaa: {  	_ =	swait.ge [sflag:s20], $0x4000  }
0xab: {  	s18 =	sadd.s32 $0x80, s18;
	[sflag:s20] =	ssyncset.done $0x0  }
0xac: {  	s11 =	sadd.s32 $0x1000, s11;
	s14 =	sadd.s32 $0x480, s13;
	[sflag:s20] =	ssyncadd.s32 $0xFFFFC000  }
0xad: {  	[tilespmem:s22], [sflag:$0x2] =	stream.indirect.gather [hbm4b:s4+s21], $0x80, s14, s21, $0xb8;
	[tilespmem:$0x1EC00] =	vst v63  }
.LBB2_5:
0xae: {  	_ =	sfence.sel $0x180000  }
0xaf: {  	[bflag:$0x0] =	sbarrier.arrive $0xFFFF  }
0xb0: {  	_ =	strace $0x9000004D  }
0xb1: {  	s0 =	stileid.u32;
	[bflag:$0x2] =	sbarrier.arrive $0xFFFF  }
0xb2: {  	p0 =	sne.s32 s0, $0x0;
	s0 =	rddreg [dreg:$0x2]  }
0xb3: {  	s0 =	sadd.s32 @!p0 $0x100000, s0  }
0xb4: {  	[sflag:s0] =	ssyncadd.tile.s32 @!p0 $0x1;
	_ =	shalt  }
.Lfunc_end2:
_tile_overlayer_lowered:
.L_overlay_start_2:
0xb5: {  	(tag) =	ssettag $0x2  }
0xb6: {  	s0 =	rddreg [dreg:$0x0];
	s2 =	stileid.u32  }
0xb7: {  	s1 =	rddreg [dreg:$0x1];
	p0 =	sne.s32 s2, $0x0  }
0xb8: {  	s3 =	rddreg [dreg:$0x2];
	[bflag:$0x3] =	sbarrier.arrive $0xFFFF;
	s2 =	simm.s32 @!p0 $0x1C03  }
0xb9: {  	[timem:s3], [sflag:s2] =	dma.local @!p0 [hbm:s0], s1  }
0xba: {  	s0 =	simm.s32 @!p0 $0x3  }
0xbb: {  	_ =	swait.ge @!p0 [sflag:s0], s1  }
0xbc: {  	s1 =	ssub.s32 @!p0 $0x0, s1;
	[sflag:s0] =	ssyncset.done @!p0 $0x0  }
0xbd: {  	[sflag:s0] =	ssyncadd.s32 @!p0 s1  }
0xbe: {  	[bflag:$0x3] =	sbarrier.arrive $0xFFFF  }
0xbf: {  	_ =	shalt  }

// kernel: kernel.7.cloned.1.call-start
scs
__scs_entry_jumppad:
0x0: {  	(pc) =	sbr.rel $0x88, $3  }
0x1: {  	(tag) =	ssettag $0x0;
	lr =	simm.s32 $0x1  }
0x2: {  	[smem:$0x3F92] =	sst lr;
	_ =	strace $0xD0000000  }
0x3: {  	_ = 	snop  }
0x4: {  	_ = 	snop  }
0x5: {  	_ = 	snop  }
0x6: {  	_ = 	snop  }
0x7: {  	_ = 	snop  }
__scs_overlays_trampoline_lowered:
0x8: {  	[smem:$0x3FA1] =	sst s0  }
0x9: {  	[smem:$0x3FA2] =	sst s1  }
0xa: {  	[smem:$0x3FA3] =	sst s2  }
0xb: {  	[smem:$0x3FA4] =	sst s3  }
0xc: {  	[smem:$0x3FA5] =	sst s4  }
0xd: {  	[smem:$0x3FA6] =	sst s5  }
0xe: {  	[smem:$0x3FA7] =	sst s6  }
0xf: {  	[smem:$0x3FA8] =	sst s7  }
0x10: {  	[smem:$0x3FA9] =	sst s8  }
0x11: {  	[smem:$0x3FAA] =	sst s9;
	s0 =	simm.s32 @!p0 $0x0  }
0x12: {  	s1 =	sld [smem:$0x3F90];
	s0 =	simm.s32 @p0 $0x1  }
0x13: {  	[smem:$0x3FAB] =	sst s0;
	s0 =	simm.s32 @!p1 $0x0  }
0x14: {  	s2 =	sld [smem:$0x3F8F];
	s0 =	simm.s32 @p1 $0x1  }
0x15: {  	[smem:$0x3FAC] =	sst s0;
	s0 =	simm.s32 @!p2 $0x0  }
0x16: {  	s3 =	sld [smem:$0x3FDB];
	s0 =	simm.s32 @p2 $0x1  }
0x17: {  	s4 =	simm.s32 $0x1BF5;
	[smem:$0x3FAE] =	sst s0  }
0x18: {  	s0 =	sld [smem:$0x3F91];
	_ =	swait.ge [sflag:s4], $0x0  }
0x19: {  	s7 =	sld [smem:$0x3F92]  }
0x1a: {  	s8 =	sadd.s32 $0xFFFFE003, lr  }
0x1b: {  	s9 =	sadd.s32 $0xFFFFFEF7, lr;
	s5 =	simm.s32 $0xFFFFFFFF;
	p2 =	slt.u32 s8, $0xFFFFF086  }
0x1c: {  	p1 =	slt.u32 s9, $0xF7A;
	s5 =	simm.s32 @!p2 $0x0  }
0x1d: {  	s5 =	simm.s32 @p1 $0x1;
	p0 =	seq.s32 s7, s2  }
0x1e: {  	s7 =	smul.u32 @!p0 $0xF7A, s2;
	p2 =	seq.s32 @!p0 s5, $0x0  }
0x1f: {  	s9 =	smul.u32 $0xF7A, s1;
	s8 =	simm.s32 @!p0 $0x1BF5;
	p2 =	por !p2, p0  }
0x20: {  	[sflag:s8] =	ssyncset.s32 @!p0 $0xFFFFF086;
	s6 =	sadd.s32 @!p0 s3, s7;
	s7 =	simm.s32 @!p0 $0x108  }
0x21: {  	s3 =	sadd.s32 s3, s9;
	s6 =	sadd.s32 @!p0 $0x88, s6;
	s7 =	simm.s32 @p2 $0x1082  }
0x22: {  	[simem:s7], [sflag:s8] =	dma.local @!p0 [hbm:s6], $0xF7A  }
0x23: {  	s9 =	sor.u32 $0xD0000000, s2;
	s6 =	simm.s32 $0x108;
	_ =	swait.ge @!p0 [sflag:s8], $0x0  }
0x24: {  	s3 =	sadd.s32 $0x88, s3;
	s6 =	simm.s32 @!p1 $0x1082;
	[sflag:s4] =	ssyncset.s32 $0xFFFFF086  }
0x25: {  	[simem:s6], [sflag:s4] =	dma.local [hbm:s3], $0xF7A  }
0x26: {  	[smem:$0x3F92] =	sst s1;
	(tag) =	ssettag s2;
	_ =	strace s9  }
0x27: {  	s1 =	sld [smem:$0x3FA2]  }
0x28: {  	s2 =	sld [smem:$0x3FA3]  }
0x29: {  	s4 =	sld [smem:$0x3FA5]  }
0x2a: {  	p0 =	seq.s32 s5, $0x0;
	s5 =	sld [smem:$0x3FA6]  }
0x2b: {  	s6 =	sld [smem:$0x3FA7]  }
0x2c: {  	s7 =	sld [smem:$0x3FA8]  }
0x2d: {  	s3 =	simm.s32 $0x108;
	s8 =	sld [smem:$0x3FA9]  }
0x2e: {  	s3 =	simm.s32 @!p0 $0x1082;
	s9 =	sld [smem:$0x3FAA]  }
0x2f: {  	lr =	sadd.s32 s0, s3;
	s0 =	sld [smem:$0x3FA1]  }
0x30: {  	s3 =	sld [smem:$0x3FA4]  }
0x31: {  	[smem:$0x3FAD] =	sst s10  }
0x32: {  	s10 =	sld [smem:$0x3FAB];
	_ =	sdelay $0x3  }
0x33: {  	p0 =	seq.s32 s10, $0x1;
	s10 =	sld [smem:$0x3FAD];
	_ =	sdelay $0x3  }
0x34: {  	[smem:$0x3FAD] =	sst s10  }
0x35: {  	s10 =	sld [smem:$0x3FAC];
	_ =	sdelay $0x3  }
0x36: {  	p1 =	seq.s32 s10, $0x1;
	s10 =	sld [smem:$0x3FAD];
	_ =	sdelay $0x3  }
0x37: {  	[smem:$0x3FAD] =	sst s10  }
0x38: {  	s10 =	sld [smem:$0x3FAE]  }
0x39: {  	_ = 	snop;
	(pc) =	sbr.ind lr, $3  }
0x3a: {  	_ = 	snop  }
0x3b: {  	_ = 	snop  }
0x3c: {  	p2 =	seq.s32 s10, $0x1;
	s10 =	sld [smem:$0x3FAD]  }
0x3d: {  	_ =	shalt  }
0x3e: {  	_ =	shalt  }
0x3f: {  	_ =	shalt  }
0x40: {  	_ =	shalt  }
0x41: {  	_ =	shalt  }
0x42: {  	_ =	shalt  }
0x43: {  	_ =	shalt  }
0x44: {  	_ =	shalt  }
0x45: {  	_ =	shalt  }
0x46: {  	_ =	shalt  }
0x47: {  	_ =	shalt  }
0x48: {  	_ =	shalt  }
0x49: {  	_ =	shalt  }
0x4a: {  	_ =	shalt  }
0x4b: {  	_ =	shalt  }
0x4c: {  	_ =	shalt  }
0x4d: {  	_ =	shalt  }
0x4e: {  	_ =	shalt  }
0x4f: {  	_ =	shalt  }
0x50: {  	_ =	shalt  }
0x51: {  	_ =	shalt  }
0x52: {  	_ =	shalt  }
0x53: {  	_ =	shalt  }
0x54: {  	_ =	shalt  }
0x55: {  	_ =	shalt  }
0x56: {  	_ =	shalt  }
0x57: {  	_ =	shalt  }
0x58: {  	_ =	shalt  }
0x59: {  	_ =	shalt  }
0x5a: {  	_ =	shalt  }
0x5b: {  	_ =	shalt  }
0x5c: {  	_ =	shalt  }
0x5d: {  	_ =	shalt  }
0x5e: {  	_ =	shalt  }
0x5f: {  	_ =	shalt  }
0x60: {  	_ =	shalt  }
0x61: {  	_ =	shalt  }
0x62: {  	_ =	shalt  }
0x63: {  	_ =	shalt  }
0x64: {  	_ =	shalt  }
0x65: {  	_ =	shalt  }
0x66: {  	_ =	shalt  }
0x67: {  	_ =	shalt  }
0x68: {  	_ =	shalt  }
0x69: {  	_ =	shalt  }
0x6a: {  	_ =	shalt  }
0x6b: {  	_ =	shalt  }
0x6c: {  	_ =	shalt  }
0x6d: {  	_ =	shalt  }
0x6e: {  	_ =	shalt  }
0x6f: {  	_ =	shalt  }
0x70: {  	_ =	shalt  }
0x71: {  	_ =	shalt  }
0x72: {  	_ =	shalt  }
0x73: {  	_ =	shalt  }
0x74: {  	_ =	shalt  }
0x75: {  	_ =	shalt  }
0x76: {  	_ =	shalt  }
0x77: {  	_ =	shalt  }
0x78: {  	_ =	shalt  }
0x79: {  	_ =	shalt  }
0x7a: {  	_ =	shalt  }
0x7b: {  	_ =	shalt  }
0x7c: {  	_ =	shalt  }
0x7d: {  	_ =	shalt  }
0x7e: {  	_ =	shalt  }
0x7f: {  	_ =	shalt  }
0x80: {  	_ =	shalt  }
0x81: {  	_ =	shalt  }
0x82: {  	_ =	shalt  }
0x83: {  	_ =	shalt  }
0x84: {  	_ =	shalt  }
0x85: {  	_ =	shalt  }
0x86: {  	_ =	shalt  }
0x87: {  	_ =	shalt  }
.Lfunc_end0:
.L_simem_size_0:
called_computation_lowered:
.L_overlay_start_0:
0x88: {  	s2 =	sld [smem:$0x3FD9]  }
0x89: {  	s3 =	sld [smem:$0x3FFE];
	_ =	sdelay $0x1  }
0x8a: {  	s1 =	srdreg.scid  }
0x8b: {  	s0 =	sand.u32 $0x1, s1  }
0x8c: {  	s17 =	sshll.u32 s0, $0xA;
	s2 =	sadd.s32 s3, s2  }
0x8d: {  	s2 =	sadd.s32 s2, s17  }
0x8e: {  	[smem:$0x3FB9] =	sst s2  }
0x8f: {  	_ = 	snop  }
0x90: {  	(tm) =	ssettm $0x1  }
0x91: {  	s18 =	sld [smem:$0x3FFB];
	_ =	sdelay $0x3  }
0x92: {  	_ =	strace s18  }
0x93: {  	s2 =	sld [smem:$0x3FFC];
	_ =	sdelay $0x3  }
0x94: {  	_ =	strace s2  }
0x95: {  	s2 =	sld [smem:$0x3FFD];
	_ =	sdelay $0x3  }
0x96: {  	_ =	strace s2  }
0x97: {  	_ =	strace $0x8FFFFFFF  }
0x98: {  	s19 =	sld [smem:$0x3FDB];
	_ =	sdelay $0x1  }
0x99: {  	s20 =	simm.s32 $_scs_section_size  }
0x9a: {  	s4 =	simm.s32 $_size__tile_overlayer_lowered;
	s5 =	simm.s32 $_tile_overlayer_lowered  }
0x9b: {  	s6 =	simm.s32 $0x1BFF;
	s21 =	sshll.u32 s5, $0x1;
	s3 =	sadd.s32 s20, s19  }
0x9c: {  	s22 =	simm.s32 $0x0;
	s4 =	sshll.u32 s4, $0x1;
	s5 =	sadd.s32 s21, s3  }
0x9d: {  	[timem:s22], [sflag:s6] =	dma.local [hbm:s5], s4  }
0x9e: {  	_ =	swait.ge [sflag:s6], s4  }
0x9f: {  	s4 =	ssub.s32 $0x0, s4;
	[sflag:s6] =	ssyncset.done $0x0  }
0xa0: {  	[sflag:s6] =	ssyncadd.s32 s4;
	_ =	sdelay $0x1  }
0xa1: {  	s23 =	simm.s32 $0x1B8B  }
0xa2: {  	_ =	swait.ge [sflag:s23], $0x1  }
0xa3: {  	[sflag:s23] =	ssyncset.done $0x0  }
0xa4: {  	[sflag:s23] =	ssyncadd.s32 $0xFFFFFFFF  }
0xa5: {  	s4 =	sld [smem:$0x0]  }
0xa6: {  	s5 =	sand.u32 $0xFFFFFFFE, s1  }
0xa7: {  	p0 =	sne.s32 s1, s5  }
0xa8: {  	s5 =	sshll.u32 @p0 s5, $0xE  }
0xa9: {  	s5 =	sadd.s32 @p0 $0x11B8D, s5;
	s6 =	sshll.u32 @p0 s4, $0x11  }
0xaa: {  	s5 =	sor.u32 @p0 s6, s5  }
0xab: {  	[sflag:s5] =	ssyncadd.remote.s32 @p0 $0x1;
	_ =	sdelay $0x1  }
0xac: {  	s5 =	simm.s32 @p0 $0x1B8D  }
0xad: {  	_ =	swait.eq @p0 [sflag:s5], $0x1  }
0xae: {  	[sflag:s5] =	ssyncadd.s32 @p0 $0xFFFFFFFF  }
0xaf: {  	s6 =	sshll.u32 @!p0 s1, $0xE  }
0xb0: {  	s6 =	sor.u32 @!p0 $0x4000, s6;
	s5 =	simm.s32 @!p0 $0x1B8D  }
0xb1: {  	s4 =	sshll.u32 @!p0 s4, $0x11;
	s6 =	sadd.s32 @!p0 $0x11B8D, s6;
	_ =	swait.eq @!p0 [sflag:s5], $0x1  }
0xb2: {  	s4 =	sor.u32 @!p0 s4, s6;
	[sflag:s5] =	ssyncadd.s32 @!p0 $0xFFFFFFFF  }
0xb3: {  	s25 =	simm.s32 $0x1B8E;
	s24 =	sld [smem:$0x3FFE];
	[sflag:s4] =	ssyncadd.remote.s32 @!p0 $0x1  }
0xb4: {  	s26 =	simm.s32 $execute0_lowered;
	[smem:$0x3FD2] =	sst s25  }
0xb5: {  	s5 =	sshll.u32 s26, $0x1;
	_ =	strace $0x80000049;
	[dreg:$0x1] =	wrdreg $0xFFFFFFFF  }
0xb6: {  	s28 =	simm.s32 $_size_execute0_lowered;
	s3 =	sadd.s32 s3, s5;
	[dreg:$0x0] =	wrdreg $0x0  }
0xb7: {  	s5 =	sshll.u32 s28, $0x1;
	[dreg:$0x2] =	wrdreg s3  }
0xb8: {  	[dreg:$0x3] =	wrdreg s5  }
0xb9: {  	[dreg:$0x4] =	wrdreg $0xC0  }
0xba: {  	_ =	task [dreg:s22], $0x5FFFF  }
0xbb: {  	[dreg:$0x1] =	wrdreg $0xFFFFFFFF  }
0xbc: {  	[dreg:$0x0] =	wrdreg $0x60  }
0xbd: {  	[dreg:$0x2] =	wrdreg s24  }
0xbe: {  	[dreg:$0x3] =	wrdreg $0x84000  }
0xbf: {  	[dreg:$0x4] =	wrdreg $0x9  }
0xc0: {  	_ =	task.clear_ibuf [dreg:s22], $0x5FFFF;
	_ =	strace $0x90000049  }
0xc1: {  	s29 =	simm.s32 $0x9;
	_ =	strace $0x8000004B  }
0xc2: {  	_ =	swait.ge [sflag:s29], $0x1  }
0xc3: {  	[sflag:s29] =	ssyncadd.s32 $0xFFFFFFFF  }
0xc4: {  	_ =	strace $0x9000004B  }
0xc5: {  	_ =	sfence  }
0xc6: {  	s30 =	sld [smem:$0x0];
	_ =	sdelay $0x2  }
0xc7: {  	s31 =	sshll.u32 s1, $0xD;
	s1 =	sshrl.u32 s1, $0x2  }
0xc8: {  	s4 =	sand.u32 $0x4000, s31;
	s1 =	sadd.s32 s1, s30  }
0xc9: {  	s0 =	sor.u32 s4, s0;
	s1 =	sshll.u32 s1, $0x11  }
0xca: {  	s0 =	sor.u32 s1, s0  }
0xcb: {  	s0 =	sadd.s32 $0x8F2B, s0  }
0xcc: {  	[sflag:s0] =	ssyncadd.remote.s32 $0x1  }
0xcd: {  	_ =	sfence.sel $0xFFFF  }
0xce: {  	[dreg:$0x0] =	wrdreg $0xFFFFFFFF;
	(pc) =	sbr.abs _section_cstart, $3  }
0xcf: {  	[dreg:$0x1] =	wrdreg $0xFFFFFFFF  }
0xd0: {  	_ =	task.clear_ibuf [dreg:s22], $0x2FFFF;
	_ =	strace $0x9FFFFFFF  }
0xd1: {  	(tm) =	ssettm $0x7FFFFFFF  }
tec
execute0_lowered:
.L_overlay_start_1:
0x0: {  	(tag) =	ssettag $0x1  }
0x1: {  	s0 =	srdreg.scid  }
0x2: {  	s1 =	rddreg [dreg:$0x0];
	s25 =	stileid.u32  }
0x3: {  	s2 =	rddreg [dreg:$0x1];
	s3 =	simm.s32 $0x0;
	s18 =	simm.s32 $0x400  }
0x4: {  	s19 =	simm.s32 $0x1;
	s20 =	simm.s32 $0x4400;
	s21 =	simm.s32 $0x80  }
0x5: {  	s22 =	simm.s32 $0x100;
	s23 =	simm.s32 $0x180;
	s5 =	smul.u32 $0x28, s25  }
0x6: {  	s24 =	simm.s32 $0x200;
	s28 =	simm.s32 $0x380;
	s7 =	smul.u32 $0x280, s25  }
0x7: {  	s29 =	simm.s32 $0x0;
	s6 =	sand.u32 $0x1, s0;
	s9 =	smul.u32 $0x50000, s25  }
0x8: {  	[smem:$0x7FF] =	sst s3;
	s25 =	simm.s32 $0x280;
	s4 =	smul.u32 $0x280, s6  }
0x9: {  	s8 =	smul.u32 $0x2800, s6;
	_ =	strace $0x8000004A;
	s26 =	ssub.s32 $0x2, s6  }
0xa: {  	s30 =	sshrl.u32 s9, $0x2;
	s31 =	sshrl.u32 s26, $0x1;
	s4 =	sadd.s32 s5, s4  }
0xb: {  	s5 =	sadd.s32 $0xB3200, s1;
	s7 =	sadd.s32 s7, s8;
	s6 =	sadd.s32 s30, s2  }
0xc: {  	s16 =	ssub.s32 s26, s31;
	s26 =	simm.s32 $0x300;
	s4 =	sshll.u32 s4, $0x4  }
0xd: {  	s7 =	sshll.u32 s7, $0x4;
	s8 =	sadd.s32 $0x8000, s6;
	s9 =	sadd.s32 $0xC000, s6  }
0xe: {  	s10 =	sadd.s32 $0x10000, s6;
	s16 =	smax.u32 s16, $0x1;
	s17 =	sadd.s32 s4, s1  }
0xf: {  	s4 =	sadd.s32 $0x62A00, s1;
	s1 =	sadd.s32 s7, s1;
	s7 =	sadd.s32 $0x4000, s6  }
0x10: {  	s11 =	sadd.s32 $0xB3A00, s1;
	s12 =	sadd.s32 $0xB4200, s1;
	s13 =	sadd.s32 $0xB4A00, s1  }
0x11: {  	s14 =	sadd.s32 $0xB5200, s1;
	s15 =	sadd.s32 $0xB5A00, s1;
	s17 =	sadd.s32 $0x3A00, s17  }
.LBB2_1:
0x12: {  	[tilespmem:s18], [sflag:$0x1] =	stream.linear.gather [hbm4b:s5+s3], $0x4000, $0x38;
	[tilespmem:$0x1C400] =	vst v63  }
0x13: {  	_ =	swait.ge [sflag:s19], $0x4000  }
0x14: {  	[sflag:s19] =	ssyncset.done $0x0  }
0x15: {  	[sflag:s19] =	ssyncadd.s32 $0xFFFFC000  }
0x16: {  	[tilespmem:s20], [sflag:$0x1] =	stream.linear.gather [hbm4b:s4+s3], $0x4000, $0x38;
	[tilespmem:$0x1C400] =	vst v63  }
0x17: {  	_ =	swait.ge [sflag:s19], $0x4000  }
0x18: {  	[sflag:s19] =	ssyncset.done $0x0  }
0x19: {  	[sflag:s19] =	ssyncadd.s32 $0xFFFFC000  }
0x1a: {  	[spmem:s6] =	stream.linear.scatter [tilespmem:s20], [sflag:$0x1], $0x4000, $0x38;
	[tilespmem:$0x1C400] =	vst v63  }
0x1b: {  	_ =	swait.ge [sflag:s19], $0x4000  }
0x1c: {  	[sflag:s19] =	ssyncset.done $0x0  }
0x1d: {  	[sflag:s19] =	ssyncadd.s32 $0xFFFFC000  }
0x1e: {  	[spmem:s7] =	stream.linear.scatter [tilespmem:s20], [sflag:$0x1], $0x4000, $0x38;
	[tilespmem:$0x1C400] =	vst v63  }
0x1f: {  	_ =	swait.ge [sflag:s19], $0x4000  }
0x20: {  	[sflag:s19] =	ssyncset.done $0x0  }
0x21: {  	[sflag:s19] =	ssyncadd.s32 $0xFFFFC000  }
0x22: {  	[spmem:s8] =	stream.linear.scatter [tilespmem:s20], [sflag:$0x1], $0x4000, $0x38;
	[tilespmem:$0x1C400] =	vst v63  }
0x23: {  	_ =	swait.ge [sflag:s19], $0x4000  }
0x24: {  	[sflag:s19] =	ssyncset.done $0x0  }
0x25: {  	[sflag:s19] =	ssyncadd.s32 $0xFFFFC000  }
0x26: {  	[spmem:s9] =	stream.linear.scatter [tilespmem:s20], [sflag:$0x1], $0x4000, $0x38;
	[tilespmem:$0x1C400] =	vst v63  }
0x27: {  	_ =	swait.ge [sflag:s19], $0x4000  }
0x28: {  	[sflag:s19] =	ssyncset.done $0x0  }
0x29: {  	[sflag:s19] =	ssyncadd.s32 $0xFFFFC000  }
0x2a: {  	[spmem:s10] =	stream.linear.scatter [tilespmem:s20], [sflag:$0x1], $0x4000, $0x38;
	[tilespmem:$0x1C400] =	vst v63  }
0x2b: {  	_ =	swait.ge [sflag:s19], $0x4000  }
0x2c: {  	[sflag:s19] =	ssyncset.done $0x0  }
0x2d: {  	[sflag:s19] =	ssyncadd.s32 $0xFFFFC000  }
0x2e: {  	s1 =	sadd.s32 $0x0, s17;
	[bflag:$0x0] =	sbarrier.arrive $0xFFFF  }
0x2f: {  	[tilespmem:s3], [sflag:$0x1] =	stream.linear.gather [hbm4b:s1+s3], $0x400, $0x38;
	[tilespmem:$0x1C400] =	vst v63  }
0x30: {  	_ =	swait.ge [sflag:s19], $0x400  }
0x31: {  	[sflag:s19] =	ssyncset.done $0x0  }
0x32: {  	[sflag:s19] =	ssyncadd.s32 $0xFFFFFC00  }
0x33: {  	[spmem:s2] =	stream.indirect.scatter.add.f32 [tilespmem:s18], [sflag:$0x1], $0x80, s3, s21, $0xb8;
	[tilespmem:$0x1C400] =	vst v63  }
0x34: {  	_ =	swait.ge [sflag:s19], $0x4000  }
0x35: {  	[sflag:s19] =	ssyncset.done $0x0  }
0x36: {  	[sflag:s19] =	ssyncadd.s32 $0xFFFFC000  }
0x37: {  	[spmem:s2] =	stream.indirect.scatter.add.f32 [tilespmem:s18], [sflag:$0x1], $0x80, s21, s21, $0xb8;
	[tilespmem:$0x1C400] =	vst v63  }
0x38: {  	_ =	swait.ge [sflag:s19], $0x4000  }
0x39: {  	[sflag:s19] =	ssyncset.done $0x0  }
0x3a: {  	[sflag:s19] =	ssyncadd.s32 $0xFFFFC000  }
0x3b: {  	[spmem:s2] =	stream.indirect.scatter.add.f32 [tilespmem:s18], [sflag:$0x1], $0x80, s22, s21, $0xb8;
	[tilespmem:$0x1C400] =	vst v63  }
0x3c: {  	_ =	swait.ge [sflag:s19], $0x4000  }
0x3d: {  	[sflag:s19] =	ssyncset.done $0x0  }
0x3e: {  	[sflag:s19] =	ssyncadd.s32 $0xFFFFC000  }
0x3f: {  	[spmem:s2] =	stream.indirect.scatter.add.f32 [tilespmem:s18], [sflag:$0x1], $0x80, s23, s21, $0xb8;
	[tilespmem:$0x1C400] =	vst v63  }
0x40: {  	_ =	swait.ge [sflag:s19], $0x4000  }
0x41: {  	[sflag:s19] =	ssyncset.done $0x0  }
0x42: {  	[sflag:s19] =	ssyncadd.s32 $0xFFFFC000  }
0x43: {  	[spmem:s2] =	stream.indirect.scatter.add.f32 [tilespmem:s18], [sflag:$0x1], $0x80, s24, s21, $0xb8;
	[tilespmem:$0x1C400] =	vst v63  }
0x44: {  	_ =	swait.ge [sflag:s19], $0x4000  }
0x45: {  	[sflag:s19] =	ssyncset.done $0x0  }
0x46: {  	[sflag:s19] =	ssyncadd.s32 $0xFFFFC000  }
0x47: {  	[spmem:s2] =	stream.indirect.scatter.add.f32 [tilespmem:s18], [sflag:$0x1], $0x80, s25, s21, $0xb8;
	[tilespmem:$0x1C400] =	vst v63  }
0x48: {  	_ =	swait.ge [sflag:s19], $0x4000  }
0x49: {  	[sflag:s19] =	ssyncset.done $0x0  }
0x4a: {  	[sflag:s19] =	ssyncadd.s32 $0xFFFFC000  }
0x4b: {  	[spmem:s2] =	stream.indirect.scatter.add.f32 [tilespmem:s18], [sflag:$0x1], $0x80, s26, s21, $0xb8;
	[tilespmem:$0x1C400] =	vst v63  }
0x4c: {  	_ =	swait.ge [sflag:s19], $0x4000  }
0x4d: {  	[sflag:s19] =	ssyncset.done $0x0  }
0x4e: {  	[sflag:s19] =	ssyncadd.s32 $0xFFFFC000  }
0x4f: {  	[spmem:s2] =	stream.indirect.scatter.add.f32 [tilespmem:s18], [sflag:$0x1], $0x80, s28, s21, $0xb8;
	[tilespmem:$0x1C400] =	vst v63  }
0x50: {  	_ =	swait.ge [sflag:s19], $0x4000  }
0x51: {  	s30 =	simm.s32 $0x80;
	s31 =	simm.s32 $0x100;
	[sflag:s19] =	ssyncset.done $0x0  }
.LBB2_2:
0x52: {  	s0 =	sadd.s32 s30, s17  }
0x53: {  	[sflag:s19] =	ssyncadd.s32 $0xFFFFC000;
	s30 =	smov.u32 s31;
	s1 =	sadd.s32 $0x80, s31  }
0x54: {  	[tilespmem:s3], [sflag:$0x1] =	stream.linear.gather [hbm4b:s0+s3], $0x400, $0x38;
	[tilespmem:$0x1C400] =	vst v63  }
0x55: {  	p0 =	sne.s32 s31, $0x200;
	_ =	swait.ge [sflag:s19], $0x400  }
0x56: {  	[sflag:s19] =	ssyncset.done $0x0  }
0x57: {  	[sflag:s19] =	ssyncadd.s32 $0xFFFFFC00  }
0x58: {  	[spmem:s2] =	stream.indirect.scatter.add.f32 [tilespmem:s18], [sflag:$0x1], $0x80, s3, s21, $0xb8;
	[tilespmem:$0x1C400] =	vst v63  }
0x59: {  	_ =	swait.ge [sflag:s19], $0x4000  }
0x5a: {  	[sflag:s19] =	ssyncset.done $0x0  }
0x5b: {  	[sflag:s19] =	ssyncadd.s32 $0xFFFFC000  }
0x5c: {  	[spmem:s2] =	stream.indirect.scatter.add.f32 [tilespmem:s18], [sflag:$0x1], $0x80, s21, s21, $0xb8;
	[tilespmem:$0x1C400] =	vst v63  }
0x5d: {  	_ =	swait.ge [sflag:s19], $0x4000  }
0x5e: {  	[sflag:s19] =	ssyncset.done $0x0  }
0x5f: {  	[sflag:s19] =	ssyncadd.s32 $0xFFFFC000  }
0x60: {  	[spmem:s2] =	stream.indirect.scatter.add.f32 [tilespmem:s18], [sflag:$0x1], $0x80, s22, s21, $0xb8;
	[tilespmem:$0x1C400] =	vst v63  }
0x61: {  	_ =	swait.ge [sflag:s19], $0x4000  }
0x62: {  	[sflag:s19] =	ssyncset.done $0x0  }
0x63: {  	[sflag:s19] =	ssyncadd.s32 $0xFFFFC000  }
0x64: {  	[spmem:s2] =	stream.indirect.scatter.add.f32 [tilespmem:s18], [sflag:$0x1], $0x80, s23, s21, $0xb8;
	[tilespmem:$0x1C400] =	vst v63  }
0x65: {  	_ =	swait.ge [sflag:s19], $0x4000  }
0x66: {  	[sflag:s19] =	ssyncset.done $0x0  }
0x67: {  	[sflag:s19] =	ssyncadd.s32 $0xFFFFC000  }
0x68: {  	[spmem:s2] =	stream.indirect.scatter.add.f32 [tilespmem:s18], [sflag:$0x1], $0x80, s24, s21, $0xb8;
	[tilespmem:$0x1C400] =	vst v63  }
0x69: {  	_ =	swait.ge [sflag:s19], $0x4000  }
0x6a: {  	[sflag:s19] =	ssyncset.done $0x0  }
0x6b: {  	[sflag:s19] =	ssyncadd.s32 $0xFFFFC000  }
0x6c: {  	[spmem:s2] =	stream.indirect.scatter.add.f32 [tilespmem:s18], [sflag:$0x1], $0x80, s25, s21, $0xb8;
	[tilespmem:$0x1C400] =	vst v63  }
0x6d: {  	_ =	swait.ge [sflag:s19], $0x4000  }
0x6e: {  	[sflag:s19] =	ssyncset.done $0x0  }
0x6f: {  	[sflag:s19] =	ssyncadd.s32 $0xFFFFC000  }
0x70: {  	[spmem:s2] =	stream.indirect.scatter.add.f32 [tilespmem:s18], [sflag:$0x1], $0x80, s26, s21, $0xb8;
	[tilespmem:$0x1C400] =	vst v63  }
0x71: {  	_ =	swait.ge [sflag:s19], $0x4000  }
.Ltmp0:
0x72: {  	[sflag:s19] =	ssyncset.done $0x0;
	(pc) =	sbr.rel @p0 .LBB2_2-.Ltmp0, $4  }
0x73: {  	[sflag:s19] =	ssyncadd.s32 $0xFFFFC000  }
0x74: {  	[spmem:s2] =	stream.indirect.scatter.add.f32 [tilespmem:s18], [sflag:$0x1], $0x80, s28, s21, $0xb8;
	[tilespmem:$0x1C400] =	vst v63  }
0x75: {  	_ =	swait.ge [sflag:s19], $0x4000  }
0x76: {  	s31 =	smov.u32 s1;
	[sflag:s19] =	ssyncset.done $0x0  }
0x77: {  	s0 =	sadd.s32 s30, s17;
	[sflag:s19] =	ssyncadd.s32 $0xFFFFC000  }
0x78: {  	[tilespmem:s3], [sflag:$0x1] =	stream.linear.gather [hbm4b:s0+s3], $0x400, $0x38;
	[tilespmem:$0x1C400] =	vst v63  }
0x79: {  	_ =	swait.ge [sflag:s19], $0x400  }
0x7a: {  	[sflag:s19] =	ssyncset.done $0x0  }
0x7b: {  	[sflag:s19] =	ssyncadd.s32 $0xFFFFFC00  }
0x7c: {  	[spmem:s2] =	stream.indirect.scatter.add.f32 [tilespmem:s18], [sflag:$0x1], $0x80, s3, s21, $0xb8;
	[tilespmem:$0x1C400] =	vst v63  }
0x7d: {  	_ =	swait.ge [sflag:s19], $0x4000  }
0x7e: {  	[sflag:s19] =	ssyncset.done $0x0  }
0x7f: {  	[sflag:s19] =	ssyncadd.s32 $0xFFFFC000  }
0x80: {  	[spmem:s2] =	stream.indirect.scatter.add.f32 [tilespmem:s18], [sflag:$0x1], $0x80, s21, s21, $0xb8;
	[tilespmem:$0x1C400] =	vst v63  }
0x81: {  	_ =	swait.ge [sflag:s19], $0x4000  }
0x82: {  	[sflag:s19] =	ssyncset.done $0x0  }
0x83: {  	[sflag:s19] =	ssyncadd.s32 $0xFFFFC000  }
0x84: {  	[spmem:s2] =	stream.indirect.scatter.add.f32 [tilespmem:s18], [sflag:$0x1], $0x80, s22, s21, $0xb8;
	[tilespmem:$0x1C400] =	vst v63  }
0x85: {  	_ =	swait.ge [sflag:s19], $0x4000  }
0x86: {  	[sflag:s19] =	ssyncset.done $0x0  }
0x87: {  	[sflag:s19] =	ssyncadd.s32 $0xFFFFC000  }
0x88: {  	[spmem:s2] =	stream.indirect.scatter.add.f32 [tilespmem:s18], [sflag:$0x1], $0x80, s23, s21, $0xb8;
	[tilespmem:$0x1C400] =	vst v63  }
0x89: {  	_ =	swait.ge [sflag:s19], $0x4000  }
0x8a: {  	[sflag:s19] =	ssyncset.done $0x0  }
0x8b: {  	[sflag:s19] =	ssyncadd.s32 $0xFFFFC000  }
0x8c: {  	[spmem:s2] =	stream.indirect.scatter.add.f32 [tilespmem:s18], [sflag:$0x1], $0x80, s24, s21, $0xb8;
	[tilespmem:$0x1C400] =	vst v63  }
0x8d: {  	_ =	swait.ge [sflag:s19], $0x4000  }
0x8e: {  	[sflag:s19] =	ssyncset.done $0x0  }
0x8f: {  	[sflag:s19] =	ssyncadd.s32 $0xFFFFC000  }
0x90: {  	[spmem:s2] =	stream.indirect.scatter.add.f32 [tilespmem:s18], [sflag:$0x1], $0x80, s25, s21, $0xb8;
	[tilespmem:$0x1C400] =	vst v63  }
0x91: {  	_ =	swait.ge [sflag:s19], $0x4000  }
0x92: {  	[sflag:s19] =	ssyncset.done $0x0  }
0x93: {  	[sflag:s19] =	ssyncadd.s32 $0xFFFFC000  }
0x94: {  	[spmem:s2] =	stream.indirect.scatter.add.f32 [tilespmem:s18], [sflag:$0x1], $0x80, s26, s21, $0xb8;
	[tilespmem:$0x1C400] =	vst v63  }
0x95: {  	_ =	swait.ge [sflag:s19], $0x4000  }
0x96: {  	[sflag:s19] =	ssyncset.done $0x0  }
0x97: {  	[sflag:s19] =	ssyncadd.s32 $0xFFFFC000  }
0x98: {  	[spmem:s2] =	stream.indirect.scatter.add.f32 [tilespmem:s18], [sflag:$0x1], $0x80, s28, s21, $0xb8;
	[tilespmem:$0x1C400] =	vst v63  }
0x99: {  	_ =	swait.ge [sflag:s19], $0x4000  }
0x9a: {  	[sflag:s19] =	ssyncset.done $0x0  }
0x9b: {  	[sflag:s19] =	ssyncadd.s32 $0xFFFFC000  }
0x9c: {  	[bflag:$0x0] =	sbarrier.arrive $0xFFFF  }
0x9d: {  	[tilespmem:s20], [sflag:$0x1] =	stream.linear.gather [spmem:s6], $0x4000, $0x38;
	[tilespmem:$0x1C400] =	vst v63  }
0x9e: {  	_ =	swait.ge [sflag:s19], $0x4000  }
0x9f: {  	[sflag:s19] =	ssyncset.done $0x0  }
0xa0: {  	[sflag:s19] =	ssyncadd.s32 $0xFFFFC000  }
0xa1: {  	[hbm4b:s11+s3] =	stream.linear.scatter [tilespmem:s20], [sflag:$0x1], $0x4000, $0x38;
	[tilespmem:$0x1C400] =	vst v63  }
0xa2: {  	_ =	swait.ge [sflag:s19], $0x4000  }
0xa3: {  	[sflag:s19] =	ssyncset.done $0x0  }
0xa4: {  	[sflag:s19] =	ssyncadd.s32 $0xFFFFC000  }
0xa5: {  	[tilespmem:s20], [sflag:$0x1] =	stream.linear.gather [spmem:s7], $0x4000, $0x38;
	[tilespmem:$0x1C400] =	vst v63  }
0xa6: {  	_ =	swait.ge [sflag:s19], $0x4000  }
0xa7: {  	[sflag:s19] =	ssyncset.done $0x0  }
0xa8: {  	[sflag:s19] =	ssyncadd.s32 $0xFFFFC000  }
0xa9: {  	[hbm4b:s12+s3] =	stream.linear.scatter [tilespmem:s20], [sflag:$0x1], $0x4000, $0x38;
	[tilespmem:$0x1C400] =	vst v63  }
0xaa: {  	_ =	swait.ge [sflag:s19], $0x4000  }
0xab: {  	[sflag:s19] =	ssyncset.done $0x0  }
0xac: {  	[sflag:s19] =	ssyncadd.s32 $0xFFFFC000  }
0xad: {  	[tilespmem:s20], [sflag:$0x1] =	stream.linear.gather [spmem:s8], $0x4000, $0x38;
	[tilespmem:$0x1C400] =	vst v63  }
0xae: {  	_ =	swait.ge [sflag:s19], $0x4000  }
0xaf: {  	[sflag:s19] =	ssyncset.done $0x0  }
0xb0: {  	[sflag:s19] =	ssyncadd.s32 $0xFFFFC000  }
0xb1: {  	[hbm4b:s13+s3] =	stream.linear.scatter [tilespmem:s20], [sflag:$0x1], $0x4000, $0x38;
	[tilespmem:$0x1C400] =	vst v63  }
0xb2: {  	_ =	swait.ge [sflag:s19], $0x4000  }
0xb3: {  	[sflag:s19] =	ssyncset.done $0x0  }
0xb4: {  	[sflag:s19] =	ssyncadd.s32 $0xFFFFC000  }
0xb5: {  	[tilespmem:s20], [sflag:$0x1] =	stream.linear.gather [spmem:s9], $0x4000, $0x38;
	[tilespmem:$0x1C400] =	vst v63  }
0xb6: {  	_ =	swait.ge [sflag:s19], $0x4000  }
0xb7: {  	[sflag:s19] =	ssyncset.done $0x0  }
0xb8: {  	[sflag:s19] =	ssyncadd.s32 $0xFFFFC000  }
0xb9: {  	[hbm4b:s14+s3] =	stream.linear.scatter [tilespmem:s20], [sflag:$0x1], $0x4000, $0x38;
	[tilespmem:$0x1C400] =	vst v63  }
0xba: {  	_ =	swait.ge [sflag:s19], $0x4000  }
0xbb: {  	[sflag:s19] =	ssyncset.done $0x0  }
0xbc: {  	[sflag:s19] =	ssyncadd.s32 $0xFFFFC000  }
0xbd: {  	[tilespmem:s20], [sflag:$0x1] =	stream.linear.gather [spmem:s10], $0x4000, $0x38;
	[tilespmem:$0x1C400] =	vst v63  }
0xbe: {  	s29 =	sadd.s32 $0x1, s29;
	_ =	swait.ge [sflag:s19], $0x4000  }
0xbf: {  	p0 =	sne.s32 s29, s16;
	[sflag:s19] =	ssyncset.done $0x0  }
.Ltmp1:
0xc0: {  	[sflag:s19] =	ssyncadd.s32 $0xFFFFC000;
	(pc) =	sbr.rel @p0 .LBB2_1-.Ltmp1, $4  }
0xc1: {  	[hbm4b:s15+s3] =	stream.linear.scatter [tilespmem:s20], [sflag:$0x1], $0x4000, $0x38;
	[tilespmem:$0x1C400] =	vst v63  }
0xc2: {  	_ =	swait.ge [sflag:s19], $0x4000  }
0xc3: {  	[sflag:s19] =	ssyncset.done $0x0  }
0xc4: {  	[sflag:s19] =	ssyncadd.s32 $0xFFFFC000  }
0xc5: {  	_ =	sfence.sel $0x180000  }
0xc6: {  	[bflag:$0x0] =	sbarrier.arrive $0xFFFF  }
0xc7: {  	_ =	strace $0x9000004A  }
0xc8: {  	s0 =	stileid.u32;
	[bflag:$0x2] =	sbarrier.arrive $0xFFFF  }
0xc9: {  	p0 =	sne.s32 s0, $0x0;
	s0 =	rddreg [dreg:$0x2]  }
0xca: {  	s0 =	sadd.s32 @!p0 $0x100000, s0  }
0xcb: {  	[sflag:s0] =	ssyncadd.tile.s32 @!p0 $0x1;
	_ =	shalt  }
.Lfunc_end2:
_tile_overlayer_lowered:
.L_overlay_start_2:
0xcc: {  	(tag) =	ssettag $0x2  }
0xcd: {  	s0 =	rddreg [dreg:$0x0];
	s2 =	stileid.u32  }
0xce: {  	s1 =	rddreg [dreg:$0x1];
	p0 =	sne.s32 s2, $0x0  }
0xcf: {  	s3 =	rddreg [dreg:$0x2];
	[bflag:$0x3] =	sbarrier.arrive $0xFFFF;
	s2 =	simm.s32 @!p0 $0x1C01  }
0xd0: {  	[timem:s3], [sflag:s2] =	dma.local @!p0 [hbm:s0], s1  }
0xd1: {  	s0 =	simm.s32 @!p0 $0x1  }
0xd2: {  	_ =	swait.ge @!p0 [sflag:s0], s1  }
0xd3: {  	s1 =	ssub.s32 @!p0 $0x0, s1;
	[sflag:s0] =	ssyncset.done @!p0 $0x0  }
0xd4: {  	[sflag:s0] =	ssyncadd.s32 @!p0 s1  }
0xd5: {  	[bflag:$0x3] =	sbarrier.arrive $0xFFFF  }
0xd6: {  	_ =	shalt  }

</sc_bundles>
